<compile_context>
chip_gen: v7x
topology: tpu7x:2x2x1
jax: 0.10.2.dev20260603
libtpu: 0.0.44.dev20260713+nightly
codegen_flags: <defaults>
</compile_context>

<pallas_src>
import functools

import jax
import jax.numpy as jnp
from jax import lax
from jax.experimental import pallas as pl
from jax.experimental.pallas import tpu as pltpu
from jax.experimental.pallas import tpu_sc as plsc

N_NEG = 50
D = 32
L = 16
WPT = 4
CTX_SLOT = 56

_LOG1P = (
    0.9999992249459306,
    -0.4999677773260973,
    0.3328626878693824,
    -0.2465484102008357,
    0.18517671305376252,
    -0.12601773504363445,
    0.0671992182399122,
    -0.023381649402895242,
    0.003824912525210834,
)


def _softplus(x):
    u = jnp.exp(-jnp.abs(x))
    p = jnp.full((L,), _LOG1P[-1], jnp.float32)
    for c in _LOG1P[-2::-1]:
        p = p * u + c
    return jnp.maximum(x, 0.0) + p * u


def _fold(v, z):
    for s in (8, 4, 2, 1):
        z[pl.ds(0, L)] = v
        v = v + z[pl.ds(s, L)]
    return v


def _aligned(idx):
    return pl.multiple_of(idx & -128, 128)


def _pick(vec, sub, ebuf):
    ebuf[pl.ds(0, L)] = vec
    return ebuf[pl.ds(sub, L)][0]


def _sc_body(tgt_hbm, ctx_hbm, tw_hbm, cw_hbm, neg_hbm, out_hbm,
             tw_v, widx, tblk, wblks, ebuf, z, pstage, pbuf, out_v, spm, sem):
    core = lax.axis_index("c")
    sid = lax.axis_index("s")

    @pl.when(core == 0)
    def _():
        di0 = pltpu.async_copy(tw_hbm, tw_v.at[pl.ds(0, 1)], sem)
        di1 = pltpu.async_copy(neg_hbm, widx.at[pl.ds(0, N_NEG)], sem)
        di2 = pltpu.async_copy(cw_hbm, widx.at[pl.ds(CTX_SLOT, 1)], sem)
        z[pl.ds(L, L)] = jnp.zeros((L,), jnp.float32)
        di0.wait()

        it0 = tw_v[pl.ds(0, L)][0]
        copies = [pltpu.async_copy(
            tgt_hbm.at[:, pl.ds(_aligned(it0), 128)], tblk, sem)]

        di1.wait()
        di2.wait()
        wv = widx[pl.ds(sid * WPT, L)]
        slot0 = sid * WPT
        raw = [wv[j] for j in range(WPT)]
        gids = [slot0 + j for j in range(WPT)]
        valid = [(g < N_NEG) | (g == CTX_SLOT) for g in gids]
        idxs = [jnp.where(valid[j], raw[j], 0) for j in range(WPT)]

        for j in range(WPT):
            copies.append(pltpu.async_copy(
                ctx_hbm.at[:, pl.ds(_aligned(idxs[j]), 128)],
                wblks.at[j], sem))
        for c in copies:
            c.wait()

        t_off = it0 & 112
        t_sub = it0 & 15
        t_sc = [_pick(tblk[d, pl.ds(t_off, L)], t_sub, ebuf) for d in range(D)]

        lane = lax.iota(jnp.int32, L)
        xv = jnp.full((L,), -30.0, jnp.float32)
        for j in range(WPT):
            off = idxs[j] & 112
            sub = idxs[j] & 15
            acc = jnp.zeros((L,), jnp.float32)
            for d in range(D):
                acc = acc + t_sc[d] * wblks[j, d, pl.ds(off, L)]
            dot = _pick(acc, sub, ebuf)
            g = gids[j]
            x = jnp.where(g == CTX_SLOT, -dot,
                          jnp.where(g < N_NEG, dot, jnp.float32(-30.0)))
            xv = jnp.where(lane == j, x, xv)

        pstage[...] = _softplus(xv)
        pltpu.sync_copy(pstage, spm.at[sid * L + lane])
        plsc.subcore_barrier()

        @pl.when(sid == 0)
        def _():
            pltpu.sync_copy(spm, pbuf)
            total = pbuf[pl.ds(0, L)]
            for t in range(1, L):
                total = total + pbuf[pl.ds(t * L, L)]
            out_v[...] = _fold(total, z)
            pltpu.sync_copy(out_v, out_hbm)


@functools.cache
def _build():
    mesh = plsc.VectorSubcoreMesh(core_axis_name="c", subcore_axis_name="s",
                                  num_cores=1)
    return pl.kernel(
        _sc_body,
        out_type=jax.ShapeDtypeStruct((L,), jnp.float32),
        mesh=mesh,
        scratch_types=[
            pltpu.VMEM((L,), jnp.int32),
            pltpu.VMEM((5 * L,), jnp.int32),
            pltpu.VMEM((D, 128), jnp.float32),
            pltpu.VMEM((WPT, D, 128), jnp.float32),
            pltpu.VMEM((2 * L,), jnp.float32),
            pltpu.VMEM((2 * L,), jnp.float32),
            pltpu.VMEM((L,), jnp.float32),
            pltpu.VMEM((L * L,), jnp.float32),
            pltpu.VMEM((L,), jnp.float32),
            pltpu.VMEM_SHARED((L * L,), jnp.float32),
            pltpu.SemaphoreType.DMA,
        ],
        compiler_params=pltpu.CompilerParams(
            disable_bounds_checks=True,
            disable_semaphore_checks=True,
            skip_device_barrier=True,
        ),
    )


def kernel(embeddings_target, embeddings_context, target_word, context_word,
           negative_context_words):
    out = _build()(embeddings_target.T, embeddings_context.T, target_word,
                   context_word, negative_context_words)
    return out[0]

# --- scband reference (transcript-rebuilt; emitter-appended) ---
"""Pipeline reference for scband-skip-gram-model-70695161692572 (READ-ONLY COPY).

The authoritative reference and input builder live on the scoring server;
editing this copy changes nothing except your own understanding.
"""

import jax, jax.numpy as jnp
import numpy as np

V = 1000000
D = 32
N_NEG = 50


def setup_inputs(seed: int = 0) -> dict:
    key = jax.random.key(seed)
    k1, k2, k3, k4, k5 = jax.random.split(key, 5)
    embeddings_target = jax.random.normal(k1, (V, D), dtype=jnp.float32)
    embeddings_context = jax.random.normal(k2, (V, D), dtype=jnp.float32)
    target_word = jax.random.randint(k3, (1,), 0, V, dtype=jnp.int32)
    context_word = jax.random.randint(k4, (1,), 0, V, dtype=jnp.int32)
    negative_context_words = jax.random.randint(k5, (N_NEG,), 0, V, dtype=jnp.int32)
    return {
        "embeddings_target": embeddings_target,
        "embeddings_context": embeddings_context,
        "target_word": target_word,
        "context_word": context_word,
        "negative_context_words": negative_context_words,
    }


def reference(embeddings_target, embeddings_context, target_word, context_word, negative_context_words):
    # gather target / context embeddings (embedding lookup)
    emb_target = jnp.take(embeddings_target, target_word, axis=0)      # [1, D]
    emb_context = jnp.take(embeddings_context, context_word, axis=0)   # [1, D]
    # positive pair score
    emb_product = jnp.sum(emb_target * emb_context, axis=1)            # [1]
    out = jnp.sum(jax.nn.log_sigmoid(emb_product))
    # negative samples
    emb_negative = jnp.take(embeddings_context, negative_context_words, axis=0)  # [N_NEG, D]
    emb_product_neg = jnp.sum(emb_target * emb_negative, axis=1)       # [N_NEG] (broadcast over 1)
    out = out + jnp.sum(jax.nn.log_sigmoid(-emb_product_neg))
    return -out

if __name__ == "__main__":
    import jax
    _d = setup_inputs()
    print(jax.jit(kernel)(*tuple(_d.values())))

</pallas_src>

<mosaic_0001>
#map = affine_map<(d0, d1) -> (0, 0)>
#map1 = affine_map<(d0, d1) -> (0)>
module attributes {stable_mosaic.version = 14 : i64} {
  func.func @_sc_body(%arg0: i32, %arg1: i32, %arg2: memref<32x1000000xf32, #tpu.memory_space<hbm>>, %arg3: memref<32x1000000xf32, #tpu.memory_space<hbm>>, %arg4: memref<1xi32, #tpu.memory_space<hbm>>, %arg5: memref<1xi32, #tpu.memory_space<hbm>>, %arg6: memref<50xi32, #tpu.memory_space<hbm>>, %arg7: memref<16xf32, #tpu.memory_space<hbm>>, %arg8: memref<16xi32, #tpu.memory_space<vmem>>, %arg9: memref<80xi32, #tpu.memory_space<vmem>>, %arg10: memref<32x128xf32, #tpu.memory_space<vmem>>, %arg11: memref<4x32x128xf32, #tpu.memory_space<vmem>>, %arg12: memref<32xf32, #tpu.memory_space<vmem>>, %arg13: memref<32xf32, #tpu.memory_space<vmem>>, %arg14: memref<16xf32, #tpu.memory_space<vmem>>, %arg15: memref<256xf32, #tpu.memory_space<vmem>>, %arg16: memref<16xf32, #tpu.memory_space<vmem>>, %arg17: memref<256xf32, #tpu.memory_space<vmem_shared>>, %arg18: memref<!tpu.dma_semaphore, #tpu.memory_space<semaphore_mem>>) attributes {dimension_semantics = [#tpu.dimension_semantics<core_parallel>, #tpu.dimension_semantics<subcore_parallel>], iteration_bounds = array<i64: 1, 16>, scalar_prefetch = 0 : i64, scratch_operands = 11 : i64, tpu.core_type = #tpu.core_type<sc_vector_subcore>, window_params = [{transform_indices = #map}, {transform_indices = #map}, {transform_indices = #map1}, {transform_indices = #map1}, {transform_indices = #map1}, {transform_indices = #map1}]} {
    %eq3A = arith.constant 0 : i32
    %eq3A_0 = arith.cmpi eq, %arg0, %eq3A : i32
    %convert_element_type3A = arith.extui %eq3A_0 : i1 to i32
    %cond3A = arith.constant 0 : i32
    %cond3A_1 = arith.cmpi ne, %convert_element_type3A, %cond3A : i32
    scf.if %cond3A_1 {
      %dma_start3A = arith.constant 0 : i32
      %dma_start3A_2 = tpu.memref_slice %arg8[%dma_start3A] : memref<16xi32, #tpu.memory_space<vmem>> -> memref<1xi32, #tpu.memory_space<vmem>>
      %dma_start3A_3 = arith.constant 0 : i32
      %dma_start3A_4 = tpu.memref_slice %arg8[%dma_start3A_3] : memref<16xi32, #tpu.memory_space<vmem>> -> memref<1xi32, #tpu.memory_space<vmem>>
      tpu.enqueue_dma source(%arg4 : memref<1xi32, #tpu.memory_space<hbm>>) target(%dma_start3A_4 : memref<1xi32, #tpu.memory_space<vmem>>) target_semaphore(%arg18 : memref<!tpu.dma_semaphore, #tpu.memory_space<semaphore_mem>>)
      %dma_start3A_5 = arith.constant 0 : i32
      %dma_start3A_6 = tpu.memref_slice %arg9[%dma_start3A_5] : memref<80xi32, #tpu.memory_space<vmem>> -> memref<50xi32, #tpu.memory_space<vmem>>
      %dma_start3A_7 = arith.constant 0 : i32
      %dma_start3A_8 = tpu.memref_slice %arg9[%dma_start3A_7] : memref<80xi32, #tpu.memory_space<vmem>> -> memref<50xi32, #tpu.memory_space<vmem>>
      tpu.enqueue_dma source(%arg6 : memref<50xi32, #tpu.memory_space<hbm>>) target(%dma_start3A_8 : memref<50xi32, #tpu.memory_space<vmem>>) target_semaphore(%arg18 : memref<!tpu.dma_semaphore, #tpu.memory_space<semaphore_mem>>)
      %dma_start3A_9 = arith.constant 56 : i32
      %dma_start3A_10 = tpu.memref_slice %arg9[%dma_start3A_9] : memref<80xi32, #tpu.memory_space<vmem>> -> memref<1xi32, #tpu.memory_space<vmem>>
      %dma_start3A_11 = arith.constant 56 : i32
      %dma_start3A_12 = tpu.memref_slice %arg9[%dma_start3A_11] : memref<80xi32, #tpu.memory_space<vmem>> -> memref<1xi32, #tpu.memory_space<vmem>>
      tpu.enqueue_dma source(%arg5 : memref<1xi32, #tpu.memory_space<hbm>>) target(%dma_start3A_12 : memref<1xi32, #tpu.memory_space<vmem>>) target_semaphore(%arg18 : memref<!tpu.dma_semaphore, #tpu.memory_space<semaphore_mem>>)
      %broadcast_in_dim3A = arith.constant 0.000000e+00 : f32
      %broadcast_in_dim3A_13 = vector.broadcast %broadcast_in_dim3A : f32 to vector<16xf32>
      %swap3A = arith.constant 16 : index
      %swap3A_14 = tpu.vector_load %arg13[%swap3A] {strides = array<i32>} : memref<32xf32, #tpu.memory_space<vmem>>, vector<16xf32>,
      %swap3A_15 = vector.shape_cast %swap3A_14 : vector<16xf32> to vector<16xf32>
      %swap3A_16 = vector.shape_cast %broadcast_in_dim3A_13 : vector<16xf32> to vector<16xf32>
      tpu.vector_store %arg13[%swap3A], %swap3A_16 {strides = array<i32>} : memref<32xf32, #tpu.memory_space<vmem>>, vector<16xf32>,
      %dma_wait3A = arith.constant 0 : i32
      %dma_wait3A_17 = tpu.memref_slice %arg8[%dma_wait3A] : memref<16xi32, #tpu.memory_space<vmem>> -> memref<1xi32, #tpu.memory_space<vmem>>
      %dma_wait3A_18 = arith.constant 0 : i32
      %dma_wait3A_19 = tpu.memref_slice %arg8[%dma_wait3A_18] : memref<16xi32, #tpu.memory_space<vmem>> -> memref<1xi32, #tpu.memory_space<vmem>>
      tpu.wait_dma2 semaphore(%arg18 : memref<!tpu.dma_semaphore, #tpu.memory_space<semaphore_mem>>) src(%arg4 : memref<1xi32, #tpu.memory_space<hbm>>) dst(%dma_wait3A_19 : memref<1xi32, #tpu.memory_space<vmem>>)
      %get3A = arith.constant 0 : index
      %get3A_20 = tpu.vector_load %arg8[%get3A] {strides = array<i32>} : memref<16xi32, #tpu.memory_space<vmem>>, vector<16xi32>,
      %get3A_21 = vector.shape_cast %get3A_20 : vector<16xi32> to vector<16xi32>
      %slice3A = vector.extract_strided_slice %get3A_21 {offsets = [0], sizes = [1], strides = [1]} : vector<16xi32> to vector<1xi32>
      %squeeze3A = vector.extract %slice3A[0] : i32 from vector<1xi32>
      %and3A = arith.constant -128 : i32
      %and3A_22 = arith.andi %squeeze3A, %and3A : i32
      %multiple_of3A = tpu.assume_multiple %and3A_22, 128 : i32
      %dma_start3A_23 = arith.constant 0 : i32
      %dma_start3A_24 = tpu.memref_slice %arg2[%dma_start3A_23, %multiple_of3A] : memref<32x1000000xf32, #tpu.memory_space<hbm>> -> memref<32x128xf32, #tpu.memory_space<hbm>>
      %dma_start3A_25 = arith.constant 0 : i32
      %dma_start3A_26 = tpu.memref_slice %arg2[%dma_start3A_25, %multiple_of3A] : memref<32x1000000xf32, #tpu.memory_space<hbm>> -> memref<32x128xf32, #tpu.memory_space<hbm>>
      tpu.enqueue_dma source(%dma_start3A_26 : memref<32x128xf32, #tpu.memory_space<hbm>>) target(%arg10 : memref<32x128xf32, #tpu.memory_space<vmem>>) target_semaphore(%arg18 : memref<!tpu.dma_semaphore, #tpu.memory_space<semaphore_mem>>)
      %dma_wait3A_27 = arith.constant 0 : i32
      %dma_wait3A_28 = tpu.memref_slice %arg9[%dma_wait3A_27] : memref<80xi32, #tpu.memory_space<vmem>> -> memref<50xi32, #tpu.memory_space<vmem>>
      %dma_wait3A_29 = arith.constant 0 : i32
      %dma_wait3A_30 = tpu.memref_slice %arg9[%dma_wait3A_29] : memref<80xi32, #tpu.memory_space<vmem>> -> memref<50xi32, #tpu.memory_space<vmem>>
      tpu.wait_dma2 semaphore(%arg18 : memref<!tpu.dma_semaphore, #tpu.memory_space<semaphore_mem>>) src(%arg6 : memref<50xi32, #tpu.memory_space<hbm>>) dst(%dma_wait3A_30 : memref<50xi32, #tpu.memory_space<vmem>>)
      %dma_wait3A_31 = arith.constant 56 : i32
      %dma_wait3A_32 = tpu.memref_slice %arg9[%dma_wait3A_31] : memref<80xi32, #tpu.memory_space<vmem>> -> memref<1xi32, #tpu.memory_space<vmem>>
      %dma_wait3A_33 = arith.constant 56 : i32
      %dma_wait3A_34 = tpu.memref_slice %arg9[%dma_wait3A_33] : memref<80xi32, #tpu.memory_space<vmem>> -> memref<1xi32, #tpu.memory_space<vmem>>
      tpu.wait_dma2 semaphore(%arg18 : memref<!tpu.dma_semaphore, #tpu.memory_space<semaphore_mem>>) src(%arg5 : memref<1xi32, #tpu.memory_space<hbm>>) dst(%dma_wait3A_34 : memref<1xi32, #tpu.memory_space<vmem>>)
      %mul3A = arith.constant 4 : i32
      %mul3A_35 = arith.muli %arg1, %mul3A : i32
      %get3A_36 = arith.index_cast %mul3A_35 : i32 to index
      %get3A_37 = tpu.vector_load %arg9[%get3A_36] {strides = array<i32>} : memref<80xi32, #tpu.memory_space<vmem>>, vector<16xi32>,
      %get3A_38 = vector.shape_cast %get3A_37 : vector<16xi32> to vector<16xi32>
      %mul3A_39 = arith.constant 4 : i32
      %mul3A_40 = arith.muli %arg1, %mul3A_39 : i32
      %slice3A_41 = vector.extract_strided_slice %get3A_38 {offsets = [0], sizes = [1], strides = [1]} : vector<16xi32> to vector<1xi32>
      %squeeze3A_42 = vector.extract %slice3A_41[0] : i32 from vector<1xi32>
      %slice3A_43 = vector.extract_strided_slice %get3A_38 {offsets = [1], sizes = [1], strides = [1]} : vector<16xi32> to vector<1xi32>
      %squeeze3A_44 = vector.extract %slice3A_43[0] : i32 from vector<1xi32>
      %slice3A_45 = vector.extract_strided_slice %get3A_38 {offsets = [2], sizes = [1], strides = [1]} : vector<16xi32> to vector<1xi32>
      %squeeze3A_46 = vector.extract %slice3A_45[0] : i32 from vector<1xi32>
      %slice3A_47 = vector.extract_strided_slice %get3A_38 {offsets = [3], sizes = [1], strides = [1]} : vector<16xi32> to vector<1xi32>
      %squeeze3A_48 = vector.extract %slice3A_47[0] : i32 from vector<1xi32>
      %add3A = arith.constant 0 : i32
      %add3A_49 = arith.addi %mul3A_40, %add3A : i32
      %add3A_50 = arith.constant 1 : i32
      %add3A_51 = arith.addi %mul3A_40, %add3A_50 : i32
      %add3A_52 = arith.constant 2 : i32
      %add3A_53 = arith.addi %mul3A_40, %add3A_52 : i32
      %add3A_54 = arith.constant 3 : i32
      %add3A_55 = arith.addi %mul3A_40, %add3A_54 : i32
      %lt3A = arith.constant 50 : i32
      %lt3A_56 = arith.cmpi slt, %add3A_49, %lt3A : i32
      %eq3A_57 = arith.constant 56 : i32
      %eq3A_58 = arith.cmpi eq, %add3A_49, %eq3A_57 : i32
      %or3A = arith.ori %lt3A_56, %eq3A_58 : i1
      %lt3A_59 = arith.constant 50 : i32
      %lt3A_60 = arith.cmpi slt, %add3A_51, %lt3A_59 : i32
      %eq3A_61 = arith.constant 56 : i32
      %eq3A_62 = arith.cmpi eq, %add3A_51, %eq3A_61 : i32
      %or3A_63 = arith.ori %lt3A_60, %eq3A_62 : i1
      %lt3A_64 = arith.constant 50 : i32
      %lt3A_65 = arith.cmpi slt, %add3A_53, %lt3A_64 : i32
      %eq3A_66 = arith.constant 56 : i32
      %eq3A_67 = arith.cmpi eq, %add3A_53, %eq3A_66 : i32
      %or3A_68 = arith.ori %lt3A_65, %eq3A_67 : i1
      %lt3A_69 = arith.constant 50 : i32
      %lt3A_70 = arith.cmpi slt, %add3A_55, %lt3A_69 : i32
      %eq3A_71 = arith.constant 56 : i32
      %eq3A_72 = arith.cmpi eq, %add3A_55, %eq3A_71 : i32
      %or3A_73 = arith.ori %lt3A_70, %eq3A_72 : i1
      %jit3A = arith.constant 0 : i32
      %select_n3A = arith.select %or3A, %squeeze3A_42, %jit3A : i32
      %jit3A_74 = arith.constant 0 : i32
      %select_n3A_75 = arith.select %or3A_63, %squeeze3A_44, %jit3A_74 : i32
      %jit3A_76 = arith.constant 0 : i32
      %select_n3A_77 = arith.select %or3A_68, %squeeze3A_46, %jit3A_76 : i32
      %jit3A_78 = arith.constant 0 : i32
      %select_n3A_79 = arith.select %or3A_73, %squeeze3A_48, %jit3A_78 : i32
      %and3A_80 = arith.constant -128 : i32
      %and3A_81 = arith.andi %select_n3A, %and3A_80 : i32
      %multiple_of3A_82 = tpu.assume_multiple %and3A_81, 128 : i32
      %dma_start3A_83 = arith.constant 0 : i32
      %dma_start3A_84 = arith.constant 0 : i32
      %dma_start3A_85 = arith.constant 0 : i32
      %dma_start3A_86 = tpu.memref_slice %arg11[%dma_start3A_83, %dma_start3A_84, %dma_start3A_85] : memref<4x32x128xf32, #tpu.memory_space<vmem>> -> memref<1x32x128xf32, #tpu.memory_space<vmem>>
      %dma_start3A_87 = tpu.memref_squeeze %dma_start3A_86 : memref<1x32x128xf32, #tpu.memory_space<vmem>> -> memref<32x128xf32, #tpu.memory_space<vmem>>
      %dma_start3A_88 = arith.constant 0 : i32
      %dma_start3A_89 = tpu.memref_slice %arg3[%dma_start3A_88, %multiple_of3A_82] : memref<32x1000000xf32, #tpu.memory_space<hbm>> -> memref<32x128xf32, #tpu.memory_space<hbm>>
      %dma_start3A_90 = arith.constant 0 : i32
      %dma_start3A_91 = arith.constant 0 : i32
      %dma_start3A_92 = tpu.memref_slice %arg11[%dma_start3A_83, %dma_start3A_90, %dma_start3A_91] : memref<4x32x128xf32, #tpu.memory_space<vmem>> -> memref<1x32x128xf32, #tpu.memory_space<vmem>>
      %dma_start3A_93 = tpu.memref_squeeze %dma_start3A_92 : memref<1x32x128xf32, #tpu.memory_space<vmem>> -> memref<32x128xf32, #tpu.memory_space<vmem>>
      %dma_start3A_94 = arith.constant 0 : i32
      %dma_start3A_95 = tpu.memref_slice %arg3[%dma_start3A_94, %multiple_of3A_82] : memref<32x1000000xf32, #tpu.memory_space<hbm>> -> memref<32x128xf32, #tpu.memory_space<hbm>>
      tpu.enqueue_dma source(%dma_start3A_95 : memref<32x128xf32, #tpu.memory_space<hbm>>) target(%dma_start3A_93 : memref<32x128xf32, #tpu.memory_space<vmem>>) target_semaphore(%arg18 : memref<!tpu.dma_semaphore, #tpu.memory_space<semaphore_mem>>)
      %and3A_96 = arith.constant -128 : i32
      %and3A_97 = arith.andi %select_n3A_75, %and3A_96 : i32
      %multiple_of3A_98 = tpu.assume_multiple %and3A_97, 128 : i32
      %dma_start3A_99 = arith.constant 1 : i32
      %dma_start3A_100 = arith.constant 0 : i32
      %dma_start3A_101 = arith.constant 0 : i32
      %dma_start3A_102 = tpu.memref_slice %arg11[%dma_start3A_99, %dma_start3A_100, %dma_start3A_101] : memref<4x32x128xf32, #tpu.memory_space<vmem>> -> memref<1x32x128xf32, #tpu.memory_space<vmem>>
      %dma_start3A_103 = tpu.memref_squeeze %dma_start3A_102 : memref<1x32x128xf32, #tpu.memory_space<vmem>> -> memref<32x128xf32, #tpu.memory_space<vmem>>
      %dma_start3A_104 = arith.constant 0 : i32
      %dma_start3A_105 = tpu.memref_slice %arg3[%dma_start3A_104, %multiple_of3A_98] : memref<32x1000000xf32, #tpu.memory_space<hbm>> -> memref<32x128xf32, #tpu.memory_space<hbm>>
      %dma_start3A_106 = arith.constant 0 : i32
      %dma_start3A_107 = arith.constant 0 : i32
      %dma_start3A_108 = tpu.memref_slice %arg11[%dma_start3A_99, %dma_start3A_106, %dma_start3A_107] : memref<4x32x128xf32, #tpu.memory_space<vmem>> -> memref<1x32x128xf32, #tpu.memory_space<vmem>>
      %dma_start3A_109 = tpu.memref_squeeze %dma_start3A_108 : memref<1x32x128xf32, #tpu.memory_space<vmem>> -> memref<32x128xf32, #tpu.memory_space<vmem>>
      %dma_start3A_110 = arith.constant 0 : i32
      %dma_start3A_111 = tpu.memref_slice %arg3[%dma_start3A_110, %multiple_of3A_98] : memref<32x1000000xf32, #tpu.memory_space<hbm>> -> memref<32x128xf32, #tpu.memory_space<hbm>>
      tpu.enqueue_dma source(%dma_start3A_111 : memref<32x128xf32, #tpu.memory_space<hbm>>) target(%dma_start3A_109 : memref<32x128xf32, #tpu.memory_space<vmem>>) target_semaphore(%arg18 : memref<!tpu.dma_semaphore, #tpu.memory_space<semaphore_mem>>)
      %and3A_112 = arith.constant -128 : i32
      %and3A_113 = arith.andi %select_n3A_77, %and3A_112 : i32
      %multiple_of3A_114 = tpu.assume_multiple %and3A_113, 128 : i32
      %dma_start3A_115 = arith.constant 2 : i32
      %dma_start3A_116 = arith.constant 0 : i32
      %dma_start3A_117 = arith.constant 0 : i32
      %dma_start3A_118 = tpu.memref_slice %arg11[%dma_start3A_115, %dma_start3A_116, %dma_start3A_117] : memref<4x32x128xf32, #tpu.memory_space<vmem>> -> memref<1x32x128xf32, #tpu.memory_space<vmem>>
      %dma_start3A_119 = tpu.memref_squeeze %dma_start3A_118 : memref<1x32x128xf32, #tpu.memory_space<vmem>> -> memref<32x128xf32, #tpu.memory_space<vmem>>
      %dma_start3A_120 = arith.constant 0 : i32
      %dma_start3A_121 = tpu.memref_slice %arg3[%dma_start3A_120, %multiple_of3A_114] : memref<32x1000000xf32, #tpu.memory_space<hbm>> -> memref<32x128xf32, #tpu.memory_space<hbm>>
      %dma_start3A_122 = arith.constant 0 : i32
      %dma_start3A_123 = arith.constant 0 : i32
      %dma_start3A_124 = tpu.memref_slice %arg11[%dma_start3A_115, %dma_start3A_122, %dma_start3A_123] : memref<4x32x128xf32, #tpu.memory_space<vmem>> -> memref<1x32x128xf32, #tpu.memory_space<vmem>>
      %dma_start3A_125 = tpu.memref_squeeze %dma_start3A_124 : memref<1x32x128xf32, #tpu.memory_space<vmem>> -> memref<32x128xf32, #tpu.memory_space<vmem>>
      %dma_start3A_126 = arith.constant 0 : i32
      %dma_start3A_127 = tpu.memref_slice %arg3[%dma_start3A_126, %multiple_of3A_114] : memref<32x1000000xf32, #tpu.memory_space<hbm>> -> memref<32x128xf32, #tpu.memory_space<hbm>>
      tpu.enqueue_dma source(%dma_start3A_127 : memref<32x128xf32, #tpu.memory_space<hbm>>) target(%dma_start3A_125 : memref<32x128xf32, #tpu.memory_space<vmem>>) target_semaphore(%arg18 : memref<!tpu.dma_semaphore, #tpu.memory_space<semaphore_mem>>)
      %and3A_128 = arith.constant -128 : i32
      %and3A_129 = arith.andi %select_n3A_79, %and3A_128 : i32
      %multiple_of3A_130 = tpu.assume_multiple %and3A_129, 128 : i32
      %dma_start3A_131 = arith.constant 3 : i32
      %dma_start3A_132 = arith.constant 0 : i32
      %dma_start3A_133 = arith.constant 0 : i32
      %dma_start3A_134 = tpu.memref_slice %arg11[%dma_start3A_131, %dma_start3A_132, %dma_start3A_133] : memref<4x32x128xf32, #tpu.memory_space<vmem>> -> memref<1x32x128xf32, #tpu.memory_space<vmem>>
      %dma_start3A_135 = tpu.memref_squeeze %dma_start3A_134 : memref<1x32x128xf32, #tpu.memory_space<vmem>> -> memref<32x128xf32, #tpu.memory_space<vmem>>
      %dma_start3A_136 = arith.constant 0 : i32
      %dma_start3A_137 = tpu.memref_slice %arg3[%dma_start3A_136, %multiple_of3A_130] : memref<32x1000000xf32, #tpu.memory_space<hbm>> -> memref<32x128xf32, #tpu.memory_space<hbm>>
      %dma_start3A_138 = arith.constant 0 : i32
      %dma_start3A_139 = arith.constant 0 : i32
      %dma_start3A_140 = tpu.memref_slice %arg11[%dma_start3A_131, %dma_start3A_138, %dma_start3A_139] : memref<4x32x128xf32, #tpu.memory_space<vmem>> -> memref<1x32x128xf32, #tpu.memory_space<vmem>>
      %dma_start3A_141 = tpu.memref_squeeze %dma_start3A_140 : memref<1x32x128xf32, #tpu.memory_space<vmem>> -> memref<32x128xf32, #tpu.memory_space<vmem>>
      %dma_start3A_142 = arith.constant 0 : i32
      %dma_start3A_143 = tpu.memref_slice %arg3[%dma_start3A_142, %multiple_of3A_130] : memref<32x1000000xf32, #tpu.memory_space<hbm>> -> memref<32x128xf32, #tpu.memory_space<hbm>>
      tpu.enqueue_dma source(%dma_start3A_143 : memref<32x128xf32, #tpu.memory_space<hbm>>) target(%dma_start3A_141 : memref<32x128xf32, #tpu.memory_space<vmem>>) target_semaphore(%arg18 : memref<!tpu.dma_semaphore, #tpu.memory_space<semaphore_mem>>)
      %dma_wait3A_144 = arith.constant 0 : i32
      %dma_wait3A_145 = tpu.memref_slice %arg2[%dma_wait3A_144, %multiple_of3A] : memref<32x1000000xf32, #tpu.memory_space<hbm>> -> memref<32x128xf32, #tpu.memory_space<hbm>>
      %dma_wait3A_146 = arith.constant 0 : i32
      %dma_wait3A_147 = tpu.memref_slice %arg2[%dma_wait3A_146, %multiple_of3A] : memref<32x1000000xf32, #tpu.memory_space<hbm>> -> memref<32x128xf32, #tpu.memory_space<hbm>>
      tpu.wait_dma2 semaphore(%arg18 : memref<!tpu.dma_semaphore, #tpu.memory_space<semaphore_mem>>) src(%dma_wait3A_147 : memref<32x128xf32, #tpu.memory_space<hbm>>) dst(%arg10 : memref<32x128xf32, #tpu.memory_space<vmem>>)
      %dma_wait3A_148 = arith.constant 0 : i32
      %dma_wait3A_149 = arith.constant 0 : i32
      %dma_wait3A_150 = arith.constant 0 : i32
      %dma_wait3A_151 = tpu.memref_slice %arg11[%dma_wait3A_148, %dma_wait3A_149, %dma_wait3A_150] : memref<4x32x128xf32, #tpu.memory_space<vmem>> -> memref<1x32x128xf32, #tpu.memory_space<vmem>>
      %dma_wait3A_152 = tpu.memref_squeeze %dma_wait3A_151 : memref<1x32x128xf32, #tpu.memory_space<vmem>> -> memref<32x128xf32, #tpu.memory_space<vmem>>
      %dma_wait3A_153 = arith.constant 0 : i32
      %dma_wait3A_154 = tpu.memref_slice %arg3[%dma_wait3A_153, %multiple_of3A_82] : memref<32x1000000xf32, #tpu.memory_space<hbm>> -> memref<32x128xf32, #tpu.memory_space<hbm>>
      %dma_wait3A_155 = arith.constant 0 : i32
      %dma_wait3A_156 = arith.constant 0 : i32
      %dma_wait3A_157 = tpu.memref_slice %arg11[%dma_wait3A_148, %dma_wait3A_155, %dma_wait3A_156] : memref<4x32x128xf32, #tpu.memory_space<vmem>> -> memref<1x32x128xf32, #tpu.memory_space<vmem>>
      %dma_wait3A_158 = tpu.memref_squeeze %dma_wait3A_157 : memref<1x32x128xf32, #tpu.memory_space<vmem>> -> memref<32x128xf32, #tpu.memory_space<vmem>>
      %dma_wait3A_159 = arith.constant 0 : i32
      %dma_wait3A_160 = tpu.memref_slice %arg3[%dma_wait3A_159, %multiple_of3A_82] : memref<32x1000000xf32, #tpu.memory_space<hbm>> -> memref<32x128xf32, #tpu.memory_space<hbm>>
      tpu.wait_dma2 semaphore(%arg18 : memref<!tpu.dma_semaphore, #tpu.memory_space<semaphore_mem>>) src(%dma_wait3A_160 : memref<32x128xf32, #tpu.memory_space<hbm>>) dst(%dma_wait3A_158 : memref<32x128xf32, #tpu.memory_space<vmem>>)
      %dma_wait3A_161 = arith.constant 1 : i32
      %dma_wait3A_162 = arith.constant 0 : i32
      %dma_wait3A_163 = arith.constant 0 : i32
      %dma_wait3A_164 = tpu.memref_slice %arg11[%dma_wait3A_161, %dma_wait3A_162, %dma_wait3A_163] : memref<4x32x128xf32, #tpu.memory_space<vmem>> -> memref<1x32x128xf32, #tpu.memory_space<vmem>>
      %dma_wait3A_165 = tpu.memref_squeeze %dma_wait3A_164 : memref<1x32x128xf32, #tpu.memory_space<vmem>> -> memref<32x128xf32, #tpu.memory_space<vmem>>
      %dma_wait3A_166 = arith.constant 0 : i32
      %dma_wait3A_167 = tpu.memref_slice %arg3[%dma_wait3A_166, %multiple_of3A_98] : memref<32x1000000xf32, #tpu.memory_space<hbm>> -> memref<32x128xf32, #tpu.memory_space<hbm>>
      %dma_wait3A_168 = arith.constant 0 : i32
      %dma_wait3A_169 = arith.constant 0 : i32
      %dma_wait3A_170 = tpu.memref_slice %arg11[%dma_wait3A_161, %dma_wait3A_168, %dma_wait3A_169] : memref<4x32x128xf32, #tpu.memory_space<vmem>> -> memref<1x32x128xf32, #tpu.memory_space<vmem>>
      %dma_wait3A_171 = tpu.memref_squeeze %dma_wait3A_170 : memref<1x32x128xf32, #tpu.memory_space<vmem>> -> memref<32x128xf32, #tpu.memory_space<vmem>>
      %dma_wait3A_172 = arith.constant 0 : i32
      %dma_wait3A_173 = tpu.memref_slice %arg3[%dma_wait3A_172, %multiple_of3A_98] : memref<32x1000000xf32, #tpu.memory_space<hbm>> -> memref<32x128xf32, #tpu.memory_space<hbm>>
      tpu.wait_dma2 semaphore(%arg18 : memref<!tpu.dma_semaphore, #tpu.memory_space<semaphore_mem>>) src(%dma_wait3A_173 : memref<32x128xf32, #tpu.memory_space<hbm>>) dst(%dma_wait3A_171 : memref<32x128xf32, #tpu.memory_space<vmem>>)
      %dma_wait3A_174 = arith.constant 2 : i32
      %dma_wait3A_175 = arith.constant 0 : i32
      %dma_wait3A_176 = arith.constant 0 : i32
      %dma_wait3A_177 = tpu.memref_slice %arg11[%dma_wait3A_174, %dma_wait3A_175, %dma_wait3A_176] : memref<4x32x128xf32, #tpu.memory_space<vmem>> -> memref<1x32x128xf32, #tpu.memory_space<vmem>>
      %dma_wait3A_178 = tpu.memref_squeeze %dma_wait3A_177 : memref<1x32x128xf32, #tpu.memory_space<vmem>> -> memref<32x128xf32, #tpu.memory_space<vmem>>
      %dma_wait3A_179 = arith.constant 0 : i32
      %dma_wait3A_180 = tpu.memref_slice %arg3[%dma_wait3A_179, %multiple_of3A_114] : memref<32x1000000xf32, #tpu.memory_space<hbm>> -> memref<32x128xf32, #tpu.memory_space<hbm>>
      %dma_wait3A_181 = arith.constant 0 : i32
      %dma_wait3A_182 = arith.constant 0 : i32
      %dma_wait3A_183 = tpu.memref_slice %arg11[%dma_wait3A_174, %dma_wait3A_181, %dma_wait3A_182] : memref<4x32x128xf32, #tpu.memory_space<vmem>> -> memref<1x32x128xf32, #tpu.memory_space<vmem>>
      %dma_wait3A_184 = tpu.memref_squeeze %dma_wait3A_183 : memref<1x32x128xf32, #tpu.memory_space<vmem>> -> memref<32x128xf32, #tpu.memory_space<vmem>>
      %dma_wait3A_185 = arith.constant 0 : i32
      %dma_wait3A_186 = tpu.memref_slice %arg3[%dma_wait3A_185, %multiple_of3A_114] : memref<32x1000000xf32, #tpu.memory_space<hbm>> -> memref<32x128xf32, #tpu.memory_space<hbm>>
      tpu.wait_dma2 semaphore(%arg18 : memref<!tpu.dma_semaphore, #tpu.memory_space<semaphore_mem>>) src(%dma_wait3A_186 : memref<32x128xf32, #tpu.memory_space<hbm>>) dst(%dma_wait3A_184 : memref<32x128xf32, #tpu.memory_space<vmem>>)
      %dma_wait3A_187 = arith.constant 3 : i32
      %dma_wait3A_188 = arith.constant 0 : i32
      %dma_wait3A_189 = arith.constant 0 : i32
      %dma_wait3A_190 = tpu.memref_slice %arg11[%dma_wait3A_187, %dma_wait3A_188, %dma_wait3A_189] : memref<4x32x128xf32, #tpu.memory_space<vmem>> -> memref<1x32x128xf32, #tpu.memory_space<vmem>>
      %dma_wait3A_191 = tpu.memref_squeeze %dma_wait3A_190 : memref<1x32x128xf32, #tpu.memory_space<vmem>> -> memref<32x128xf32, #tpu.memory_space<vmem>>
      %dma_wait3A_192 = arith.constant 0 : i32
      %dma_wait3A_193 = tpu.memref_slice %arg3[%dma_wait3A_192, %multiple_of3A_130] : memref<32x1000000xf32, #tpu.memory_space<hbm>> -> memref<32x128xf32, #tpu.memory_space<hbm>>
      %dma_wait3A_194 = arith.constant 0 : i32
      %dma_wait3A_195 = arith.constant 0 : i32
      %dma_wait3A_196 = tpu.memref_slice %arg11[%dma_wait3A_187, %dma_wait3A_194, %dma_wait3A_195] : memref<4x32x128xf32, #tpu.memory_space<vmem>> -> memref<1x32x128xf32, #tpu.memory_space<vmem>>
      %dma_wait3A_197 = tpu.memref_squeeze %dma_wait3A_196 : memref<1x32x128xf32, #tpu.memory_space<vmem>> -> memref<32x128xf32, #tpu.memory_space<vmem>>
      %dma_wait3A_198 = arith.constant 0 : i32
      %dma_wait3A_199 = tpu.memref_slice %arg3[%dma_wait3A_198, %multiple_of3A_130] : memref<32x1000000xf32, #tpu.memory_space<hbm>> -> memref<32x128xf32, #tpu.memory_space<hbm>>
      tpu.wait_dma2 semaphore(%arg18 : memref<!tpu.dma_semaphore, #tpu.memory_space<semaphore_mem>>) src(%dma_wait3A_199 : memref<32x128xf32, #tpu.memory_space<hbm>>) dst(%dma_wait3A_197 : memref<32x128xf32, #tpu.memory_space<vmem>>)
      %and3A_200 = arith.constant 112 : i32
      %and3A_201 = arith.andi %squeeze3A, %and3A_200 : i32
      %and3A_202 = arith.constant 15 : i32
      %and3A_203 = arith.andi %squeeze3A, %and3A_202 : i32
      %get3A_204 = arith.constant 0 : i32
      %get3A_205 = arith.index_cast %get3A_204 : i32 to index
      %get3A_206 = arith.index_cast %and3A_201 : i32 to index
      %get3A_207 = tpu.vector_load %arg10[%get3A_205, %get3A_206] {strides = array<i32>} : memref<32x128xf32, #tpu.memory_space<vmem>>, vector<1x16xf32>,
      %get3A_208 = vector.shape_cast %get3A_207 : vector<1x16xf32> to vector<16xf32>
      %swap3A_209 = arith.constant 0 : index
      %swap3A_210 = tpu.vector_load %arg12[%swap3A_209] {strides = array<i32>} : memref<32xf32, #tpu.memory_space<vmem>>, vector<16xf32>,
      %swap3A_211 = vector.shape_cast %swap3A_210 : vector<16xf32> to vector<16xf32>
      %swap3A_212 = vector.shape_cast %get3A_208 : vector<16xf32> to vector<16xf32>
      tpu.vector_store %arg12[%swap3A_209], %swap3A_212 {strides = array<i32>} : memref<32xf32, #tpu.memory_space<vmem>>, vector<16xf32>,
      %get3A_213 = arith.index_cast %and3A_203 : i32 to index
      %get3A_214 = tpu.vector_load %arg12[%get3A_213] {strides = array<i32>} : memref<32xf32, #tpu.memory_space<vmem>>, vector<16xf32>,
      %get3A_215 = vector.shape_cast %get3A_214 : vector<16xf32> to vector<16xf32>
      %slice3A_216 = vector.extract_strided_slice %get3A_215 {offsets = [0], sizes = [1], strides = [1]} : vector<16xf32> to vector<1xf32>
      %squeeze3A_217 = vector.extract %slice3A_216[0] : f32 from vector<1xf32>
      %get3A_218 = arith.constant 1 : i32
      %get3A_219 = arith.index_cast %get3A_218 : i32 to index
      %get3A_220 = arith.index_cast %and3A_201 : i32 to index
      %get3A_221 = tpu.vector_load %arg10[%get3A_219, %get3A_220] {strides = array<i32>} : memref<32x128xf32, #tpu.memory_space<vmem>>, vector<1x16xf32>,
      %get3A_222 = vector.shape_cast %get3A_221 : vector<1x16xf32> to vector<16xf32>
      %swap3A_223 = arith.constant 0 : index
      %swap3A_224 = tpu.vector_load %arg12[%swap3A_223] {strides = array<i32>} : memref<32xf32, #tpu.memory_space<vmem>>, vector<16xf32>,
      %swap3A_225 = vector.shape_cast %swap3A_224 : vector<16xf32> to vector<16xf32>
      %swap3A_226 = vector.shape_cast %get3A_222 : vector<16xf32> to vector<16xf32>
      tpu.vector_store %arg12[%swap3A_223], %swap3A_226 {strides = array<i32>} : memref<32xf32, #tpu.memory_space<vmem>>, vector<16xf32>,
      %get3A_227 = arith.index_cast %and3A_203 : i32 to index
      %get3A_228 = tpu.vector_load %arg12[%get3A_227] {strides = array<i32>} : memref<32xf32, #tpu.memory_space<vmem>>, vector<16xf32>,
      %get3A_229 = vector.shape_cast %get3A_228 : vector<16xf32> to vector<16xf32>
      %slice3A_230 = vector.extract_strided_slice %get3A_229 {offsets = [0], sizes = [1], strides = [1]} : vector<16xf32> to vector<1xf32>
      %squeeze3A_231 = vector.extract %slice3A_230[0] : f32 from vector<1xf32>
      %get3A_232 = arith.constant 2 : i32
      %get3A_233 = arith.index_cast %get3A_232 : i32 to index
      %get3A_234 = arith.index_cast %and3A_201 : i32 to index
      %get3A_235 = tpu.vector_load %arg10[%get3A_233, %get3A_234] {strides = array<i32>} : memref<32x128xf32, #tpu.memory_space<vmem>>, vector<1x16xf32>,
      %get3A_236 = vector.shape_cast %get3A_235 : vector<1x16xf32> to vector<16xf32>
      %swap3A_237 = arith.constant 0 : index
      %swap3A_238 = tpu.vector_load %arg12[%swap3A_237] {strides = array<i32>} : memref<32xf32, #tpu.memory_space<vmem>>, vector<16xf32>,
      %swap3A_239 = vector.shape_cast %swap3A_238 : vector<16xf32> to vector<16xf32>
      %swap3A_240 = vector.shape_cast %get3A_236 : vector<16xf32> to vector<16xf32>
      tpu.vector_store %arg12[%swap3A_237], %swap3A_240 {strides = array<i32>} : memref<32xf32, #tpu.memory_space<vmem>>, vector<16xf32>,
      %get3A_241 = arith.index_cast %and3A_203 : i32 to index
      %get3A_242 = tpu.vector_load %arg12[%get3A_241] {strides = array<i32>} : memref<32xf32, #tpu.memory_space<vmem>>, vector<16xf32>,
      %get3A_243 = vector.shape_cast %get3A_242 : vector<16xf32> to vector<16xf32>
      %slice3A_244 = vector.extract_strided_slice %get3A_243 {offsets = [0], sizes = [1], strides = [1]} : vector<16xf32> to vector<1xf32>
      %squeeze3A_245 = vector.extract %slice3A_244[0] : f32 from vector<1xf32>
      %get3A_246 = arith.constant 3 : i32
      %get3A_247 = arith.index_cast %get3A_246 : i32 to index
      %get3A_248 = arith.index_cast %and3A_201 : i32 to index
      %get3A_249 = tpu.vector_load %arg10[%get3A_247, %get3A_248] {strides = array<i32>} : memref<32x128xf32, #tpu.memory_space<vmem>>, vector<1x16xf32>,
      %get3A_250 = vector.shape_cast %get3A_249 : vector<1x16xf32> to vector<16xf32>
      %swap3A_251 = arith.constant 0 : index
      %swap3A_252 = tpu.vector_load %arg12[%swap3A_251] {strides = array<i32>} : memref<32xf32, #tpu.memory_space<vmem>>, vector<16xf32>,
      %swap3A_253 = vector.shape_cast %swap3A_252 : vector<16xf32> to vector<16xf32>
      %swap3A_254 = vector.shape_cast %get3A_250 : vector<16xf32> to vector<16xf32>
      tpu.vector_store %arg12[%swap3A_251], %swap3A_254 {strides = array<i32>} : memref<32xf32, #tpu.memory_space<vmem>>, vector<16xf32>,
      %get3A_255 = arith.index_cast %and3A_203 : i32 to index
      %get3A_256 = tpu.vector_load %arg12[%get3A_255] {strides = array<i32>} : memref<32xf32, #tpu.memory_space<vmem>>, vector<16xf32>,
      %get3A_257 = vector.shape_cast %get3A_256 : vector<16xf32> to vector<16xf32>
      %slice3A_258 = vector.extract_strided_slice %get3A_257 {offsets = [0], sizes = [1], strides = [1]} : vector<16xf32> to vector<1xf32>
      %squeeze3A_259 = vector.extract %slice3A_258[0] : f32 from vector<1xf32>
      %get3A_260 = arith.constant 4 : i32
      %get3A_261 = arith.index_cast %get3A_260 : i32 to index
      %get3A_262 = arith.index_cast %and3A_201 : i32 to index
      %get3A_263 = tpu.vector_load %arg10[%get3A_261, %get3A_262] {strides = array<i32>} : memref<32x128xf32, #tpu.memory_space<vmem>>, vector<1x16xf32>,
      %get3A_264 = vector.shape_cast %get3A_263 : vector<1x16xf32> to vector<16xf32>
      %swap3A_265 = arith.constant 0 : index
      %swap3A_266 = tpu.vector_load %arg12[%swap3A_265] {strides = array<i32>} : memref<32xf32, #tpu.memory_space<vmem>>, vector<16xf32>,
      %swap3A_267 = vector.shape_cast %swap3A_266 : vector<16xf32> to vector<16xf32>
      %swap3A_268 = vector.shape_cast %get3A_264 : vector<16xf32> to vector<16xf32>
      tpu.vector_store %arg12[%swap3A_265], %swap3A_268 {strides = array<i32>} : memref<32xf32, #tpu.memory_space<vmem>>, vector<16xf32>,
      %get3A_269 = arith.index_cast %and3A_203 : i32 to index
      %get3A_270 = tpu.vector_load %arg12[%get3A_269] {strides = array<i32>} : memref<32xf32, #tpu.memory_space<vmem>>, vector<16xf32>,
      %get3A_271 = vector.shape_cast %get3A_270 : vector<16xf32> to vector<16xf32>
      %slice3A_272 = vector.extract_strided_slice %get3A_271 {offsets = [0], sizes = [1], strides = [1]} : vector<16xf32> to vector<1xf32>
      %squeeze3A_273 = vector.extract %slice3A_272[0] : f32 from vector<1xf32>
      %get3A_274 = arith.constant 5 : i32
      %get3A_275 = arith.index_cast %get3A_274 : i32 to index
      %get3A_276 = arith.index_cast %and3A_201 : i32 to index
      %get3A_277 = tpu.vector_load %arg10[%get3A_275, %get3A_276] {strides = array<i32>} : memref<32x128xf32, #tpu.memory_space<vmem>>, vector<1x16xf32>,
      %get3A_278 = vector.shape_cast %get3A_277 : vector<1x16xf32> to vector<16xf32>
      %swap3A_279 = arith.constant 0 : index
      %swap3A_280 = tpu.vector_load %arg12[%swap3A_279] {strides = array<i32>} : memref<32xf32, #tpu.memory_space<vmem>>, vector<16xf32>,
      %swap3A_281 = vector.shape_cast %swap3A_280 : vector<16xf32> to vector<16xf32>
      %swap3A_282 = vector.shape_cast %get3A_278 : vector<16xf32> to vector<16xf32>
      tpu.vector_store %arg12[%swap3A_279], %swap3A_282 {strides = array<i32>} : memref<32xf32, #tpu.memory_space<vmem>>, vector<16xf32>,
      %get3A_283 = arith.index_cast %and3A_203 : i32 to index
      %get3A_284 = tpu.vector_load %arg12[%get3A_283] {strides = array<i32>} : memref<32xf32, #tpu.memory_space<vmem>>, vector<16xf32>,
      %get3A_285 = vector.shape_cast %get3A_284 : vector<16xf32> to vector<16xf32>
      %slice3A_286 = vector.extract_strided_slice %get3A_285 {offsets = [0], sizes = [1], strides = [1]} : vector<16xf32> to vector<1xf32>
      %squeeze3A_287 = vector.extract %slice3A_286[0] : f32 from vector<1xf32>
      %get3A_288 = arith.constant 6 : i32
      %get3A_289 = arith.index_cast %get3A_288 : i32 to index
      %get3A_290 = arith.index_cast %and3A_201 : i32 to index
      %get3A_291 = tpu.vector_load %arg10[%get3A_289, %get3A_290] {strides = array<i32>} : memref<32x128xf32, #tpu.memory_space<vmem>>, vector<1x16xf32>,
      %get3A_292 = vector.shape_cast %get3A_291 : vector<1x16xf32> to vector<16xf32>
      %swap3A_293 = arith.constant 0 : index
      %swap3A_294 = tpu.vector_load %arg12[%swap3A_293] {strides = array<i32>} : memref<32xf32, #tpu.memory_space<vmem>>, vector<16xf32>,
      %swap3A_295 = vector.shape_cast %swap3A_294 : vector<16xf32> to vector<16xf32>
      %swap3A_296 = vector.shape_cast %get3A_292 : vector<16xf32> to vector<16xf32>
      tpu.vector_store %arg12[%swap3A_293], %swap3A_296 {strides = array<i32>} : memref<32xf32, #tpu.memory_space<vmem>>, vector<16xf32>,
      %get3A_297 = arith.index_cast %and3A_203 : i32 to index
      %get3A_298 = tpu.vector_load %arg12[%get3A_297] {strides = array<i32>} : memref<32xf32, #tpu.memory_space<vmem>>, vector<16xf32>,
      %get3A_299 = vector.shape_cast %get3A_298 : vector<16xf32> to vector<16xf32>
      %slice3A_300 = vector.extract_strided_slice %get3A_299 {offsets = [0], sizes = [1], strides = [1]} : vector<16xf32> to vector<1xf32>
      %squeeze3A_301 = vector.extract %slice3A_300[0] : f32 from vector<1xf32>
      %get3A_302 = arith.constant 7 : i32
      %get3A_303 = arith.index_cast %get3A_302 : i32 to index
      %get3A_304 = arith.index_cast %and3A_201 : i32 to index
      %get3A_305 = tpu.vector_load %arg10[%get3A_303, %get3A_304] {strides = array<i32>} : memref<32x128xf32, #tpu.memory_space<vmem>>, vector<1x16xf32>,
      %get3A_306 = vector.shape_cast %get3A_305 : vector<1x16xf32> to vector<16xf32>
      %swap3A_307 = arith.constant 0 : index
      %swap3A_308 = tpu.vector_load %arg12[%swap3A_307] {strides = array<i32>} : memref<32xf32, #tpu.memory_space<vmem>>, vector<16xf32>,
      %swap3A_309 = vector.shape_cast %swap3A_308 : vector<16xf32> to vector<16xf32>
      %swap3A_310 = vector.shape_cast %get3A_306 : vector<16xf32> to vector<16xf32>
      tpu.vector_store %arg12[%swap3A_307], %swap3A_310 {strides = array<i32>} : memref<32xf32, #tpu.memory_space<vmem>>, vector<16xf32>,
      %get3A_311 = arith.index_cast %and3A_203 : i32 to index
      %get3A_312 = tpu.vector_load %arg12[%get3A_311] {strides = array<i32>} : memref<32xf32, #tpu.memory_space<vmem>>, vector<16xf32>,
      %get3A_313 = vector.shape_cast %get3A_312 : vector<16xf32> to vector<16xf32>
      %slice3A_314 = vector.extract_strided_slice %get3A_313 {offsets = [0], sizes = [1], strides = [1]} : vector<16xf32> to vector<1xf32>
      %squeeze3A_315 = vector.extract %slice3A_314[0] : f32 from vector<1xf32>
      %get3A_316 = arith.constant 8 : i32
      %get3A_317 = arith.index_cast %get3A_316 : i32 to index
      %get3A_318 = arith.index_cast %and3A_201 : i32 to index
      %get3A_319 = tpu.vector_load %arg10[%get3A_317, %get3A_318] {strides = array<i32>} : memref<32x128xf32, #tpu.memory_space<vmem>>, vector<1x16xf32>,
      %get3A_320 = vector.shape_cast %get3A_319 : vector<1x16xf32> to vector<16xf32>
      %swap3A_321 = arith.constant 0 : index
      %swap3A_322 = tpu.vector_load %arg12[%swap3A_321] {strides = array<i32>} : memref<32xf32, #tpu.memory_space<vmem>>, vector<16xf32>,
      %swap3A_323 = vector.shape_cast %swap3A_322 : vector<16xf32> to vector<16xf32>
      %swap3A_324 = vector.shape_cast %get3A_320 : vector<16xf32> to vector<16xf32>
      tpu.vector_store %arg12[%swap3A_321], %swap3A_324 {strides = array<i32>} : memref<32xf32, #tpu.memory_space<vmem>>, vector<16xf32>,
      %get3A_325 = arith.index_cast %and3A_203 : i32 to index
      %get3A_326 = tpu.vector_load %arg12[%get3A_325] {strides = array<i32>} : memref<32xf32, #tpu.memory_space<vmem>>, vector<16xf32>,
      %get3A_327 = vector.shape_cast %get3A_326 : vector<16xf32> to vector<16xf32>
      %slice3A_328 = vector.extract_strided_slice %get3A_327 {offsets = [0], sizes = [1], strides = [1]} : vector<16xf32> to vector<1xf32>
      %squeeze3A_329 = vector.extract %slice3A_328[0] : f32 from vector<1xf32>
      %get3A_330 = arith.constant 9 : i32
      %get3A_331 = arith.index_cast %get3A_330 : i32 to index
      %get3A_332 = arith.index_cast %and3A_201 : i32 to index
      %get3A_333 = tpu.vector_load %arg10[%get3A_331, %get3A_332] {strides = array<i32>} : memref<32x128xf32, #tpu.memory_space<vmem>>, vector<1x16xf32>,
      %get3A_334 = vector.shape_cast %get3A_333 : vector<1x16xf32> to vector<16xf32>
      %swap3A_335 = arith.constant 0 : index
      %swap3A_336 = tpu.vector_load %arg12[%swap3A_335] {strides = array<i32>} : memref<32xf32, #tpu.memory_space<vmem>>, vector<16xf32>,
      %swap3A_337 = vector.shape_cast %swap3A_336 : vector<16xf32> to vector<16xf32>
      %swap3A_338 = vector.shape_cast %get3A_334 : vector<16xf32> to vector<16xf32>
      tpu.vector_store %arg12[%swap3A_335], %swap3A_338 {strides = array<i32>} : memref<32xf32, #tpu.memory_space<vmem>>, vector<16xf32>,
      %get3A_339 = arith.index_cast %and3A_203 : i32 to index
      %get3A_340 = tpu.vector_load %arg12[%get3A_339] {strides = array<i32>} : memref<32xf32, #tpu.memory_space<vmem>>, vector<16xf32>,
      %get3A_341 = vector.shape_cast %get3A_340 : vector<16xf32> to vector<16xf32>
      %slice3A_342 = vector.extract_strided_slice %get3A_341 {offsets = [0], sizes = [1], strides = [1]} : vector<16xf32> to vector<1xf32>
      %squeeze3A_343 = vector.extract %slice3A_342[0] : f32 from vector<1xf32>
      %get3A_344 = arith.constant 10 : i32
      %get3A_345 = arith.index_cast %get3A_344 : i32 to index
      %get3A_346 = arith.index_cast %and3A_201 : i32 to index
      %get3A_347 = tpu.vector_load %arg10[%get3A_345, %get3A_346] {strides = array<i32>} : memref<32x128xf32, #tpu.memory_space<vmem>>, vector<1x16xf32>,
      %get3A_348 = vector.shape_cast %get3A_347 : vector<1x16xf32> to vector<16xf32>
      %swap3A_349 = arith.constant 0 : index
      %swap3A_350 = tpu.vector_load %arg12[%swap3A_349] {strides = array<i32>} : memref<32xf32, #tpu.memory_space<vmem>>, vector<16xf32>,
      %swap3A_351 = vector.shape_cast %swap3A_350 : vector<16xf32> to vector<16xf32>
      %swap3A_352 = vector.shape_cast %get3A_348 : vector<16xf32> to vector<16xf32>
      tpu.vector_store %arg12[%swap3A_349], %swap3A_352 {strides = array<i32>} : memref<32xf32, #tpu.memory_space<vmem>>, vector<16xf32>,
      %get3A_353 = arith.index_cast %and3A_203 : i32 to index
      %get3A_354 = tpu.vector_load %arg12[%get3A_353] {strides = array<i32>} : memref<32xf32, #tpu.memory_space<vmem>>, vector<16xf32>,
      %get3A_355 = vector.shape_cast %get3A_354 : vector<16xf32> to vector<16xf32>
      %slice3A_356 = vector.extract_strided_slice %get3A_355 {offsets = [0], sizes = [1], strides = [1]} : vector<16xf32> to vector<1xf32>
      %squeeze3A_357 = vector.extract %slice3A_356[0] : f32 from vector<1xf32>
      %get3A_358 = arith.constant 11 : i32
      %get3A_359 = arith.index_cast %get3A_358 : i32 to index
      %get3A_360 = arith.index_cast %and3A_201 : i32 to index
      %get3A_361 = tpu.vector_load %arg10[%get3A_359, %get3A_360] {strides = array<i32>} : memref<32x128xf32, #tpu.memory_space<vmem>>, vector<1x16xf32>,
      %get3A_362 = vector.shape_cast %get3A_361 : vector<1x16xf32> to vector<16xf32>
      %swap3A_363 = arith.constant 0 : index
      %swap3A_364 = tpu.vector_load %arg12[%swap3A_363] {strides = array<i32>} : memref<32xf32, #tpu.memory_space<vmem>>, vector<16xf32>,
      %swap3A_365 = vector.shape_cast %swap3A_364 : vector<16xf32> to vector<16xf32>
      %swap3A_366 = vector.shape_cast %get3A_362 : vector<16xf32> to vector<16xf32>
      tpu.vector_store %arg12[%swap3A_363], %swap3A_366 {strides = array<i32>} : memref<32xf32, #tpu.memory_space<vmem>>, vector<16xf32>,
      %get3A_367 = arith.index_cast %and3A_203 : i32 to index
      %get3A_368 = tpu.vector_load %arg12[%get3A_367] {strides = array<i32>} : memref<32xf32, #tpu.memory_space<vmem>>, vector<16xf32>,
      %get3A_369 = vector.shape_cast %get3A_368 : vector<16xf32> to vector<16xf32>
      %slice3A_370 = vector.extract_strided_slice %get3A_369 {offsets = [0], sizes = [1], strides = [1]} : vector<16xf32> to vector<1xf32>
      %squeeze3A_371 = vector.extract %slice3A_370[0] : f32 from vector<1xf32>
      %get3A_372 = arith.constant 12 : i32
      %get3A_373 = arith.index_cast %get3A_372 : i32 to index
      %get3A_374 = arith.index_cast %and3A_201 : i32 to index
      %get3A_375 = tpu.vector_load %arg10[%get3A_373, %get3A_374] {strides = array<i32>} : memref<32x128xf32, #tpu.memory_space<vmem>>, vector<1x16xf32>,
      %get3A_376 = vector.shape_cast %get3A_375 : vector<1x16xf32> to vector<16xf32>
      %swap3A_377 = arith.constant 0 : index
      %swap3A_378 = tpu.vector_load %arg12[%swap3A_377] {strides = array<i32>} : memref<32xf32, #tpu.memory_space<vmem>>, vector<16xf32>,
      %swap3A_379 = vector.shape_cast %swap3A_378 : vector<16xf32> to vector<16xf32>
      %swap3A_380 = vector.shape_cast %get3A_376 : vector<16xf32> to vector<16xf32>
      tpu.vector_store %arg12[%swap3A_377], %swap3A_380 {strides = array<i32>} : memref<32xf32, #tpu.memory_space<vmem>>, vector<16xf32>,
      %get3A_381 = arith.index_cast %and3A_203 : i32 to index
      %get3A_382 = tpu.vector_load %arg12[%get3A_381] {strides = array<i32>} : memref<32xf32, #tpu.memory_space<vmem>>, vector<16xf32>,
      %get3A_383 = vector.shape_cast %get3A_382 : vector<16xf32> to vector<16xf32>
      %slice3A_384 = vector.extract_strided_slice %get3A_383 {offsets = [0], sizes = [1], strides = [1]} : vector<16xf32> to vector<1xf32>
      %squeeze3A_385 = vector.extract %slice3A_384[0] : f32 from vector<1xf32>
      %get3A_386 = arith.constant 13 : i32
      %get3A_387 = arith.index_cast %get3A_386 : i32 to index
      %get3A_388 = arith.index_cast %and3A_201 : i32 to index
      %get3A_389 = tpu.vector_load %arg10[%get3A_387, %get3A_388] {strides = array<i32>} : memref<32x128xf32, #tpu.memory_space<vmem>>, vector<1x16xf32>,
      %get3A_390 = vector.shape_cast %get3A_389 : vector<1x16xf32> to vector<16xf32>
      %swap3A_391 = arith.constant 0 : index
      %swap3A_392 = tpu.vector_load %arg12[%swap3A_391] {strides = array<i32>} : memref<32xf32, #tpu.memory_space<vmem>>, vector<16xf32>,
      %swap3A_393 = vector.shape_cast %swap3A_392 : vector<16xf32> to vector<16xf32>
      %swap3A_394 = vector.shape_cast %get3A_390 : vector<16xf32> to vector<16xf32>
      tpu.vector_store %arg12[%swap3A_391], %swap3A_394 {strides = array<i32>} : memref<32xf32, #tpu.memory_space<vmem>>, vector<16xf32>,
      %get3A_395 = arith.index_cast %and3A_203 : i32 to index
      %get3A_396 = tpu.vector_load %arg12[%get3A_395] {strides = array<i32>} : memref<32xf32, #tpu.memory_space<vmem>>, vector<16xf32>,
      %get3A_397 = vector.shape_cast %get3A_396 : vector<16xf32> to vector<16xf32>
      %slice3A_398 = vector.extract_strided_slice %get3A_397 {offsets = [0], sizes = [1], strides = [1]} : vector<16xf32> to vector<1xf32>
      %squeeze3A_399 = vector.extract %slice3A_398[0] : f32 from vector<1xf32>
      %get3A_400 = arith.constant 14 : i32
      %get3A_401 = arith.index_cast %get3A_400 : i32 to index
      %get3A_402 = arith.index_cast %and3A_201 : i32 to index
      %get3A_403 = tpu.vector_load %arg10[%get3A_401, %get3A_402] {strides = array<i32>} : memref<32x128xf32, #tpu.memory_space<vmem>>, vector<1x16xf32>,
      %get3A_404 = vector.shape_cast %get3A_403 : vector<1x16xf32> to vector<16xf32>
      %swap3A_405 = arith.constant 0 : index
      %swap3A_406 = tpu.vector_load %arg12[%swap3A_405] {strides = array<i32>} : memref<32xf32, #tpu.memory_space<vmem>>, vector<16xf32>,
      %swap3A_407 = vector.shape_cast %swap3A_406 : vector<16xf32> to vector<16xf32>
      %swap3A_408 = vector.shape_cast %get3A_404 : vector<16xf32> to vector<16xf32>
      tpu.vector_store %arg12[%swap3A_405], %swap3A_408 {strides = array<i32>} : memref<32xf32, #tpu.memory_space<vmem>>, vector<16xf32>,
      %get3A_409 = arith.index_cast %and3A_203 : i32 to index
      %get3A_410 = tpu.vector_load %arg12[%get3A_409] {strides = array<i32>} : memref<32xf32, #tpu.memory_space<vmem>>, vector<16xf32>,
      %get3A_411 = vector.shape_cast %get3A_410 : vector<16xf32> to vector<16xf32>
      %slice3A_412 = vector.extract_strided_slice %get3A_411 {offsets = [0], sizes = [1], strides = [1]} : vector<16xf32> to vector<1xf32>
      %squeeze3A_413 = vector.extract %slice3A_412[0] : f32 from vector<1xf32>
      %get3A_414 = arith.constant 15 : i32
      %get3A_415 = arith.index_cast %get3A_414 : i32 to index
      %get3A_416 = arith.index_cast %and3A_201 : i32 to index
      %get3A_417 = tpu.vector_load %arg10[%get3A_415, %get3A_416] {strides = array<i32>} : memref<32x128xf32, #tpu.memory_space<vmem>>, vector<1x16xf32>,
      %get3A_418 = vector.shape_cast %get3A_417 : vector<1x16xf32> to vector<16xf32>
      %swap3A_419 = arith.constant 0 : index
      %swap3A_420 = tpu.vector_load %arg12[%swap3A_419] {strides = array<i32>} : memref<32xf32, #tpu.memory_space<vmem>>, vector<16xf32>,
      %swap3A_421 = vector.shape_cast %swap3A_420 : vector<16xf32> to vector<16xf32>
      %swap3A_422 = vector.shape_cast %get3A_418 : vector<16xf32> to vector<16xf32>
      tpu.vector_store %arg12[%swap3A_419], %swap3A_422 {strides = array<i32>} : memref<32xf32, #tpu.memory_space<vmem>>, vector<16xf32>,
      %get3A_423 = arith.index_cast %and3A_203 : i32 to index
      %get3A_424 = tpu.vector_load %arg12[%get3A_423] {strides = array<i32>} : memref<32xf32, #tpu.memory_space<vmem>>, vector<16xf32>,
      %get3A_425 = vector.shape_cast %get3A_424 : vector<16xf32> to vector<16xf32>
      %slice3A_426 = vector.extract_strided_slice %get3A_425 {offsets = [0], sizes = [1], strides = [1]} : vector<16xf32> to vector<1xf32>
      %squeeze3A_427 = vector.extract %slice3A_426[0] : f32 from vector<1xf32>
      %get3A_428 = arith.constant 16 : i32
      %get3A_429 = arith.index_cast %get3A_428 : i32 to index
      %get3A_430 = arith.index_cast %and3A_201 : i32 to index
      %get3A_431 = tpu.vector_load %arg10[%get3A_429, %get3A_430] {strides = array<i32>} : memref<32x128xf32, #tpu.memory_space<vmem>>, vector<1x16xf32>,
      %get3A_432 = vector.shape_cast %get3A_431 : vector<1x16xf32> to vector<16xf32>
      %swap3A_433 = arith.constant 0 : index
      %swap3A_434 = tpu.vector_load %arg12[%swap3A_433] {strides = array<i32>} : memref<32xf32, #tpu.memory_space<vmem>>, vector<16xf32>,
      %swap3A_435 = vector.shape_cast %swap3A_434 : vector<16xf32> to vector<16xf32>
      %swap3A_436 = vector.shape_cast %get3A_432 : vector<16xf32> to vector<16xf32>
      tpu.vector_store %arg12[%swap3A_433], %swap3A_436 {strides = array<i32>} : memref<32xf32, #tpu.memory_space<vmem>>, vector<16xf32>,
      %get3A_437 = arith.index_cast %and3A_203 : i32 to index
      %get3A_438 = tpu.vector_load %arg12[%get3A_437] {strides = array<i32>} : memref<32xf32, #tpu.memory_space<vmem>>, vector<16xf32>,
      %get3A_439 = vector.shape_cast %get3A_438 : vector<16xf32> to vector<16xf32>
      %slice3A_440 = vector.extract_strided_slice %get3A_439 {offsets = [0], sizes = [1], strides = [1]} : vector<16xf32> to vector<1xf32>
      %squeeze3A_441 = vector.extract %slice3A_440[0] : f32 from vector<1xf32>
      %get3A_442 = arith.constant 17 : i32
      %get3A_443 = arith.index_cast %get3A_442 : i32 to index
      %get3A_444 = arith.index_cast %and3A_201 : i32 to index
      %get3A_445 = tpu.vector_load %arg10[%get3A_443, %get3A_444] {strides = array<i32>} : memref<32x128xf32, #tpu.memory_space<vmem>>, vector<1x16xf32>,
      %get3A_446 = vector.shape_cast %get3A_445 : vector<1x16xf32> to vector<16xf32>
      %swap3A_447 = arith.constant 0 : index
      %swap3A_448 = tpu.vector_load %arg12[%swap3A_447] {strides = array<i32>} : memref<32xf32, #tpu.memory_space<vmem>>, vector<16xf32>,
      %swap3A_449 = vector.shape_cast %swap3A_448 : vector<16xf32> to vector<16xf32>
      %swap3A_450 = vector.shape_cast %get3A_446 : vector<16xf32> to vector<16xf32>
      tpu.vector_store %arg12[%swap3A_447], %swap3A_450 {strides = array<i32>} : memref<32xf32, #tpu.memory_space<vmem>>, vector<16xf32>,
      %get3A_451 = arith.index_cast %and3A_203 : i32 to index
      %get3A_452 = tpu.vector_load %arg12[%get3A_451] {strides = array<i32>} : memref<32xf32, #tpu.memory_space<vmem>>, vector<16xf32>,
      %get3A_453 = vector.shape_cast %get3A_452 : vector<16xf32> to vector<16xf32>
      %slice3A_454 = vector.extract_strided_slice %get3A_453 {offsets = [0], sizes = [1], strides = [1]} : vector<16xf32> to vector<1xf32>
      %squeeze3A_455 = vector.extract %slice3A_454[0] : f32 from vector<1xf32>
      %get3A_456 = arith.constant 18 : i32
      %get3A_457 = arith.index_cast %get3A_456 : i32 to index
      %get3A_458 = arith.index_cast %and3A_201 : i32 to index
      %get3A_459 = tpu.vector_load %arg10[%get3A_457, %get3A_458] {strides = array<i32>} : memref<32x128xf32, #tpu.memory_space<vmem>>, vector<1x16xf32>,
      %get3A_460 = vector.shape_cast %get3A_459 : vector<1x16xf32> to vector<16xf32>
      %swap3A_461 = arith.constant 0 : index
      %swap3A_462 = tpu.vector_load %arg12[%swap3A_461] {strides = array<i32>} : memref<32xf32, #tpu.memory_space<vmem>>, vector<16xf32>,
      %swap3A_463 = vector.shape_cast %swap3A_462 : vector<16xf32> to vector<16xf32>
      %swap3A_464 = vector.shape_cast %get3A_460 : vector<16xf32> to vector<16xf32>
      tpu.vector_store %arg12[%swap3A_461], %swap3A_464 {strides = array<i32>} : memref<32xf32, #tpu.memory_space<vmem>>, vector<16xf32>,
      %get3A_465 = arith.index_cast %and3A_203 : i32 to index
      %get3A_466 = tpu.vector_load %arg12[%get3A_465] {strides = array<i32>} : memref<32xf32, #tpu.memory_space<vmem>>, vector<16xf32>,
      %get3A_467 = vector.shape_cast %get3A_466 : vector<16xf32> to vector<16xf32>
      %slice3A_468 = vector.extract_strided_slice %get3A_467 {offsets = [0], sizes = [1], strides = [1]} : vector<16xf32> to vector<1xf32>
      %squeeze3A_469 = vector.extract %slice3A_468[0] : f32 from vector<1xf32>
      %get3A_470 = arith.constant 19 : i32
      %get3A_471 = arith.index_cast %get3A_470 : i32 to index
      %get3A_472 = arith.index_cast %and3A_201 : i32 to index
      %get3A_473 = tpu.vector_load %arg10[%get3A_471, %get3A_472] {strides = array<i32>} : memref<32x128xf32, #tpu.memory_space<vmem>>, vector<1x16xf32>,
      %get3A_474 = vector.shape_cast %get3A_473 : vector<1x16xf32> to vector<16xf32>
      %swap3A_475 = arith.constant 0 : index
      %swap3A_476 = tpu.vector_load %arg12[%swap3A_475] {strides = array<i32>} : memref<32xf32, #tpu.memory_space<vmem>>, vector<16xf32>,
      %swap3A_477 = vector.shape_cast %swap3A_476 : vector<16xf32> to vector<16xf32>
      %swap3A_478 = vector.shape_cast %get3A_474 : vector<16xf32> to vector<16xf32>
      tpu.vector_store %arg12[%swap3A_475], %swap3A_478 {strides = array<i32>} : memref<32xf32, #tpu.memory_space<vmem>>, vector<16xf32>,
      %get3A_479 = arith.index_cast %and3A_203 : i32 to index
      %get3A_480 = tpu.vector_load %arg12[%get3A_479] {strides = array<i32>} : memref<32xf32, #tpu.memory_space<vmem>>, vector<16xf32>,
      %get3A_481 = vector.shape_cast %get3A_480 : vector<16xf32> to vector<16xf32>
      %slice3A_482 = vector.extract_strided_slice %get3A_481 {offsets = [0], sizes = [1], strides = [1]} : vector<16xf32> to vector<1xf32>
      %squeeze3A_483 = vector.extract %slice3A_482[0] : f32 from vector<1xf32>
      %get3A_484 = arith.constant 20 : i32
      %get3A_485 = arith.index_cast %get3A_484 : i32 to index
      %get3A_486 = arith.index_cast %and3A_201 : i32 to index
      %get3A_487 = tpu.vector_load %arg10[%get3A_485, %get3A_486] {strides = array<i32>} : memref<32x128xf32, #tpu.memory_space<vmem>>, vector<1x16xf32>,
      %get3A_488 = vector.shape_cast %get3A_487 : vector<1x16xf32> to vector<16xf32>
      %swap3A_489 = arith.constant 0 : index
      %swap3A_490 = tpu.vector_load %arg12[%swap3A_489] {strides = array<i32>} : memref<32xf32, #tpu.memory_space<vmem>>, vector<16xf32>,
      %swap3A_491 = vector.shape_cast %swap3A_490 : vector<16xf32> to vector<16xf32>
      %swap3A_492 = vector.shape_cast %get3A_488 : vector<16xf32> to vector<16xf32>
      tpu.vector_store %arg12[%swap3A_489], %swap3A_492 {strides = array<i32>} : memref<32xf32, #tpu.memory_space<vmem>>, vector<16xf32>,
      %get3A_493 = arith.index_cast %and3A_203 : i32 to index
      %get3A_494 = tpu.vector_load %arg12[%get3A_493] {strides = array<i32>} : memref<32xf32, #tpu.memory_space<vmem>>, vector<16xf32>,
      %get3A_495 = vector.shape_cast %get3A_494 : vector<16xf32> to vector<16xf32>
      %slice3A_496 = vector.extract_strided_slice %get3A_495 {offsets = [0], sizes = [1], strides = [1]} : vector<16xf32> to vector<1xf32>
      %squeeze3A_497 = vector.extract %slice3A_496[0] : f32 from vector<1xf32>
      %get3A_498 = arith.constant 21 : i32
      %get3A_499 = arith.index_cast %get3A_498 : i32 to index
      %get3A_500 = arith.index_cast %and3A_201 : i32 to index
      %get3A_501 = tpu.vector_load %arg10[%get3A_499, %get3A_500] {strides = array<i32>} : memref<32x128xf32, #tpu.memory_space<vmem>>, vector<1x16xf32>,
      %get3A_502 = vector.shape_cast %get3A_501 : vector<1x16xf32> to vector<16xf32>
      %swap3A_503 = arith.constant 0 : index
      %swap3A_504 = tpu.vector_load %arg12[%swap3A_503] {strides = array<i32>} : memref<32xf32, #tpu.memory_space<vmem>>, vector<16xf32>,
      %swap3A_505 = vector.shape_cast %swap3A_504 : vector<16xf32> to vector<16xf32>
      %swap3A_506 = vector.shape_cast %get3A_502 : vector<16xf32> to vector<16xf32>
      tpu.vector_store %arg12[%swap3A_503], %swap3A_506 {strides = array<i32>} : memref<32xf32, #tpu.memory_space<vmem>>, vector<16xf32>,
      %get3A_507 = arith.index_cast %and3A_203 : i32 to index
      %get3A_508 = tpu.vector_load %arg12[%get3A_507] {strides = array<i32>} : memref<32xf32, #tpu.memory_space<vmem>>, vector<16xf32>,
      %get3A_509 = vector.shape_cast %get3A_508 : vector<16xf32> to vector<16xf32>
      %slice3A_510 = vector.extract_strided_slice %get3A_509 {offsets = [0], sizes = [1], strides = [1]} : vector<16xf32> to vector<1xf32>
      %squeeze3A_511 = vector.extract %slice3A_510[0] : f32 from vector<1xf32>
      %get3A_512 = arith.constant 22 : i32
      %get3A_513 = arith.index_cast %get3A_512 : i32 to index
      %get3A_514 = arith.index_cast %and3A_201 : i32 to index
      %get3A_515 = tpu.vector_load %arg10[%get3A_513, %get3A_514] {strides = array<i32>} : memref<32x128xf32, #tpu.memory_space<vmem>>, vector<1x16xf32>,
      %get3A_516 = vector.shape_cast %get3A_515 : vector<1x16xf32> to vector<16xf32>
      %swap3A_517 = arith.constant 0 : index
      %swap3A_518 = tpu.vector_load %arg12[%swap3A_517] {strides = array<i32>} : memref<32xf32, #tpu.memory_space<vmem>>, vector<16xf32>,
      %swap3A_519 = vector.shape_cast %swap3A_518 : vector<16xf32> to vector<16xf32>
      %swap3A_520 = vector.shape_cast %get3A_516 : vector<16xf32> to vector<16xf32>
      tpu.vector_store %arg12[%swap3A_517], %swap3A_520 {strides = array<i32>} : memref<32xf32, #tpu.memory_space<vmem>>, vector<16xf32>,
      %get3A_521 = arith.index_cast %and3A_203 : i32 to index
      %get3A_522 = tpu.vector_load %arg12[%get3A_521] {strides = array<i32>} : memref<32xf32, #tpu.memory_space<vmem>>, vector<16xf32>,
      %get3A_523 = vector.shape_cast %get3A_522 : vector<16xf32> to vector<16xf32>
      %slice3A_524 = vector.extract_strided_slice %get3A_523 {offsets = [0], sizes = [1], strides = [1]} : vector<16xf32> to vector<1xf32>
      %squeeze3A_525 = vector.extract %slice3A_524[0] : f32 from vector<1xf32>
      %get3A_526 = arith.constant 23 : i32
      %get3A_527 = arith.index_cast %get3A_526 : i32 to index
      %get3A_528 = arith.index_cast %and3A_201 : i32 to index
      %get3A_529 = tpu.vector_load %arg10[%get3A_527, %get3A_528] {strides = array<i32>} : memref<32x128xf32, #tpu.memory_space<vmem>>, vector<1x16xf32>,
      %get3A_530 = vector.shape_cast %get3A_529 : vector<1x16xf32> to vector<16xf32>
      %swap3A_531 = arith.constant 0 : index
      %swap3A_532 = tpu.vector_load %arg12[%swap3A_531] {strides = array<i32>} : memref<32xf32, #tpu.memory_space<vmem>>, vector<16xf32>,
      %swap3A_533 = vector.shape_cast %swap3A_532 : vector<16xf32> to vector<16xf32>
      %swap3A_534 = vector.shape_cast %get3A_530 : vector<16xf32> to vector<16xf32>
      tpu.vector_store %arg12[%swap3A_531], %swap3A_534 {strides = array<i32>} : memref<32xf32, #tpu.memory_space<vmem>>, vector<16xf32>,
      %get3A_535 = arith.index_cast %and3A_203 : i32 to index
      %get3A_536 = tpu.vector_load %arg12[%get3A_535] {strides = array<i32>} : memref<32xf32, #tpu.memory_space<vmem>>, vector<16xf32>,
      %get3A_537 = vector.shape_cast %get3A_536 : vector<16xf32> to vector<16xf32>
      %slice3A_538 = vector.extract_strided_slice %get3A_537 {offsets = [0], sizes = [1], strides = [1]} : vector<16xf32> to vector<1xf32>
      %squeeze3A_539 = vector.extract %slice3A_538[0] : f32 from vector<1xf32>
      %get3A_540 = arith.constant 24 : i32
      %get3A_541 = arith.index_cast %get3A_540 : i32 to index
      %get3A_542 = arith.index_cast %and3A_201 : i32 to index
      %get3A_543 = tpu.vector_load %arg10[%get3A_541, %get3A_542] {strides = array<i32>} : memref<32x128xf32, #tpu.memory_space<vmem>>, vector<1x16xf32>,
      %get3A_544 = vector.shape_cast %get3A_543 : vector<1x16xf32> to vector<16xf32>
      %swap3A_545 = arith.constant 0 : index
      %swap3A_546 = tpu.vector_load %arg12[%swap3A_545] {strides = array<i32>} : memref<32xf32, #tpu.memory_space<vmem>>, vector<16xf32>,
      %swap3A_547 = vector.shape_cast %swap3A_546 : vector<16xf32> to vector<16xf32>
      %swap3A_548 = vector.shape_cast %get3A_544 : vector<16xf32> to vector<16xf32>
      tpu.vector_store %arg12[%swap3A_545], %swap3A_548 {strides = array<i32>} : memref<32xf32, #tpu.memory_space<vmem>>, vector<16xf32>,
      %get3A_549 = arith.index_cast %and3A_203 : i32 to index
      %get3A_550 = tpu.vector_load %arg12[%get3A_549] {strides = array<i32>} : memref<32xf32, #tpu.memory_space<vmem>>, vector<16xf32>,
      %get3A_551 = vector.shape_cast %get3A_550 : vector<16xf32> to vector<16xf32>
      %slice3A_552 = vector.extract_strided_slice %get3A_551 {offsets = [0], sizes = [1], strides = [1]} : vector<16xf32> to vector<1xf32>
      %squeeze3A_553 = vector.extract %slice3A_552[0] : f32 from vector<1xf32>
      %get3A_554 = arith.constant 25 : i32
      %get3A_555 = arith.index_cast %get3A_554 : i32 to index
      %get3A_556 = arith.index_cast %and3A_201 : i32 to index
      %get3A_557 = tpu.vector_load %arg10[%get3A_555, %get3A_556] {strides = array<i32>} : memref<32x128xf32, #tpu.memory_space<vmem>>, vector<1x16xf32>,
      %get3A_558 = vector.shape_cast %get3A_557 : vector<1x16xf32> to vector<16xf32>
      %swap3A_559 = arith.constant 0 : index
      %swap3A_560 = tpu.vector_load %arg12[%swap3A_559] {strides = array<i32>} : memref<32xf32, #tpu.memory_space<vmem>>, vector<16xf32>,
      %swap3A_561 = vector.shape_cast %swap3A_560 : vector<16xf32> to vector<16xf32>
      %swap3A_562 = vector.shape_cast %get3A_558 : vector<16xf32> to vector<16xf32>
      tpu.vector_store %arg12[%swap3A_559], %swap3A_562 {strides = array<i32>} : memref<32xf32, #tpu.memory_space<vmem>>, vector<16xf32>,
      %get3A_563 = arith.index_cast %and3A_203 : i32 to index
      %get3A_564 = tpu.vector_load %arg12[%get3A_563] {strides = array<i32>} : memref<32xf32, #tpu.memory_space<vmem>>, vector<16xf32>,
      %get3A_565 = vector.shape_cast %get3A_564 : vector<16xf32> to vector<16xf32>
      %slice3A_566 = vector.extract_strided_slice %get3A_565 {offsets = [0], sizes = [1], strides = [1]} : vector<16xf32> to vector<1xf32>
      %squeeze3A_567 = vector.extract %slice3A_566[0] : f32 from vector<1xf32>
      %get3A_568 = arith.constant 26 : i32
      %get3A_569 = arith.index_cast %get3A_568 : i32 to index
      %get3A_570 = arith.index_cast %and3A_201 : i32 to index
      %get3A_571 = tpu.vector_load %arg10[%get3A_569, %get3A_570] {strides = array<i32>} : memref<32x128xf32, #tpu.memory_space<vmem>>, vector<1x16xf32>,
      %get3A_572 = vector.shape_cast %get3A_571 : vector<1x16xf32> to vector<16xf32>
      %swap3A_573 = arith.constant 0 : index
      %swap3A_574 = tpu.vector_load %arg12[%swap3A_573] {strides = array<i32>} : memref<32xf32, #tpu.memory_space<vmem>>, vector<16xf32>,
      %swap3A_575 = vector.shape_cast %swap3A_574 : vector<16xf32> to vector<16xf32>
      %swap3A_576 = vector.shape_cast %get3A_572 : vector<16xf32> to vector<16xf32>
      tpu.vector_store %arg12[%swap3A_573], %swap3A_576 {strides = array<i32>} : memref<32xf32, #tpu.memory_space<vmem>>, vector<16xf32>,
      %get3A_577 = arith.index_cast %and3A_203 : i32 to index
      %get3A_578 = tpu.vector_load %arg12[%get3A_577] {strides = array<i32>} : memref<32xf32, #tpu.memory_space<vmem>>, vector<16xf32>,
      %get3A_579 = vector.shape_cast %get3A_578 : vector<16xf32> to vector<16xf32>
      %slice3A_580 = vector.extract_strided_slice %get3A_579 {offsets = [0], sizes = [1], strides = [1]} : vector<16xf32> to vector<1xf32>
      %squeeze3A_581 = vector.extract %slice3A_580[0] : f32 from vector<1xf32>
      %get3A_582 = arith.constant 27 : i32
      %get3A_583 = arith.index_cast %get3A_582 : i32 to index
      %get3A_584 = arith.index_cast %and3A_201 : i32 to index
      %get3A_585 = tpu.vector_load %arg10[%get3A_583, %get3A_584] {strides = array<i32>} : memref<32x128xf32, #tpu.memory_space<vmem>>, vector<1x16xf32>,
      %get3A_586 = vector.shape_cast %get3A_585 : vector<1x16xf32> to vector<16xf32>
      %swap3A_587 = arith.constant 0 : index
      %swap3A_588 = tpu.vector_load %arg12[%swap3A_587] {strides = array<i32>} : memref<32xf32, #tpu.memory_space<vmem>>, vector<16xf32>,
      %swap3A_589 = vector.shape_cast %swap3A_588 : vector<16xf32> to vector<16xf32>
      %swap3A_590 = vector.shape_cast %get3A_586 : vector<16xf32> to vector<16xf32>
      tpu.vector_store %arg12[%swap3A_587], %swap3A_590 {strides = array<i32>} : memref<32xf32, #tpu.memory_space<vmem>>, vector<16xf32>,
      %get3A_591 = arith.index_cast %and3A_203 : i32 to index
      %get3A_592 = tpu.vector_load %arg12[%get3A_591] {strides = array<i32>} : memref<32xf32, #tpu.memory_space<vmem>>, vector<16xf32>,
      %get3A_593 = vector.shape_cast %get3A_592 : vector<16xf32> to vector<16xf32>
      %slice3A_594 = vector.extract_strided_slice %get3A_593 {offsets = [0], sizes = [1], strides = [1]} : vector<16xf32> to vector<1xf32>
      %squeeze3A_595 = vector.extract %slice3A_594[0] : f32 from vector<1xf32>
      %get3A_596 = arith.constant 28 : i32
      %get3A_597 = arith.index_cast %get3A_596 : i32 to index
      %get3A_598 = arith.index_cast %and3A_201 : i32 to index
      %get3A_599 = tpu.vector_load %arg10[%get3A_597, %get3A_598] {strides = array<i32>} : memref<32x128xf32, #tpu.memory_space<vmem>>, vector<1x16xf32>,
      %get3A_600 = vector.shape_cast %get3A_599 : vector<1x16xf32> to vector<16xf32>
      %swap3A_601 = arith.constant 0 : index
      %swap3A_602 = tpu.vector_load %arg12[%swap3A_601] {strides = array<i32>} : memref<32xf32, #tpu.memory_space<vmem>>, vector<16xf32>,
      %swap3A_603 = vector.shape_cast %swap3A_602 : vector<16xf32> to vector<16xf32>
      %swap3A_604 = vector.shape_cast %get3A_600 : vector<16xf32> to vector<16xf32>
      tpu.vector_store %arg12[%swap3A_601], %swap3A_604 {strides = array<i32>} : memref<32xf32, #tpu.memory_space<vmem>>, vector<16xf32>,
      %get3A_605 = arith.index_cast %and3A_203 : i32 to index
      %get3A_606 = tpu.vector_load %arg12[%get3A_605] {strides = array<i32>} : memref<32xf32, #tpu.memory_space<vmem>>, vector<16xf32>,
      %get3A_607 = vector.shape_cast %get3A_606 : vector<16xf32> to vector<16xf32>
      %slice3A_608 = vector.extract_strided_slice %get3A_607 {offsets = [0], sizes = [1], strides = [1]} : vector<16xf32> to vector<1xf32>
      %squeeze3A_609 = vector.extract %slice3A_608[0] : f32 from vector<1xf32>
      %get3A_610 = arith.constant 29 : i32
      %get3A_611 = arith.index_cast %get3A_610 : i32 to index
      %get3A_612 = arith.index_cast %and3A_201 : i32 to index
      %get3A_613 = tpu.vector_load %arg10[%get3A_611, %get3A_612] {strides = array<i32>} : memref<32x128xf32, #tpu.memory_space<vmem>>, vector<1x16xf32>,
      %get3A_614 = vector.shape_cast %get3A_613 : vector<1x16xf32> to vector<16xf32>
      %swap3A_615 = arith.constant 0 : index
      %swap3A_616 = tpu.vector_load %arg12[%swap3A_615] {strides = array<i32>} : memref<32xf32, #tpu.memory_space<vmem>>, vector<16xf32>,
      %swap3A_617 = vector.shape_cast %swap3A_616 : vector<16xf32> to vector<16xf32>
      %swap3A_618 = vector.shape_cast %get3A_614 : vector<16xf32> to vector<16xf32>
      tpu.vector_store %arg12[%swap3A_615], %swap3A_618 {strides = array<i32>} : memref<32xf32, #tpu.memory_space<vmem>>, vector<16xf32>,
      %get3A_619 = arith.index_cast %and3A_203 : i32 to index
      %get3A_620 = tpu.vector_load %arg12[%get3A_619] {strides = array<i32>} : memref<32xf32, #tpu.memory_space<vmem>>, vector<16xf32>,
      %get3A_621 = vector.shape_cast %get3A_620 : vector<16xf32> to vector<16xf32>
      %slice3A_622 = vector.extract_strided_slice %get3A_621 {offsets = [0], sizes = [1], strides = [1]} : vector<16xf32> to vector<1xf32>
      %squeeze3A_623 = vector.extract %slice3A_622[0] : f32 from vector<1xf32>
      %get3A_624 = arith.constant 30 : i32
      %get3A_625 = arith.index_cast %get3A_624 : i32 to index
      %get3A_626 = arith.index_cast %and3A_201 : i32 to index
      %get3A_627 = tpu.vector_load %arg10[%get3A_625, %get3A_626] {strides = array<i32>} : memref<32x128xf32, #tpu.memory_space<vmem>>, vector<1x16xf32>,
      %get3A_628 = vector.shape_cast %get3A_627 : vector<1x16xf32> to vector<16xf32>
      %swap3A_629 = arith.constant 0 : index
      %swap3A_630 = tpu.vector_load %arg12[%swap3A_629] {strides = array<i32>} : memref<32xf32, #tpu.memory_space<vmem>>, vector<16xf32>,
      %swap3A_631 = vector.shape_cast %swap3A_630 : vector<16xf32> to vector<16xf32>
      %swap3A_632 = vector.shape_cast %get3A_628 : vector<16xf32> to vector<16xf32>
      tpu.vector_store %arg12[%swap3A_629], %swap3A_632 {strides = array<i32>} : memref<32xf32, #tpu.memory_space<vmem>>, vector<16xf32>,
      %get3A_633 = arith.index_cast %and3A_203 : i32 to index
      %get3A_634 = tpu.vector_load %arg12[%get3A_633] {strides = array<i32>} : memref<32xf32, #tpu.memory_space<vmem>>, vector<16xf32>,
      %get3A_635 = vector.shape_cast %get3A_634 : vector<16xf32> to vector<16xf32>
      %slice3A_636 = vector.extract_strided_slice %get3A_635 {offsets = [0], sizes = [1], strides = [1]} : vector<16xf32> to vector<1xf32>
      %squeeze3A_637 = vector.extract %slice3A_636[0] : f32 from vector<1xf32>
      %get3A_638 = arith.constant 31 : i32
      %get3A_639 = arith.index_cast %get3A_638 : i32 to index
      %get3A_640 = arith.index_cast %and3A_201 : i32 to index
      %get3A_641 = tpu.vector_load %arg10[%get3A_639, %get3A_640] {strides = array<i32>} : memref<32x128xf32, #tpu.memory_space<vmem>>, vector<1x16xf32>,
      %get3A_642 = vector.shape_cast %get3A_641 : vector<1x16xf32> to vector<16xf32>
      %swap3A_643 = arith.constant 0 : index
      %swap3A_644 = tpu.vector_load %arg12[%swap3A_643] {strides = array<i32>} : memref<32xf32, #tpu.memory_space<vmem>>, vector<16xf32>,
      %swap3A_645 = vector.shape_cast %swap3A_644 : vector<16xf32> to vector<16xf32>
      %swap3A_646 = vector.shape_cast %get3A_642 : vector<16xf32> to vector<16xf32>
      tpu.vector_store %arg12[%swap3A_643], %swap3A_646 {strides = array<i32>} : memref<32xf32, #tpu.memory_space<vmem>>, vector<16xf32>,
      %get3A_647 = arith.index_cast %and3A_203 : i32 to index
      %get3A_648 = tpu.vector_load %arg12[%get3A_647] {strides = array<i32>} : memref<32xf32, #tpu.memory_space<vmem>>, vector<16xf32>,
      %get3A_649 = vector.shape_cast %get3A_648 : vector<16xf32> to vector<16xf32>
      %slice3A_650 = vector.extract_strided_slice %get3A_649 {offsets = [0], sizes = [1], strides = [1]} : vector<16xf32> to vector<1xf32>
      %squeeze3A_651 = vector.extract %slice3A_650[0] : f32 from vector<1xf32>
      %iota3A = tpu.iota {dimensions = array<i32: 0>} : vector<16xi32>
      %broadcast_in_dim3A_652 = arith.constant -3.000000e+01 : f32
      %broadcast_in_dim3A_653 = vector.broadcast %broadcast_in_dim3A_652 : f32 to vector<16xf32>
      %and3A_654 = arith.constant 112 : i32
      %and3A_655 = arith.andi %select_n3A, %and3A_654 : i32
      %and3A_656 = arith.constant 15 : i32
      %and3A_657 = arith.andi %select_n3A, %and3A_656 : i32
      %broadcast_in_dim3A_658 = arith.constant 0.000000e+00 : f32
      %broadcast_in_dim3A_659 = vector.broadcast %broadcast_in_dim3A_658 : f32 to vector<16xf32>
      %get3A_660 = arith.constant 0 : i32
      %get3A_661 = arith.constant 0 : i32
      %get3A_662 = arith.index_cast %get3A_660 : i32 to index
      %get3A_663 = arith.index_cast %get3A_661 : i32 to index
      %get3A_664 = arith.index_cast %and3A_655 : i32 to index
      %get3A_665 = tpu.vector_load %arg11[%get3A_662, %get3A_663, %get3A_664] {strides = array<i32>} : memref<4x32x128xf32, #tpu.memory_space<vmem>>, vector<1x1x16xf32>,
      %get3A_666 = vector.shape_cast %get3A_665 : vector<1x1x16xf32> to vector<16xf32>
      %mul3A_667 = vector.broadcast %squeeze3A_217 : f32 to vector<16xf32>
      %mul3A_668 = arith.mulf %mul3A_667, %get3A_666 : vector<16xf32>
      %add3A_669 = arith.addf %broadcast_in_dim3A_659, %mul3A_668 : vector<16xf32>
      %get3A_670 = arith.constant 0 : i32
      %get3A_671 = arith.constant 1 : i32
      %get3A_672 = arith.index_cast %get3A_670 : i32 to index
      %get3A_673 = arith.index_cast %get3A_671 : i32 to index
      %get3A_674 = arith.index_cast %and3A_655 : i32 to index
      %get3A_675 = tpu.vector_load %arg11[%get3A_672, %get3A_673, %get3A_674] {strides = array<i32>} : memref<4x32x128xf32, #tpu.memory_space<vmem>>, vector<1x1x16xf32>,
      %get3A_676 = vector.shape_cast %get3A_675 : vector<1x1x16xf32> to vector<16xf32>
      %mul3A_677 = vector.broadcast %squeeze3A_231 : f32 to vector<16xf32>
      %mul3A_678 = arith.mulf %mul3A_677, %get3A_676 : vector<16xf32>
      %add3A_679 = arith.addf %add3A_669, %mul3A_678 : vector<16xf32>
      %get3A_680 = arith.constant 0 : i32
      %get3A_681 = arith.constant 2 : i32
      %get3A_682 = arith.index_cast %get3A_680 : i32 to index
      %get3A_683 = arith.index_cast %get3A_681 : i32 to index
      %get3A_684 = arith.index_cast %and3A_655 : i32 to index
      %get3A_685 = tpu.vector_load %arg11[%get3A_682, %get3A_683, %get3A_684] {strides = array<i32>} : memref<4x32x128xf32, #tpu.memory_space<vmem>>, vector<1x1x16xf32>,
      %get3A_686 = vector.shape_cast %get3A_685 : vector<1x1x16xf32> to vector<16xf32>
      %mul3A_687 = vector.broadcast %squeeze3A_245 : f32 to vector<16xf32>
      %mul3A_688 = arith.mulf %mul3A_687, %get3A_686 : vector<16xf32>
      %add3A_689 = arith.addf %add3A_679, %mul3A_688 : vector<16xf32>
      %get3A_690 = arith.constant 0 : i32
      %get3A_691 = arith.constant 3 : i32
      %get3A_692 = arith.index_cast %get3A_690 : i32 to index
      %get3A_693 = arith.index_cast %get3A_691 : i32 to index
      %get3A_694 = arith.index_cast %and3A_655 : i32 to index
      %get3A_695 = tpu.vector_load %arg11[%get3A_692, %get3A_693, %get3A_694] {strides = array<i32>} : memref<4x32x128xf32, #tpu.memory_space<vmem>>, vector<1x1x16xf32>,
      %get3A_696 = vector.shape_cast %get3A_695 : vector<1x1x16xf32> to vector<16xf32>
      %mul3A_697 = vector.broadcast %squeeze3A_259 : f32 to vector<16xf32>
      %mul3A_698 = arith.mulf %mul3A_697, %get3A_696 : vector<16xf32>
      %add3A_699 = arith.addf %add3A_689, %mul3A_698 : vector<16xf32>
      %get3A_700 = arith.constant 0 : i32
      %get3A_701 = arith.constant 4 : i32
      %get3A_702 = arith.index_cast %get3A_700 : i32 to index
      %get3A_703 = arith.index_cast %get3A_701 : i32 to index
      %get3A_704 = arith.index_cast %and3A_655 : i32 to index
      %get3A_705 = tpu.vector_load %arg11[%get3A_702, %get3A_703, %get3A_704] {strides = array<i32>} : memref<4x32x128xf32, #tpu.memory_space<vmem>>, vector<1x1x16xf32>,
      %get3A_706 = vector.shape_cast %get3A_705 : vector<1x1x16xf32> to vector<16xf32>
      %mul3A_707 = vector.broadcast %squeeze3A_273 : f32 to vector<16xf32>
      %mul3A_708 = arith.mulf %mul3A_707, %get3A_706 : vector<16xf32>
      %add3A_709 = arith.addf %add3A_699, %mul3A_708 : vector<16xf32>
      %get3A_710 = arith.constant 0 : i32
      %get3A_711 = arith.constant 5 : i32
      %get3A_712 = arith.index_cast %get3A_710 : i32 to index
      %get3A_713 = arith.index_cast %get3A_711 : i32 to index
      %get3A_714 = arith.index_cast %and3A_655 : i32 to index
      %get3A_715 = tpu.vector_load %arg11[%get3A_712, %get3A_713, %get3A_714] {strides = array<i32>} : memref<4x32x128xf32, #tpu.memory_space<vmem>>, vector<1x1x16xf32>,
      %get3A_716 = vector.shape_cast %get3A_715 : vector<1x1x16xf32> to vector<16xf32>
      %mul3A_717 = vector.broadcast %squeeze3A_287 : f32 to vector<16xf32>
      %mul3A_718 = arith.mulf %mul3A_717, %get3A_716 : vector<16xf32>
      %add3A_719 = arith.addf %add3A_709, %mul3A_718 : vector<16xf32>
      %get3A_720 = arith.constant 0 : i32
      %get3A_721 = arith.constant 6 : i32
      %get3A_722 = arith.index_cast %get3A_720 : i32 to index
      %get3A_723 = arith.index_cast %get3A_721 : i32 to index
      %get3A_724 = arith.index_cast %and3A_655 : i32 to index
      %get3A_725 = tpu.vector_load %arg11[%get3A_722, %get3A_723, %get3A_724] {strides = array<i32>} : memref<4x32x128xf32, #tpu.memory_space<vmem>>, vector<1x1x16xf32>,
      %get3A_726 = vector.shape_cast %get3A_725 : vector<1x1x16xf32> to vector<16xf32>
      %mul3A_727 = vector.broadcast %squeeze3A_301 : f32 to vector<16xf32>
      %mul3A_728 = arith.mulf %mul3A_727, %get3A_726 : vector<16xf32>
      %add3A_729 = arith.addf %add3A_719, %mul3A_728 : vector<16xf32>
      %get3A_730 = arith.constant 0 : i32
      %get3A_731 = arith.constant 7 : i32
      %get3A_732 = arith.index_cast %get3A_730 : i32 to index
      %get3A_733 = arith.index_cast %get3A_731 : i32 to index
      %get3A_734 = arith.index_cast %and3A_655 : i32 to index
      %get3A_735 = tpu.vector_load %arg11[%get3A_732, %get3A_733, %get3A_734] {strides = array<i32>} : memref<4x32x128xf32, #tpu.memory_space<vmem>>, vector<1x1x16xf32>,
      %get3A_736 = vector.shape_cast %get3A_735 : vector<1x1x16xf32> to vector<16xf32>
      %mul3A_737 = vector.broadcast %squeeze3A_315 : f32 to vector<16xf32>
      %mul3A_738 = arith.mulf %mul3A_737, %get3A_736 : vector<16xf32>
      %add3A_739 = arith.addf %add3A_729, %mul3A_738 : vector<16xf32>
      %get3A_740 = arith.constant 0 : i32
      %get3A_741 = arith.constant 8 : i32
      %get3A_742 = arith.index_cast %get3A_740 : i32 to index
      %get3A_743 = arith.index_cast %get3A_741 : i32 to index
      %get3A_744 = arith.index_cast %and3A_655 : i32 to index
      %get3A_745 = tpu.vector_load %arg11[%get3A_742, %get3A_743, %get3A_744] {strides = array<i32>} : memref<4x32x128xf32, #tpu.memory_space<vmem>>, vector<1x1x16xf32>,
      %get3A_746 = vector.shape_cast %get3A_745 : vector<1x1x16xf32> to vector<16xf32>
      %mul3A_747 = vector.broadcast %squeeze3A_329 : f32 to vector<16xf32>
      %mul3A_748 = arith.mulf %mul3A_747, %get3A_746 : vector<16xf32>
      %add3A_749 = arith.addf %add3A_739, %mul3A_748 : vector<16xf32>
      %get3A_750 = arith.constant 0 : i32
      %get3A_751 = arith.constant 9 : i32
      %get3A_752 = arith.index_cast %get3A_750 : i32 to index
      %get3A_753 = arith.index_cast %get3A_751 : i32 to index
      %get3A_754 = arith.index_cast %and3A_655 : i32 to index
      %get3A_755 = tpu.vector_load %arg11[%get3A_752, %get3A_753, %get3A_754] {strides = array<i32>} : memref<4x32x128xf32, #tpu.memory_space<vmem>>, vector<1x1x16xf32>,
      %get3A_756 = vector.shape_cast %get3A_755 : vector<1x1x16xf32> to vector<16xf32>
      %mul3A_757 = vector.broadcast %squeeze3A_343 : f32 to vector<16xf32>
      %mul3A_758 = arith.mulf %mul3A_757, %get3A_756 : vector<16xf32>
      %add3A_759 = arith.addf %add3A_749, %mul3A_758 : vector<16xf32>
      %get3A_760 = arith.constant 0 : i32
      %get3A_761 = arith.constant 10 : i32
      %get3A_762 = arith.index_cast %get3A_760 : i32 to index
      %get3A_763 = arith.index_cast %get3A_761 : i32 to index
      %get3A_764 = arith.index_cast %and3A_655 : i32 to index
      %get3A_765 = tpu.vector_load %arg11[%get3A_762, %get3A_763, %get3A_764] {strides = array<i32>} : memref<4x32x128xf32, #tpu.memory_space<vmem>>, vector<1x1x16xf32>,
      %get3A_766 = vector.shape_cast %get3A_765 : vector<1x1x16xf32> to vector<16xf32>
      %mul3A_767 = vector.broadcast %squeeze3A_357 : f32 to vector<16xf32>
      %mul3A_768 = arith.mulf %mul3A_767, %get3A_766 : vector<16xf32>
      %add3A_769 = arith.addf %add3A_759, %mul3A_768 : vector<16xf32>
      %get3A_770 = arith.constant 0 : i32
      %get3A_771 = arith.constant 11 : i32
      %get3A_772 = arith.index_cast %get3A_770 : i32 to index
      %get3A_773 = arith.index_cast %get3A_771 : i32 to index
      %get3A_774 = arith.index_cast %and3A_655 : i32 to index
      %get3A_775 = tpu.vector_load %arg11[%get3A_772, %get3A_773, %get3A_774] {strides = array<i32>} : memref<4x32x128xf32, #tpu.memory_space<vmem>>, vector<1x1x16xf32>,
      %get3A_776 = vector.shape_cast %get3A_775 : vector<1x1x16xf32> to vector<16xf32>
      %mul3A_777 = vector.broadcast %squeeze3A_371 : f32 to vector<16xf32>
      %mul3A_778 = arith.mulf %mul3A_777, %get3A_776 : vector<16xf32>
      %add3A_779 = arith.addf %add3A_769, %mul3A_778 : vector<16xf32>
      %get3A_780 = arith.constant 0 : i32
      %get3A_781 = arith.constant 12 : i32
      %get3A_782 = arith.index_cast %get3A_780 : i32 to index
      %get3A_783 = arith.index_cast %get3A_781 : i32 to index
      %get3A_784 = arith.index_cast %and3A_655 : i32 to index
      %get3A_785 = tpu.vector_load %arg11[%get3A_782, %get3A_783, %get3A_784] {strides = array<i32>} : memref<4x32x128xf32, #tpu.memory_space<vmem>>, vector<1x1x16xf32>,
      %get3A_786 = vector.shape_cast %get3A_785 : vector<1x1x16xf32> to vector<16xf32>
      %mul3A_787 = vector.broadcast %squeeze3A_385 : f32 to vector<16xf32>
      %mul3A_788 = arith.mulf %mul3A_787, %get3A_786 : vector<16xf32>
      %add3A_789 = arith.addf %add3A_779, %mul3A_788 : vector<16xf32>
      %get3A_790 = arith.constant 0 : i32
      %get3A_791 = arith.constant 13 : i32
      %get3A_792 = arith.index_cast %get3A_790 : i32 to index
      %get3A_793 = arith.index_cast %get3A_791 : i32 to index
      %get3A_794 = arith.index_cast %and3A_655 : i32 to index
      %get3A_795 = tpu.vector_load %arg11[%get3A_792, %get3A_793, %get3A_794] {strides = array<i32>} : memref<4x32x128xf32, #tpu.memory_space<vmem>>, vector<1x1x16xf32>,
      %get3A_796 = vector.shape_cast %get3A_795 : vector<1x1x16xf32> to vector<16xf32>
      %mul3A_797 = vector.broadcast %squeeze3A_399 : f32 to vector<16xf32>
      %mul3A_798 = arith.mulf %mul3A_797, %get3A_796 : vector<16xf32>
      %add3A_799 = arith.addf %add3A_789, %mul3A_798 : vector<16xf32>
      %get3A_800 = arith.constant 0 : i32
      %get3A_801 = arith.constant 14 : i32
      %get3A_802 = arith.index_cast %get3A_800 : i32 to index
      %get3A_803 = arith.index_cast %get3A_801 : i32 to index
      %get3A_804 = arith.index_cast %and3A_655 : i32 to index
      %get3A_805 = tpu.vector_load %arg11[%get3A_802, %get3A_803, %get3A_804] {strides = array<i32>} : memref<4x32x128xf32, #tpu.memory_space<vmem>>, vector<1x1x16xf32>,
      %get3A_806 = vector.shape_cast %get3A_805 : vector<1x1x16xf32> to vector<16xf32>
      %mul3A_807 = vector.broadcast %squeeze3A_413 : f32 to vector<16xf32>
      %mul3A_808 = arith.mulf %mul3A_807, %get3A_806 : vector<16xf32>
      %add3A_809 = arith.addf %add3A_799, %mul3A_808 : vector<16xf32>
      %get3A_810 = arith.constant 0 : i32
      %get3A_811 = arith.constant 15 : i32
      %get3A_812 = arith.index_cast %get3A_810 : i32 to index
      %get3A_813 = arith.index_cast %get3A_811 : i32 to index
      %get3A_814 = arith.index_cast %and3A_655 : i32 to index
      %get3A_815 = tpu.vector_load %arg11[%get3A_812, %get3A_813, %get3A_814] {strides = array<i32>} : memref<4x32x128xf32, #tpu.memory_space<vmem>>, vector<1x1x16xf32>,
      %get3A_816 = vector.shape_cast %get3A_815 : vector<1x1x16xf32> to vector<16xf32>
      %mul3A_817 = vector.broadcast %squeeze3A_427 : f32 to vector<16xf32>
      %mul3A_818 = arith.mulf %mul3A_817, %get3A_816 : vector<16xf32>
      %add3A_819 = arith.addf %add3A_809, %mul3A_818 : vector<16xf32>
      %get3A_820 = arith.constant 0 : i32
      %get3A_821 = arith.constant 16 : i32
      %get3A_822 = arith.index_cast %get3A_820 : i32 to index
      %get3A_823 = arith.index_cast %get3A_821 : i32 to index
      %get3A_824 = arith.index_cast %and3A_655 : i32 to index
      %get3A_825 = tpu.vector_load %arg11[%get3A_822, %get3A_823, %get3A_824] {strides = array<i32>} : memref<4x32x128xf32, #tpu.memory_space<vmem>>, vector<1x1x16xf32>,
      %get3A_826 = vector.shape_cast %get3A_825 : vector<1x1x16xf32> to vector<16xf32>
      %mul3A_827 = vector.broadcast %squeeze3A_441 : f32 to vector<16xf32>
      %mul3A_828 = arith.mulf %mul3A_827, %get3A_826 : vector<16xf32>
      %add3A_829 = arith.addf %add3A_819, %mul3A_828 : vector<16xf32>
      %get3A_830 = arith.constant 0 : i32
      %get3A_831 = arith.constant 17 : i32
      %get3A_832 = arith.index_cast %get3A_830 : i32 to index
      %get3A_833 = arith.index_cast %get3A_831 : i32 to index
      %get3A_834 = arith.index_cast %and3A_655 : i32 to index
      %get3A_835 = tpu.vector_load %arg11[%get3A_832, %get3A_833, %get3A_834] {strides = array<i32>} : memref<4x32x128xf32, #tpu.memory_space<vmem>>, vector<1x1x16xf32>,
      %get3A_836 = vector.shape_cast %get3A_835 : vector<1x1x16xf32> to vector<16xf32>
      %mul3A_837 = vector.broadcast %squeeze3A_455 : f32 to vector<16xf32>
      %mul3A_838 = arith.mulf %mul3A_837, %get3A_836 : vector<16xf32>
      %add3A_839 = arith.addf %add3A_829, %mul3A_838 : vector<16xf32>
      %get3A_840 = arith.constant 0 : i32
      %get3A_841 = arith.constant 18 : i32
      %get3A_842 = arith.index_cast %get3A_840 : i32 to index
      %get3A_843 = arith.index_cast %get3A_841 : i32 to index
      %get3A_844 = arith.index_cast %and3A_655 : i32 to index
      %get3A_845 = tpu.vector_load %arg11[%get3A_842, %get3A_843, %get3A_844] {strides = array<i32>} : memref<4x32x128xf32, #tpu.memory_space<vmem>>, vector<1x1x16xf32>,
      %get3A_846 = vector.shape_cast %get3A_845 : vector<1x1x16xf32> to vector<16xf32>
      %mul3A_847 = vector.broadcast %squeeze3A_469 : f32 to vector<16xf32>
      %mul3A_848 = arith.mulf %mul3A_847, %get3A_846 : vector<16xf32>
      %add3A_849 = arith.addf %add3A_839, %mul3A_848 : vector<16xf32>
      %get3A_850 = arith.constant 0 : i32
      %get3A_851 = arith.constant 19 : i32
      %get3A_852 = arith.index_cast %get3A_850 : i32 to index
      %get3A_853 = arith.index_cast %get3A_851 : i32 to index
      %get3A_854 = arith.index_cast %and3A_655 : i32 to index
      %get3A_855 = tpu.vector_load %arg11[%get3A_852, %get3A_853, %get3A_854] {strides = array<i32>} : memref<4x32x128xf32, #tpu.memory_space<vmem>>, vector<1x1x16xf32>,
      %get3A_856 = vector.shape_cast %get3A_855 : vector<1x1x16xf32> to vector<16xf32>
      %mul3A_857 = vector.broadcast %squeeze3A_483 : f32 to vector<16xf32>
      %mul3A_858 = arith.mulf %mul3A_857, %get3A_856 : vector<16xf32>
      %add3A_859 = arith.addf %add3A_849, %mul3A_858 : vector<16xf32>
      %get3A_860 = arith.constant 0 : i32
      %get3A_861 = arith.constant 20 : i32
      %get3A_862 = arith.index_cast %get3A_860 : i32 to index
      %get3A_863 = arith.index_cast %get3A_861 : i32 to index
      %get3A_864 = arith.index_cast %and3A_655 : i32 to index
      %get3A_865 = tpu.vector_load %arg11[%get3A_862, %get3A_863, %get3A_864] {strides = array<i32>} : memref<4x32x128xf32, #tpu.memory_space<vmem>>, vector<1x1x16xf32>,
      %get3A_866 = vector.shape_cast %get3A_865 : vector<1x1x16xf32> to vector<16xf32>
      %mul3A_867 = vector.broadcast %squeeze3A_497 : f32 to vector<16xf32>
      %mul3A_868 = arith.mulf %mul3A_867, %get3A_866 : vector<16xf32>
      %add3A_869 = arith.addf %add3A_859, %mul3A_868 : vector<16xf32>
      %get3A_870 = arith.constant 0 : i32
      %get3A_871 = arith.constant 21 : i32
      %get3A_872 = arith.index_cast %get3A_870 : i32 to index
      %get3A_873 = arith.index_cast %get3A_871 : i32 to index
      %get3A_874 = arith.index_cast %and3A_655 : i32 to index
      %get3A_875 = tpu.vector_load %arg11[%get3A_872, %get3A_873, %get3A_874] {strides = array<i32>} : memref<4x32x128xf32, #tpu.memory_space<vmem>>, vector<1x1x16xf32>,
      %get3A_876 = vector.shape_cast %get3A_875 : vector<1x1x16xf32> to vector<16xf32>
      %mul3A_877 = vector.broadcast %squeeze3A_511 : f32 to vector<16xf32>
      %mul3A_878 = arith.mulf %mul3A_877, %get3A_876 : vector<16xf32>
      %add3A_879 = arith.addf %add3A_869, %mul3A_878 : vector<16xf32>
      %get3A_880 = arith.constant 0 : i32
      %get3A_881 = arith.constant 22 : i32
      %get3A_882 = arith.index_cast %get3A_880 : i32 to index
      %get3A_883 = arith.index_cast %get3A_881 : i32 to index
      %get3A_884 = arith.index_cast %and3A_655 : i32 to index
      %get3A_885 = tpu.vector_load %arg11[%get3A_882, %get3A_883, %get3A_884] {strides = array<i32>} : memref<4x32x128xf32, #tpu.memory_space<vmem>>, vector<1x1x16xf32>,
      %get3A_886 = vector.shape_cast %get3A_885 : vector<1x1x16xf32> to vector<16xf32>
      %mul3A_887 = vector.broadcast %squeeze3A_525 : f32 to vector<16xf32>
      %mul3A_888 = arith.mulf %mul3A_887, %get3A_886 : vector<16xf32>
      %add3A_889 = arith.addf %add3A_879, %mul3A_888 : vector<16xf32>
      %get3A_890 = arith.constant 0 : i32
      %get3A_891 = arith.constant 23 : i32
      %get3A_892 = arith.index_cast %get3A_890 : i32 to index
      %get3A_893 = arith.index_cast %get3A_891 : i32 to index
      %get3A_894 = arith.index_cast %and3A_655 : i32 to index
      %get3A_895 = tpu.vector_load %arg11[%get3A_892, %get3A_893, %get3A_894] {strides = array<i32>} : memref<4x32x128xf32, #tpu.memory_space<vmem>>, vector<1x1x16xf32>,
      %get3A_896 = vector.shape_cast %get3A_895 : vector<1x1x16xf32> to vector<16xf32>
      %mul3A_897 = vector.broadcast %squeeze3A_539 : f32 to vector<16xf32>
      %mul3A_898 = arith.mulf %mul3A_897, %get3A_896 : vector<16xf32>
      %add3A_899 = arith.addf %add3A_889, %mul3A_898 : vector<16xf32>
      %get3A_900 = arith.constant 0 : i32
      %get3A_901 = arith.constant 24 : i32
      %get3A_902 = arith.index_cast %get3A_900 : i32 to index
      %get3A_903 = arith.index_cast %get3A_901 : i32 to index
      %get3A_904 = arith.index_cast %and3A_655 : i32 to index
      %get3A_905 = tpu.vector_load %arg11[%get3A_902, %get3A_903, %get3A_904] {strides = array<i32>} : memref<4x32x128xf32, #tpu.memory_space<vmem>>, vector<1x1x16xf32>,
      %get3A_906 = vector.shape_cast %get3A_905 : vector<1x1x16xf32> to vector<16xf32>
      %mul3A_907 = vector.broadcast %squeeze3A_553 : f32 to vector<16xf32>
      %mul3A_908 = arith.mulf %mul3A_907, %get3A_906 : vector<16xf32>
      %add3A_909 = arith.addf %add3A_899, %mul3A_908 : vector<16xf32>
      %get3A_910 = arith.constant 0 : i32
      %get3A_911 = arith.constant 25 : i32
      %get3A_912 = arith.index_cast %get3A_910 : i32 to index
      %get3A_913 = arith.index_cast %get3A_911 : i32 to index
      %get3A_914 = arith.index_cast %and3A_655 : i32 to index
      %get3A_915 = tpu.vector_load %arg11[%get3A_912, %get3A_913, %get3A_914] {strides = array<i32>} : memref<4x32x128xf32, #tpu.memory_space<vmem>>, vector<1x1x16xf32>,
      %get3A_916 = vector.shape_cast %get3A_915 : vector<1x1x16xf32> to vector<16xf32>
      %mul3A_917 = vector.broadcast %squeeze3A_567 : f32 to vector<16xf32>
      %mul3A_918 = arith.mulf %mul3A_917, %get3A_916 : vector<16xf32>
      %add3A_919 = arith.addf %add3A_909, %mul3A_918 : vector<16xf32>
      %get3A_920 = arith.constant 0 : i32
      %get3A_921 = arith.constant 26 : i32
      %get3A_922 = arith.index_cast %get3A_920 : i32 to index
      %get3A_923 = arith.index_cast %get3A_921 : i32 to index
      %get3A_924 = arith.index_cast %and3A_655 : i32 to index
      %get3A_925 = tpu.vector_load %arg11[%get3A_922, %get3A_923, %get3A_924] {strides = array<i32>} : memref<4x32x128xf32, #tpu.memory_space<vmem>>, vector<1x1x16xf32>,
      %get3A_926 = vector.shape_cast %get3A_925 : vector<1x1x16xf32> to vector<16xf32>
      %mul3A_927 = vector.broadcast %squeeze3A_581 : f32 to vector<16xf32>
      %mul3A_928 = arith.mulf %mul3A_927, %get3A_926 : vector<16xf32>
      %add3A_929 = arith.addf %add3A_919, %mul3A_928 : vector<16xf32>
      %get3A_930 = arith.constant 0 : i32
      %get3A_931 = arith.constant 27 : i32
      %get3A_932 = arith.index_cast %get3A_930 : i32 to index
      %get3A_933 = arith.index_cast %get3A_931 : i32 to index
      %get3A_934 = arith.index_cast %and3A_655 : i32 to index
      %get3A_935 = tpu.vector_load %arg11[%get3A_932, %get3A_933, %get3A_934] {strides = array<i32>} : memref<4x32x128xf32, #tpu.memory_space<vmem>>, vector<1x1x16xf32>,
      %get3A_936 = vector.shape_cast %get3A_935 : vector<1x1x16xf32> to vector<16xf32>
      %mul3A_937 = vector.broadcast %squeeze3A_595 : f32 to vector<16xf32>
      %mul3A_938 = arith.mulf %mul3A_937, %get3A_936 : vector<16xf32>
      %add3A_939 = arith.addf %add3A_929, %mul3A_938 : vector<16xf32>
      %get3A_940 = arith.constant 0 : i32
      %get3A_941 = arith.constant 28 : i32
      %get3A_942 = arith.index_cast %get3A_940 : i32 to index
      %get3A_943 = arith.index_cast %get3A_941 : i32 to index
      %get3A_944 = arith.index_cast %and3A_655 : i32 to index
      %get3A_945 = tpu.vector_load %arg11[%get3A_942, %get3A_943, %get3A_944] {strides = array<i32>} : memref<4x32x128xf32, #tpu.memory_space<vmem>>, vector<1x1x16xf32>,
      %get3A_946 = vector.shape_cast %get3A_945 : vector<1x1x16xf32> to vector<16xf32>
      %mul3A_947 = vector.broadcast %squeeze3A_609 : f32 to vector<16xf32>
      %mul3A_948 = arith.mulf %mul3A_947, %get3A_946 : vector<16xf32>
      %add3A_949 = arith.addf %add3A_939, %mul3A_948 : vector<16xf32>
      %get3A_950 = arith.constant 0 : i32
      %get3A_951 = arith.constant 29 : i32
      %get3A_952 = arith.index_cast %get3A_950 : i32 to index
      %get3A_953 = arith.index_cast %get3A_951 : i32 to index
      %get3A_954 = arith.index_cast %and3A_655 : i32 to index
      %get3A_955 = tpu.vector_load %arg11[%get3A_952, %get3A_953, %get3A_954] {strides = array<i32>} : memref<4x32x128xf32, #tpu.memory_space<vmem>>, vector<1x1x16xf32>,
      %get3A_956 = vector.shape_cast %get3A_955 : vector<1x1x16xf32> to vector<16xf32>
      %mul3A_957 = vector.broadcast %squeeze3A_623 : f32 to vector<16xf32>
      %mul3A_958 = arith.mulf %mul3A_957, %get3A_956 : vector<16xf32>
      %add3A_959 = arith.addf %add3A_949, %mul3A_958 : vector<16xf32>
      %get3A_960 = arith.constant 0 : i32
      %get3A_961 = arith.constant 30 : i32
      %get3A_962 = arith.index_cast %get3A_960 : i32 to index
      %get3A_963 = arith.index_cast %get3A_961 : i32 to index
      %get3A_964 = arith.index_cast %and3A_655 : i32 to index
      %get3A_965 = tpu.vector_load %arg11[%get3A_962, %get3A_963, %get3A_964] {strides = array<i32>} : memref<4x32x128xf32, #tpu.memory_space<vmem>>, vector<1x1x16xf32>,
      %get3A_966 = vector.shape_cast %get3A_965 : vector<1x1x16xf32> to vector<16xf32>
      %mul3A_967 = vector.broadcast %squeeze3A_637 : f32 to vector<16xf32>
      %mul3A_968 = arith.mulf %mul3A_967, %get3A_966 : vector<16xf32>
      %add3A_969 = arith.addf %add3A_959, %mul3A_968 : vector<16xf32>
      %get3A_970 = arith.constant 0 : i32
      %get3A_971 = arith.constant 31 : i32
      %get3A_972 = arith.index_cast %get3A_970 : i32 to index
      %get3A_973 = arith.index_cast %get3A_971 : i32 to index
      %get3A_974 = arith.index_cast %and3A_655 : i32 to index
      %get3A_975 = tpu.vector_load %arg11[%get3A_972, %get3A_973, %get3A_974] {strides = array<i32>} : memref<4x32x128xf32, #tpu.memory_space<vmem>>, vector<1x1x16xf32>,
      %get3A_976 = vector.shape_cast %get3A_975 : vector<1x1x16xf32> to vector<16xf32>
      %mul3A_977 = vector.broadcast %squeeze3A_651 : f32 to vector<16xf32>
      %mul3A_978 = arith.mulf %mul3A_977, %get3A_976 : vector<16xf32>
      %add3A_979 = arith.addf %add3A_969, %mul3A_978 : vector<16xf32>
      %swap3A_980 = arith.constant 0 : index
      %swap3A_981 = tpu.vector_load %arg12[%swap3A_980] {strides = array<i32>} : memref<32xf32, #tpu.memory_space<vmem>>, vector<16xf32>,
      %swap3A_982 = vector.shape_cast %swap3A_981 : vector<16xf32> to vector<16xf32>
      %swap3A_983 = vector.shape_cast %add3A_979 : vector<16xf32> to vector<16xf32>
      tpu.vector_store %arg12[%swap3A_980], %swap3A_983 {strides = array<i32>} : memref<32xf32, #tpu.memory_space<vmem>>, vector<16xf32>,
      %get3A_984 = arith.index_cast %and3A_657 : i32 to index
      %get3A_985 = tpu.vector_load %arg12[%get3A_984] {strides = array<i32>} : memref<32xf32, #tpu.memory_space<vmem>>, vector<16xf32>,
      %get3A_986 = vector.shape_cast %get3A_985 : vector<16xf32> to vector<16xf32>
      %slice3A_987 = vector.extract_strided_slice %get3A_986 {offsets = [0], sizes = [1], strides = [1]} : vector<16xf32> to vector<1xf32>
      %squeeze3A_988 = vector.extract %slice3A_987[0] : f32 from vector<1xf32>
      %eq3A_989 = arith.constant 56 : i32
      %eq3A_990 = arith.cmpi eq, %add3A_49, %eq3A_989 : i32
      %neg3A = arith.constant 0.000000e+00 : f32
      %neg3A_991 = arith.subf %neg3A, %squeeze3A_988 : f32
      %lt3A_992 = arith.constant 50 : i32
      %lt3A_993 = arith.cmpi slt, %add3A_49, %lt3A_992 : i32
      %jit3A_994 = arith.constant -3.000000e+01 : f32
      %select_n3A_995 = arith.select %lt3A_993, %squeeze3A_988, %jit3A_994 : f32
      %select_n3A_996 = arith.select %eq3A_990, %neg3A_991, %select_n3A_995 : f32
      %eq3A_997 = arith.constant 0 : i32
      %eq3A_998 = vector.broadcast %eq3A_997 : i32 to vector<16xi32>
      %eq3A_999 = arith.cmpi eq, %iota3A, %eq3A_998 : vector<16xi32>
      %broadcast_in_dim3A_1000 = vector.broadcast %select_n3A_996 : f32 to vector<16xf32>
      %select_n3A_1001 = arith.select %eq3A_999, %broadcast_in_dim3A_1000, %broadcast_in_dim3A_653 : vector<16xi1>, vector<16xf32>
      %and3A_1002 = arith.constant 112 : i32
      %and3A_1003 = arith.andi %select_n3A_75, %and3A_1002 : i32
      %and3A_1004 = arith.constant 15 : i32
      %and3A_1005 = arith.andi %select_n3A_75, %and3A_1004 : i32
      %broadcast_in_dim3A_1006 = arith.constant 0.000000e+00 : f32
      %broadcast_in_dim3A_1007 = vector.broadcast %broadcast_in_dim3A_1006 : f32 to vector<16xf32>
      %get3A_1008 = arith.constant 1 : i32
      %get3A_1009 = arith.constant 0 : i32
      %get3A_1010 = arith.index_cast %get3A_1008 : i32 to index
      %get3A_1011 = arith.index_cast %get3A_1009 : i32 to index
      %get3A_1012 = arith.index_cast %and3A_1003 : i32 to index
      %get3A_1013 = tpu.vector_load %arg11[%get3A_1010, %get3A_1011, %get3A_1012] {strides = array<i32>} : memref<4x32x128xf32, #tpu.memory_space<vmem>>, vector<1x1x16xf32>,
      %get3A_1014 = vector.shape_cast %get3A_1013 : vector<1x1x16xf32> to vector<16xf32>
      %mul3A_1015 = vector.broadcast %squeeze3A_217 : f32 to vector<16xf32>
      %mul3A_1016 = arith.mulf %mul3A_1015, %get3A_1014 : vector<16xf32>
      %add3A_1017 = arith.addf %broadcast_in_dim3A_1007, %mul3A_1016 : vector<16xf32>
      %get3A_1018 = arith.constant 1 : i32
      %get3A_1019 = arith.constant 1 : i32
      %get3A_1020 = arith.index_cast %get3A_1018 : i32 to index
      %get3A_1021 = arith.index_cast %get3A_1019 : i32 to index
      %get3A_1022 = arith.index_cast %and3A_1003 : i32 to index
      %get3A_1023 = tpu.vector_load %arg11[%get3A_1020, %get3A_1021, %get3A_1022] {strides = array<i32>} : memref<4x32x128xf32, #tpu.memory_space<vmem>>, vector<1x1x16xf32>,
      %get3A_1024 = vector.shape_cast %get3A_1023 : vector<1x1x16xf32> to vector<16xf32>
      %mul3A_1025 = vector.broadcast %squeeze3A_231 : f32 to vector<16xf32>
      %mul3A_1026 = arith.mulf %mul3A_1025, %get3A_1024 : vector<16xf32>
      %add3A_1027 = arith.addf %add3A_1017, %mul3A_1026 : vector<16xf32>
      %get3A_1028 = arith.constant 1 : i32
      %get3A_1029 = arith.constant 2 : i32
      %get3A_1030 = arith.index_cast %get3A_1028 : i32 to index
      %get3A_1031 = arith.index_cast %get3A_1029 : i32 to index
      %get3A_1032 = arith.index_cast %and3A_1003 : i32 to index
      %get3A_1033 = tpu.vector_load %arg11[%get3A_1030, %get3A_1031, %get3A_1032] {strides = array<i32>} : memref<4x32x128xf32, #tpu.memory_space<vmem>>, vector<1x1x16xf32>,
      %get3A_1034 = vector.shape_cast %get3A_1033 : vector<1x1x16xf32> to vector<16xf32>
      %mul3A_1035 = vector.broadcast %squeeze3A_245 : f32 to vector<16xf32>
      %mul3A_1036 = arith.mulf %mul3A_1035, %get3A_1034 : vector<16xf32>
      %add3A_1037 = arith.addf %add3A_1027, %mul3A_1036 : vector<16xf32>
      %get3A_1038 = arith.constant 1 : i32
      %get3A_1039 = arith.constant 3 : i32
      %get3A_1040 = arith.index_cast %get3A_1038 : i32 to index
      %get3A_1041 = arith.index_cast %get3A_1039 : i32 to index
      %get3A_1042 = arith.index_cast %and3A_1003 : i32 to index
      %get3A_1043 = tpu.vector_load %arg11[%get3A_1040, %get3A_1041, %get3A_1042] {strides = array<i32>} : memref<4x32x128xf32, #tpu.memory_space<vmem>>, vector<1x1x16xf32>,
      %get3A_1044 = vector.shape_cast %get3A_1043 : vector<1x1x16xf32> to vector<16xf32>
      %mul3A_1045 = vector.broadcast %squeeze3A_259 : f32 to vector<16xf32>
      %mul3A_1046 = arith.mulf %mul3A_1045, %get3A_1044 : vector<16xf32>
      %add3A_1047 = arith.addf %add3A_1037, %mul3A_1046 : vector<16xf32>
      %get3A_1048 = arith.constant 1 : i32
      %get3A_1049 = arith.constant 4 : i32
      %get3A_1050 = arith.index_cast %get3A_1048 : i32 to index
      %get3A_1051 = arith.index_cast %get3A_1049 : i32 to index
      %get3A_1052 = arith.index_cast %and3A_1003 : i32 to index
      %get3A_1053 = tpu.vector_load %arg11[%get3A_1050, %get3A_1051, %get3A_1052] {strides = array<i32>} : memref<4x32x128xf32, #tpu.memory_space<vmem>>, vector<1x1x16xf32>,
      %get3A_1054 = vector.shape_cast %get3A_1053 : vector<1x1x16xf32> to vector<16xf32>
      %mul3A_1055 = vector.broadcast %squeeze3A_273 : f32 to vector<16xf32>
      %mul3A_1056 = arith.mulf %mul3A_1055, %get3A_1054 : vector<16xf32>
      %add3A_1057 = arith.addf %add3A_1047, %mul3A_1056 : vector<16xf32>
      %get3A_1058 = arith.constant 1 : i32
      %get3A_1059 = arith.constant 5 : i32
      %get3A_1060 = arith.index_cast %get3A_1058 : i32 to index
      %get3A_1061 = arith.index_cast %get3A_1059 : i32 to index
      %get3A_1062 = arith.index_cast %and3A_1003 : i32 to index
      %get3A_1063 = tpu.vector_load %arg11[%get3A_1060, %get3A_1061, %get3A_1062] {strides = array<i32>} : memref<4x32x128xf32, #tpu.memory_space<vmem>>, vector<1x1x16xf32>,
      %get3A_1064 = vector.shape_cast %get3A_1063 : vector<1x1x16xf32> to vector<16xf32>
      %mul3A_1065 = vector.broadcast %squeeze3A_287 : f32 to vector<16xf32>
      %mul3A_1066 = arith.mulf %mul3A_1065, %get3A_1064 : vector<16xf32>
      %add3A_1067 = arith.addf %add3A_1057, %mul3A_1066 : vector<16xf32>
      %get3A_1068 = arith.constant 1 : i32
      %get3A_1069 = arith.constant 6 : i32
      %get3A_1070 = arith.index_cast %get3A_1068 : i32 to index
      %get3A_1071 = arith.index_cast %get3A_1069 : i32 to index
      %get3A_1072 = arith.index_cast %and3A_1003 : i32 to index
      %get3A_1073 = tpu.vector_load %arg11[%get3A_1070, %get3A_1071, %get3A_1072] {strides = array<i32>} : memref<4x32x128xf32, #tpu.memory_space<vmem>>, vector<1x1x16xf32>,
      %get3A_1074 = vector.shape_cast %get3A_1073 : vector<1x1x16xf32> to vector<16xf32>
      %mul3A_1075 = vector.broadcast %squeeze3A_301 : f32 to vector<16xf32>
      %mul3A_1076 = arith.mulf %mul3A_1075, %get3A_1074 : vector<16xf32>
      %add3A_1077 = arith.addf %add3A_1067, %mul3A_1076 : vector<16xf32>
      %get3A_1078 = arith.constant 1 : i32
      %get3A_1079 = arith.constant 7 : i32
      %get3A_1080 = arith.index_cast %get3A_1078 : i32 to index
      %get3A_1081 = arith.index_cast %get3A_1079 : i32 to index
      %get3A_1082 = arith.index_cast %and3A_1003 : i32 to index
      %get3A_1083 = tpu.vector_load %arg11[%get3A_1080, %get3A_1081, %get3A_1082] {strides = array<i32>} : memref<4x32x128xf32, #tpu.memory_space<vmem>>, vector<1x1x16xf32>,
      %get3A_1084 = vector.shape_cast %get3A_1083 : vector<1x1x16xf32> to vector<16xf32>
      %mul3A_1085 = vector.broadcast %squeeze3A_315 : f32 to vector<16xf32>
      %mul3A_1086 = arith.mulf %mul3A_1085, %get3A_1084 : vector<16xf32>
      %add3A_1087 = arith.addf %add3A_1077, %mul3A_1086 : vector<16xf32>
      %get3A_1088 = arith.constant 1 : i32
      %get3A_1089 = arith.constant 8 : i32
      %get3A_1090 = arith.index_cast %get3A_1088 : i32 to index
      %get3A_1091 = arith.index_cast %get3A_1089 : i32 to index
      %get3A_1092 = arith.index_cast %and3A_1003 : i32 to index
      %get3A_1093 = tpu.vector_load %arg11[%get3A_1090, %get3A_1091, %get3A_1092] {strides = array<i32>} : memref<4x32x128xf32, #tpu.memory_space<vmem>>, vector<1x1x16xf32>,
      %get3A_1094 = vector.shape_cast %get3A_1093 : vector<1x1x16xf32> to vector<16xf32>
      %mul3A_1095 = vector.broadcast %squeeze3A_329 : f32 to vector<16xf32>
      %mul3A_1096 = arith.mulf %mul3A_1095, %get3A_1094 : vector<16xf32>
      %add3A_1097 = arith.addf %add3A_1087, %mul3A_1096 : vector<16xf32>
      %get3A_1098 = arith.constant 1 : i32
      %get3A_1099 = arith.constant 9 : i32
      %get3A_1100 = arith.index_cast %get3A_1098 : i32 to index
      %get3A_1101 = arith.index_cast %get3A_1099 : i32 to index
      %get3A_1102 = arith.index_cast %and3A_1003 : i32 to index
      %get3A_1103 = tpu.vector_load %arg11[%get3A_1100, %get3A_1101, %get3A_1102] {strides = array<i32>} : memref<4x32x128xf32, #tpu.memory_space<vmem>>, vector<1x1x16xf32>,
      %get3A_1104 = vector.shape_cast %get3A_1103 : vector<1x1x16xf32> to vector<16xf32>
      %mul3A_1105 = vector.broadcast %squeeze3A_343 : f32 to vector<16xf32>
      %mul3A_1106 = arith.mulf %mul3A_1105, %get3A_1104 : vector<16xf32>
      %add3A_1107 = arith.addf %add3A_1097, %mul3A_1106 : vector<16xf32>
      %get3A_1108 = arith.constant 1 : i32
      %get3A_1109 = arith.constant 10 : i32
      %get3A_1110 = arith.index_cast %get3A_1108 : i32 to index
      %get3A_1111 = arith.index_cast %get3A_1109 : i32 to index
      %get3A_1112 = arith.index_cast %and3A_1003 : i32 to index
      %get3A_1113 = tpu.vector_load %arg11[%get3A_1110, %get3A_1111, %get3A_1112] {strides = array<i32>} : memref<4x32x128xf32, #tpu.memory_space<vmem>>, vector<1x1x16xf32>,
      %get3A_1114 = vector.shape_cast %get3A_1113 : vector<1x1x16xf32> to vector<16xf32>
      %mul3A_1115 = vector.broadcast %squeeze3A_357 : f32 to vector<16xf32>
      %mul3A_1116 = arith.mulf %mul3A_1115, %get3A_1114 : vector<16xf32>
      %add3A_1117 = arith.addf %add3A_1107, %mul3A_1116 : vector<16xf32>
      %get3A_1118 = arith.constant 1 : i32
      %get3A_1119 = arith.constant 11 : i32
      %get3A_1120 = arith.index_cast %get3A_1118 : i32 to index
      %get3A_1121 = arith.index_cast %get3A_1119 : i32 to index
      %get3A_1122 = arith.index_cast %and3A_1003 : i32 to index
      %get3A_1123 = tpu.vector_load %arg11[%get3A_1120, %get3A_1121, %get3A_1122] {strides = array<i32>} : memref<4x32x128xf32, #tpu.memory_space<vmem>>, vector<1x1x16xf32>,
      %get3A_1124 = vector.shape_cast %get3A_1123 : vector<1x1x16xf32> to vector<16xf32>
      %mul3A_1125 = vector.broadcast %squeeze3A_371 : f32 to vector<16xf32>
      %mul3A_1126 = arith.mulf %mul3A_1125, %get3A_1124 : vector<16xf32>
      %add3A_1127 = arith.addf %add3A_1117, %mul3A_1126 : vector<16xf32>
      %get3A_1128 = arith.constant 1 : i32
      %get3A_1129 = arith.constant 12 : i32
      %get3A_1130 = arith.index_cast %get3A_1128 : i32 to index
      %get3A_1131 = arith.index_cast %get3A_1129 : i32 to index
      %get3A_1132 = arith.index_cast %and3A_1003 : i32 to index
      %get3A_1133 = tpu.vector_load %arg11[%get3A_1130, %get3A_1131, %get3A_1132] {strides = array<i32>} : memref<4x32x128xf32, #tpu.memory_space<vmem>>, vector<1x1x16xf32>,
      %get3A_1134 = vector.shape_cast %get3A_1133 : vector<1x1x16xf32> to vector<16xf32>
      %mul3A_1135 = vector.broadcast %squeeze3A_385 : f32 to vector<16xf32>
      %mul3A_1136 = arith.mulf %mul3A_1135, %get3A_1134 : vector<16xf32>
      %add3A_1137 = arith.addf %add3A_1127, %mul3A_1136 : vector<16xf32>
      %get3A_1138 = arith.constant 1 : i32
      %get3A_1139 = arith.constant 13 : i32
      %get3A_1140 = arith.index_cast %get3A_1138 : i32 to index
      %get3A_1141 = arith.index_cast %get3A_1139 : i32 to index
      %get3A_1142 = arith.index_cast %and3A_1003 : i32 to index
      %get3A_1143 = tpu.vector_load %arg11[%get3A_1140, %get3A_1141, %get3A_1142] {strides = array<i32>} : memref<4x32x128xf32, #tpu.memory_space<vmem>>, vector<1x1x16xf32>,
      %get3A_1144 = vector.shape_cast %get3A_1143 : vector<1x1x16xf32> to vector<16xf32>
      %mul3A_1145 = vector.broadcast %squeeze3A_399 : f32 to vector<16xf32>
      %mul3A_1146 = arith.mulf %mul3A_1145, %get3A_1144 : vector<16xf32>
      %add3A_1147 = arith.addf %add3A_1137, %mul3A_1146 : vector<16xf32>
      %get3A_1148 = arith.constant 1 : i32
      %get3A_1149 = arith.constant 14 : i32
      %get3A_1150 = arith.index_cast %get3A_1148 : i32 to index
      %get3A_1151 = arith.index_cast %get3A_1149 : i32 to index
      %get3A_1152 = arith.index_cast %and3A_1003 : i32 to index
      %get3A_1153 = tpu.vector_load %arg11[%get3A_1150, %get3A_1151, %get3A_1152] {strides = array<i32>} : memref<4x32x128xf32, #tpu.memory_space<vmem>>, vector<1x1x16xf32>,
      %get3A_1154 = vector.shape_cast %get3A_1153 : vector<1x1x16xf32> to vector<16xf32>
      %mul3A_1155 = vector.broadcast %squeeze3A_413 : f32 to vector<16xf32>
      %mul3A_1156 = arith.mulf %mul3A_1155, %get3A_1154 : vector<16xf32>
      %add3A_1157 = arith.addf %add3A_1147, %mul3A_1156 : vector<16xf32>
      %get3A_1158 = arith.constant 1 : i32
      %get3A_1159 = arith.constant 15 : i32
      %get3A_1160 = arith.index_cast %get3A_1158 : i32 to index
      %get3A_1161 = arith.index_cast %get3A_1159 : i32 to index
      %get3A_1162 = arith.index_cast %and3A_1003 : i32 to index
      %get3A_1163 = tpu.vector_load %arg11[%get3A_1160, %get3A_1161, %get3A_1162] {strides = array<i32>} : memref<4x32x128xf32, #tpu.memory_space<vmem>>, vector<1x1x16xf32>,
      %get3A_1164 = vector.shape_cast %get3A_1163 : vector<1x1x16xf32> to vector<16xf32>
      %mul3A_1165 = vector.broadcast %squeeze3A_427 : f32 to vector<16xf32>
      %mul3A_1166 = arith.mulf %mul3A_1165, %get3A_1164 : vector<16xf32>
      %add3A_1167 = arith.addf %add3A_1157, %mul3A_1166 : vector<16xf32>
      %get3A_1168 = arith.constant 1 : i32
      %get3A_1169 = arith.constant 16 : i32
      %get3A_1170 = arith.index_cast %get3A_1168 : i32 to index
      %get3A_1171 = arith.index_cast %get3A_1169 : i32 to index
      %get3A_1172 = arith.index_cast %and3A_1003 : i32 to index
      %get3A_1173 = tpu.vector_load %arg11[%get3A_1170, %get3A_1171, %get3A_1172] {strides = array<i32>} : memref<4x32x128xf32, #tpu.memory_space<vmem>>, vector<1x1x16xf32>,
      %get3A_1174 = vector.shape_cast %get3A_1173 : vector<1x1x16xf32> to vector<16xf32>
      %mul3A_1175 = vector.broadcast %squeeze3A_441 : f32 to vector<16xf32>
      %mul3A_1176 = arith.mulf %mul3A_1175, %get3A_1174 : vector<16xf32>
      %add3A_1177 = arith.addf %add3A_1167, %mul3A_1176 : vector<16xf32>
      %get3A_1178 = arith.constant 1 : i32
      %get3A_1179 = arith.constant 17 : i32
      %get3A_1180 = arith.index_cast %get3A_1178 : i32 to index
      %get3A_1181 = arith.index_cast %get3A_1179 : i32 to index
      %get3A_1182 = arith.index_cast %and3A_1003 : i32 to index
      %get3A_1183 = tpu.vector_load %arg11[%get3A_1180, %get3A_1181, %get3A_1182] {strides = array<i32>} : memref<4x32x128xf32, #tpu.memory_space<vmem>>, vector<1x1x16xf32>,
      %get3A_1184 = vector.shape_cast %get3A_1183 : vector<1x1x16xf32> to vector<16xf32>
      %mul3A_1185 = vector.broadcast %squeeze3A_455 : f32 to vector<16xf32>
      %mul3A_1186 = arith.mulf %mul3A_1185, %get3A_1184 : vector<16xf32>
      %add3A_1187 = arith.addf %add3A_1177, %mul3A_1186 : vector<16xf32>
      %get3A_1188 = arith.constant 1 : i32
      %get3A_1189 = arith.constant 18 : i32
      %get3A_1190 = arith.index_cast %get3A_1188 : i32 to index
      %get3A_1191 = arith.index_cast %get3A_1189 : i32 to index
      %get3A_1192 = arith.index_cast %and3A_1003 : i32 to index
      %get3A_1193 = tpu.vector_load %arg11[%get3A_1190, %get3A_1191, %get3A_1192] {strides = array<i32>} : memref<4x32x128xf32, #tpu.memory_space<vmem>>, vector<1x1x16xf32>,
      %get3A_1194 = vector.shape_cast %get3A_1193 : vector<1x1x16xf32> to vector<16xf32>
      %mul3A_1195 = vector.broadcast %squeeze3A_469 : f32 to vector<16xf32>
      %mul3A_1196 = arith.mulf %mul3A_1195, %get3A_1194 : vector<16xf32>
      %add3A_1197 = arith.addf %add3A_1187, %mul3A_1196 : vector<16xf32>
      %get3A_1198 = arith.constant 1 : i32
      %get3A_1199 = arith.constant 19 : i32
      %get3A_1200 = arith.index_cast %get3A_1198 : i32 to index
      %get3A_1201 = arith.index_cast %get3A_1199 : i32 to index
      %get3A_1202 = arith.index_cast %and3A_1003 : i32 to index
      %get3A_1203 = tpu.vector_load %arg11[%get3A_1200, %get3A_1201, %get3A_1202] {strides = array<i32>} : memref<4x32x128xf32, #tpu.memory_space<vmem>>, vector<1x1x16xf32>,
      %get3A_1204 = vector.shape_cast %get3A_1203 : vector<1x1x16xf32> to vector<16xf32>
      %mul3A_1205 = vector.broadcast %squeeze3A_483 : f32 to vector<16xf32>
      %mul3A_1206 = arith.mulf %mul3A_1205, %get3A_1204 : vector<16xf32>
      %add3A_1207 = arith.addf %add3A_1197, %mul3A_1206 : vector<16xf32>
      %get3A_1208 = arith.constant 1 : i32
      %get3A_1209 = arith.constant 20 : i32
      %get3A_1210 = arith.index_cast %get3A_1208 : i32 to index
      %get3A_1211 = arith.index_cast %get3A_1209 : i32 to index
      %get3A_1212 = arith.index_cast %and3A_1003 : i32 to index
      %get3A_1213 = tpu.vector_load %arg11[%get3A_1210, %get3A_1211, %get3A_1212] {strides = array<i32>} : memref<4x32x128xf32, #tpu.memory_space<vmem>>, vector<1x1x16xf32>,
      %get3A_1214 = vector.shape_cast %get3A_1213 : vector<1x1x16xf32> to vector<16xf32>
      %mul3A_1215 = vector.broadcast %squeeze3A_497 : f32 to vector<16xf32>
      %mul3A_1216 = arith.mulf %mul3A_1215, %get3A_1214 : vector<16xf32>
      %add3A_1217 = arith.addf %add3A_1207, %mul3A_1216 : vector<16xf32>
      %get3A_1218 = arith.constant 1 : i32
      %get3A_1219 = arith.constant 21 : i32
      %get3A_1220 = arith.index_cast %get3A_1218 : i32 to index
      %get3A_1221 = arith.index_cast %get3A_1219 : i32 to index
      %get3A_1222 = arith.index_cast %and3A_1003 : i32 to index
      %get3A_1223 = tpu.vector_load %arg11[%get3A_1220, %get3A_1221, %get3A_1222] {strides = array<i32>} : memref<4x32x128xf32, #tpu.memory_space<vmem>>, vector<1x1x16xf32>,
      %get3A_1224 = vector.shape_cast %get3A_1223 : vector<1x1x16xf32> to vector<16xf32>
      %mul3A_1225 = vector.broadcast %squeeze3A_511 : f32 to vector<16xf32>
      %mul3A_1226 = arith.mulf %mul3A_1225, %get3A_1224 : vector<16xf32>
      %add3A_1227 = arith.addf %add3A_1217, %mul3A_1226 : vector<16xf32>
      %get3A_1228 = arith.constant 1 : i32
      %get3A_1229 = arith.constant 22 : i32
      %get3A_1230 = arith.index_cast %get3A_1228 : i32 to index
      %get3A_1231 = arith.index_cast %get3A_1229 : i32 to index
      %get3A_1232 = arith.index_cast %and3A_1003 : i32 to index
      %get3A_1233 = tpu.vector_load %arg11[%get3A_1230, %get3A_1231, %get3A_1232] {strides = array<i32>} : memref<4x32x128xf32, #tpu.memory_space<vmem>>, vector<1x1x16xf32>,
      %get3A_1234 = vector.shape_cast %get3A_1233 : vector<1x1x16xf32> to vector<16xf32>
      %mul3A_1235 = vector.broadcast %squeeze3A_525 : f32 to vector<16xf32>
      %mul3A_1236 = arith.mulf %mul3A_1235, %get3A_1234 : vector<16xf32>
      %add3A_1237 = arith.addf %add3A_1227, %mul3A_1236 : vector<16xf32>
      %get3A_1238 = arith.constant 1 : i32
      %get3A_1239 = arith.constant 23 : i32
      %get3A_1240 = arith.index_cast %get3A_1238 : i32 to index
      %get3A_1241 = arith.index_cast %get3A_1239 : i32 to index
      %get3A_1242 = arith.index_cast %and3A_1003 : i32 to index
      %get3A_1243 = tpu.vector_load %arg11[%get3A_1240, %get3A_1241, %get3A_1242] {strides = array<i32>} : memref<4x32x128xf32, #tpu.memory_space<vmem>>, vector<1x1x16xf32>,
      %get3A_1244 = vector.shape_cast %get3A_1243 : vector<1x1x16xf32> to vector<16xf32>
      %mul3A_1245 = vector.broadcast %squeeze3A_539 : f32 to vector<16xf32>
      %mul3A_1246 = arith.mulf %mul3A_1245, %get3A_1244 : vector<16xf32>
      %add3A_1247 = arith.addf %add3A_1237, %mul3A_1246 : vector<16xf32>
      %get3A_1248 = arith.constant 1 : i32
      %get3A_1249 = arith.constant 24 : i32
      %get3A_1250 = arith.index_cast %get3A_1248 : i32 to index
      %get3A_1251 = arith.index_cast %get3A_1249 : i32 to index
      %get3A_1252 = arith.index_cast %and3A_1003 : i32 to index
      %get3A_1253 = tpu.vector_load %arg11[%get3A_1250, %get3A_1251, %get3A_1252] {strides = array<i32>} : memref<4x32x128xf32, #tpu.memory_space<vmem>>, vector<1x1x16xf32>,
      %get3A_1254 = vector.shape_cast %get3A_1253 : vector<1x1x16xf32> to vector<16xf32>
      %mul3A_1255 = vector.broadcast %squeeze3A_553 : f32 to vector<16xf32>
      %mul3A_1256 = arith.mulf %mul3A_1255, %get3A_1254 : vector<16xf32>
      %add3A_1257 = arith.addf %add3A_1247, %mul3A_1256 : vector<16xf32>
      %get3A_1258 = arith.constant 1 : i32
      %get3A_1259 = arith.constant 25 : i32
      %get3A_1260 = arith.index_cast %get3A_1258 : i32 to index
      %get3A_1261 = arith.index_cast %get3A_1259 : i32 to index
      %get3A_1262 = arith.index_cast %and3A_1003 : i32 to index
      %get3A_1263 = tpu.vector_load %arg11[%get3A_1260, %get3A_1261, %get3A_1262] {strides = array<i32>} : memref<4x32x128xf32, #tpu.memory_space<vmem>>, vector<1x1x16xf32>,
      %get3A_1264 = vector.shape_cast %get3A_1263 : vector<1x1x16xf32> to vector<16xf32>
      %mul3A_1265 = vector.broadcast %squeeze3A_567 : f32 to vector<16xf32>
      %mul3A_1266 = arith.mulf %mul3A_1265, %get3A_1264 : vector<16xf32>
      %add3A_1267 = arith.addf %add3A_1257, %mul3A_1266 : vector<16xf32>
      %get3A_1268 = arith.constant 1 : i32
      %get3A_1269 = arith.constant 26 : i32
      %get3A_1270 = arith.index_cast %get3A_1268 : i32 to index
      %get3A_1271 = arith.index_cast %get3A_1269 : i32 to index
      %get3A_1272 = arith.index_cast %and3A_1003 : i32 to index
      %get3A_1273 = tpu.vector_load %arg11[%get3A_1270, %get3A_1271, %get3A_1272] {strides = array<i32>} : memref<4x32x128xf32, #tpu.memory_space<vmem>>, vector<1x1x16xf32>,
      %get3A_1274 = vector.shape_cast %get3A_1273 : vector<1x1x16xf32> to vector<16xf32>
      %mul3A_1275 = vector.broadcast %squeeze3A_581 : f32 to vector<16xf32>
      %mul3A_1276 = arith.mulf %mul3A_1275, %get3A_1274 : vector<16xf32>
      %add3A_1277 = arith.addf %add3A_1267, %mul3A_1276 : vector<16xf32>
      %get3A_1278 = arith.constant 1 : i32
      %get3A_1279 = arith.constant 27 : i32
      %get3A_1280 = arith.index_cast %get3A_1278 : i32 to index
      %get3A_1281 = arith.index_cast %get3A_1279 : i32 to index
      %get3A_1282 = arith.index_cast %and3A_1003 : i32 to index
      %get3A_1283 = tpu.vector_load %arg11[%get3A_1280, %get3A_1281, %get3A_1282] {strides = array<i32>} : memref<4x32x128xf32, #tpu.memory_space<vmem>>, vector<1x1x16xf32>,
      %get3A_1284 = vector.shape_cast %get3A_1283 : vector<1x1x16xf32> to vector<16xf32>
      %mul3A_1285 = vector.broadcast %squeeze3A_595 : f32 to vector<16xf32>
      %mul3A_1286 = arith.mulf %mul3A_1285, %get3A_1284 : vector<16xf32>
      %add3A_1287 = arith.addf %add3A_1277, %mul3A_1286 : vector<16xf32>
      %get3A_1288 = arith.constant 1 : i32
      %get3A_1289 = arith.constant 28 : i32
      %get3A_1290 = arith.index_cast %get3A_1288 : i32 to index
      %get3A_1291 = arith.index_cast %get3A_1289 : i32 to index
      %get3A_1292 = arith.index_cast %and3A_1003 : i32 to index
      %get3A_1293 = tpu.vector_load %arg11[%get3A_1290, %get3A_1291, %get3A_1292] {strides = array<i32>} : memref<4x32x128xf32, #tpu.memory_space<vmem>>, vector<1x1x16xf32>,
      %get3A_1294 = vector.shape_cast %get3A_1293 : vector<1x1x16xf32> to vector<16xf32>
      %mul3A_1295 = vector.broadcast %squeeze3A_609 : f32 to vector<16xf32>
      %mul3A_1296 = arith.mulf %mul3A_1295, %get3A_1294 : vector<16xf32>
      %add3A_1297 = arith.addf %add3A_1287, %mul3A_1296 : vector<16xf32>
      %get3A_1298 = arith.constant 1 : i32
      %get3A_1299 = arith.constant 29 : i32
      %get3A_1300 = arith.index_cast %get3A_1298 : i32 to index
      %get3A_1301 = arith.index_cast %get3A_1299 : i32 to index
      %get3A_1302 = arith.index_cast %and3A_1003 : i32 to index
      %get3A_1303 = tpu.vector_load %arg11[%get3A_1300, %get3A_1301, %get3A_1302] {strides = array<i32>} : memref<4x32x128xf32, #tpu.memory_space<vmem>>, vector<1x1x16xf32>,
      %get3A_1304 = vector.shape_cast %get3A_1303 : vector<1x1x16xf32> to vector<16xf32>
      %mul3A_1305 = vector.broadcast %squeeze3A_623 : f32 to vector<16xf32>
      %mul3A_1306 = arith.mulf %mul3A_1305, %get3A_1304 : vector<16xf32>
      %add3A_1307 = arith.addf %add3A_1297, %mul3A_1306 : vector<16xf32>
      %get3A_1308 = arith.constant 1 : i32
      %get3A_1309 = arith.constant 30 : i32
      %get3A_1310 = arith.index_cast %get3A_1308 : i32 to index
      %get3A_1311 = arith.index_cast %get3A_1309 : i32 to index
      %get3A_1312 = arith.index_cast %and3A_1003 : i32 to index
      %get3A_1313 = tpu.vector_load %arg11[%get3A_1310, %get3A_1311, %get3A_1312] {strides = array<i32>} : memref<4x32x128xf32, #tpu.memory_space<vmem>>, vector<1x1x16xf32>,
      %get3A_1314 = vector.shape_cast %get3A_1313 : vector<1x1x16xf32> to vector<16xf32>
      %mul3A_1315 = vector.broadcast %squeeze3A_637 : f32 to vector<16xf32>
      %mul3A_1316 = arith.mulf %mul3A_1315, %get3A_1314 : vector<16xf32>
      %add3A_1317 = arith.addf %add3A_1307, %mul3A_1316 : vector<16xf32>
      %get3A_1318 = arith.constant 1 : i32
      %get3A_1319 = arith.constant 31 : i32
      %get3A_1320 = arith.index_cast %get3A_1318 : i32 to index
      %get3A_1321 = arith.index_cast %get3A_1319 : i32 to index
      %get3A_1322 = arith.index_cast %and3A_1003 : i32 to index
      %get3A_1323 = tpu.vector_load %arg11[%get3A_1320, %get3A_1321, %get3A_1322] {strides = array<i32>} : memref<4x32x128xf32, #tpu.memory_space<vmem>>, vector<1x1x16xf32>,
      %get3A_1324 = vector.shape_cast %get3A_1323 : vector<1x1x16xf32> to vector<16xf32>
      %mul3A_1325 = vector.broadcast %squeeze3A_651 : f32 to vector<16xf32>
      %mul3A_1326 = arith.mulf %mul3A_1325, %get3A_1324 : vector<16xf32>
      %add3A_1327 = arith.addf %add3A_1317, %mul3A_1326 : vector<16xf32>
      %swap3A_1328 = arith.constant 0 : index
      %swap3A_1329 = tpu.vector_load %arg12[%swap3A_1328] {strides = array<i32>} : memref<32xf32, #tpu.memory_space<vmem>>, vector<16xf32>,
      %swap3A_1330 = vector.shape_cast %swap3A_1329 : vector<16xf32> to vector<16xf32>
      %swap3A_1331 = vector.shape_cast %add3A_1327 : vector<16xf32> to vector<16xf32>
      tpu.vector_store %arg12[%swap3A_1328], %swap3A_1331 {strides = array<i32>} : memref<32xf32, #tpu.memory_space<vmem>>, vector<16xf32>,
      %get3A_1332 = arith.index_cast %and3A_1005 : i32 to index
      %get3A_1333 = tpu.vector_load %arg12[%get3A_1332] {strides = array<i32>} : memref<32xf32, #tpu.memory_space<vmem>>, vector<16xf32>,
      %get3A_1334 = vector.shape_cast %get3A_1333 : vector<16xf32> to vector<16xf32>
      %slice3A_1335 = vector.extract_strided_slice %get3A_1334 {offsets = [0], sizes = [1], strides = [1]} : vector<16xf32> to vector<1xf32>
      %squeeze3A_1336 = vector.extract %slice3A_1335[0] : f32 from vector<1xf32>
      %eq3A_1337 = arith.constant 56 : i32
      %eq3A_1338 = arith.cmpi eq, %add3A_51, %eq3A_1337 : i32
      %neg3A_1339 = arith.constant 0.000000e+00 : f32
      %neg3A_1340 = arith.subf %neg3A_1339, %squeeze3A_1336 : f32
      %lt3A_1341 = arith.constant 50 : i32
      %lt3A_1342 = arith.cmpi slt, %add3A_51, %lt3A_1341 : i32
      %jit3A_1343 = arith.constant -3.000000e+01 : f32
      %select_n3A_1344 = arith.select %lt3A_1342, %squeeze3A_1336, %jit3A_1343 : f32
      %select_n3A_1345 = arith.select %eq3A_1338, %neg3A_1340, %select_n3A_1344 : f32
      %eq3A_1346 = arith.constant 1 : i32
      %eq3A_1347 = vector.broadcast %eq3A_1346 : i32 to vector<16xi32>
      %eq3A_1348 = arith.cmpi eq, %iota3A, %eq3A_1347 : vector<16xi32>
      %broadcast_in_dim3A_1349 = vector.broadcast %select_n3A_1345 : f32 to vector<16xf32>
      %select_n3A_1350 = arith.select %eq3A_1348, %broadcast_in_dim3A_1349, %select_n3A_1001 : vector<16xi1>, vector<16xf32>
      %and3A_1351 = arith.constant 112 : i32
      %and3A_1352 = arith.andi %select_n3A_77, %and3A_1351 : i32
      %and3A_1353 = arith.constant 15 : i32
      %and3A_1354 = arith.andi %select_n3A_77, %and3A_1353 : i32
      %broadcast_in_dim3A_1355 = arith.constant 0.000000e+00 : f32
      %broadcast_in_dim3A_1356 = vector.broadcast %broadcast_in_dim3A_1355 : f32 to vector<16xf32>
      %get3A_1357 = arith.constant 2 : i32
      %get3A_1358 = arith.constant 0 : i32
      %get3A_1359 = arith.index_cast %get3A_1357 : i32 to index
      %get3A_1360 = arith.index_cast %get3A_1358 : i32 to index
      %get3A_1361 = arith.index_cast %and3A_1352 : i32 to index
      %get3A_1362 = tpu.vector_load %arg11[%get3A_1359, %get3A_1360, %get3A_1361] {strides = array<i32>} : memref<4x32x128xf32, #tpu.memory_space<vmem>>, vector<1x1x16xf32>,
      %get3A_1363 = vector.shape_cast %get3A_1362 : vector<1x1x16xf32> to vector<16xf32>
      %mul3A_1364 = vector.broadcast %squeeze3A_217 : f32 to vector<16xf32>
      %mul3A_1365 = arith.mulf %mul3A_1364, %get3A_1363 : vector<16xf32>
      %add3A_1366 = arith.addf %broadcast_in_dim3A_1356, %mul3A_1365 : vector<16xf32>
      %get3A_1367 = arith.constant 2 : i32
      %get3A_1368 = arith.constant 1 : i32
      %get3A_1369 = arith.index_cast %get3A_1367 : i32 to index
      %get3A_1370 = arith.index_cast %get3A_1368 : i32 to index
      %get3A_1371 = arith.index_cast %and3A_1352 : i32 to index
      %get3A_1372 = tpu.vector_load %arg11[%get3A_1369, %get3A_1370, %get3A_1371] {strides = array<i32>} : memref<4x32x128xf32, #tpu.memory_space<vmem>>, vector<1x1x16xf32>,
      %get3A_1373 = vector.shape_cast %get3A_1372 : vector<1x1x16xf32> to vector<16xf32>
      %mul3A_1374 = vector.broadcast %squeeze3A_231 : f32 to vector<16xf32>
      %mul3A_1375 = arith.mulf %mul3A_1374, %get3A_1373 : vector<16xf32>
      %add3A_1376 = arith.addf %add3A_1366, %mul3A_1375 : vector<16xf32>
      %get3A_1377 = arith.constant 2 : i32
      %get3A_1378 = arith.constant 2 : i32
      %get3A_1379 = arith.index_cast %get3A_1377 : i32 to index
      %get3A_1380 = arith.index_cast %get3A_1378 : i32 to index
      %get3A_1381 = arith.index_cast %and3A_1352 : i32 to index
      %get3A_1382 = tpu.vector_load %arg11[%get3A_1379, %get3A_1380, %get3A_1381] {strides = array<i32>} : memref<4x32x128xf32, #tpu.memory_space<vmem>>, vector<1x1x16xf32>,
      %get3A_1383 = vector.shape_cast %get3A_1382 : vector<1x1x16xf32> to vector<16xf32>
      %mul3A_1384 = vector.broadcast %squeeze3A_245 : f32 to vector<16xf32>
      %mul3A_1385 = arith.mulf %mul3A_1384, %get3A_1383 : vector<16xf32>
      %add3A_1386 = arith.addf %add3A_1376, %mul3A_1385 : vector<16xf32>
      %get3A_1387 = arith.constant 2 : i32
      %get3A_1388 = arith.constant 3 : i32
      %get3A_1389 = arith.index_cast %get3A_1387 : i32 to index
      %get3A_1390 = arith.index_cast %get3A_1388 : i32 to index
      %get3A_1391 = arith.index_cast %and3A_1352 : i32 to index
      %get3A_1392 = tpu.vector_load %arg11[%get3A_1389, %get3A_1390, %get3A_1391] {strides = array<i32>} : memref<4x32x128xf32, #tpu.memory_space<vmem>>, vector<1x1x16xf32>,
      %get3A_1393 = vector.shape_cast %get3A_1392 : vector<1x1x16xf32> to vector<16xf32>
      %mul3A_1394 = vector.broadcast %squeeze3A_259 : f32 to vector<16xf32>
      %mul3A_1395 = arith.mulf %mul3A_1394, %get3A_1393 : vector<16xf32>
      %add3A_1396 = arith.addf %add3A_1386, %mul3A_1395 : vector<16xf32>
      %get3A_1397 = arith.constant 2 : i32
      %get3A_1398 = arith.constant 4 : i32
      %get3A_1399 = arith.index_cast %get3A_1397 : i32 to index
      %get3A_1400 = arith.index_cast %get3A_1398 : i32 to index
      %get3A_1401 = arith.index_cast %and3A_1352 : i32 to index
      %get3A_1402 = tpu.vector_load %arg11[%get3A_1399, %get3A_1400, %get3A_1401] {strides = array<i32>} : memref<4x32x128xf32, #tpu.memory_space<vmem>>, vector<1x1x16xf32>,
      %get3A_1403 = vector.shape_cast %get3A_1402 : vector<1x1x16xf32> to vector<16xf32>
      %mul3A_1404 = vector.broadcast %squeeze3A_273 : f32 to vector<16xf32>
      %mul3A_1405 = arith.mulf %mul3A_1404, %get3A_1403 : vector<16xf32>
      %add3A_1406 = arith.addf %add3A_1396, %mul3A_1405 : vector<16xf32>
      %get3A_1407 = arith.constant 2 : i32
      %get3A_1408 = arith.constant 5 : i32
      %get3A_1409 = arith.index_cast %get3A_1407 : i32 to index
      %get3A_1410 = arith.index_cast %get3A_1408 : i32 to index
      %get3A_1411 = arith.index_cast %and3A_1352 : i32 to index
      %get3A_1412 = tpu.vector_load %arg11[%get3A_1409, %get3A_1410, %get3A_1411] {strides = array<i32>} : memref<4x32x128xf32, #tpu.memory_space<vmem>>, vector<1x1x16xf32>,
      %get3A_1413 = vector.shape_cast %get3A_1412 : vector<1x1x16xf32> to vector<16xf32>
      %mul3A_1414 = vector.broadcast %squeeze3A_287 : f32 to vector<16xf32>
      %mul3A_1415 = arith.mulf %mul3A_1414, %get3A_1413 : vector<16xf32>
      %add3A_1416 = arith.addf %add3A_1406, %mul3A_1415 : vector<16xf32>
      %get3A_1417 = arith.constant 2 : i32
      %get3A_1418 = arith.constant 6 : i32
      %get3A_1419 = arith.index_cast %get3A_1417 : i32 to index
      %get3A_1420 = arith.index_cast %get3A_1418 : i32 to index
      %get3A_1421 = arith.index_cast %and3A_1352 : i32 to index
      %get3A_1422 = tpu.vector_load %arg11[%get3A_1419, %get3A_1420, %get3A_1421] {strides = array<i32>} : memref<4x32x128xf32, #tpu.memory_space<vmem>>, vector<1x1x16xf32>,
      %get3A_1423 = vector.shape_cast %get3A_1422 : vector<1x1x16xf32> to vector<16xf32>
      %mul3A_1424 = vector.broadcast %squeeze3A_301 : f32 to vector<16xf32>
      %mul3A_1425 = arith.mulf %mul3A_1424, %get3A_1423 : vector<16xf32>
      %add3A_1426 = arith.addf %add3A_1416, %mul3A_1425 : vector<16xf32>
      %get3A_1427 = arith.constant 2 : i32
      %get3A_1428 = arith.constant 7 : i32
      %get3A_1429 = arith.index_cast %get3A_1427 : i32 to index
      %get3A_1430 = arith.index_cast %get3A_1428 : i32 to index
      %get3A_1431 = arith.index_cast %and3A_1352 : i32 to index
      %get3A_1432 = tpu.vector_load %arg11[%get3A_1429, %get3A_1430, %get3A_1431] {strides = array<i32>} : memref<4x32x128xf32, #tpu.memory_space<vmem>>, vector<1x1x16xf32>,
      %get3A_1433 = vector.shape_cast %get3A_1432 : vector<1x1x16xf32> to vector<16xf32>
      %mul3A_1434 = vector.broadcast %squeeze3A_315 : f32 to vector<16xf32>
      %mul3A_1435 = arith.mulf %mul3A_1434, %get3A_1433 : vector<16xf32>
      %add3A_1436 = arith.addf %add3A_1426, %mul3A_1435 : vector<16xf32>
      %get3A_1437 = arith.constant 2 : i32
      %get3A_1438 = arith.constant 8 : i32
      %get3A_1439 = arith.index_cast %get3A_1437 : i32 to index
      %get3A_1440 = arith.index_cast %get3A_1438 : i32 to index
      %get3A_1441 = arith.index_cast %and3A_1352 : i32 to index
      %get3A_1442 = tpu.vector_load %arg11[%get3A_1439, %get3A_1440, %get3A_1441] {strides = array<i32>} : memref<4x32x128xf32, #tpu.memory_space<vmem>>, vector<1x1x16xf32>,
      %get3A_1443 = vector.shape_cast %get3A_1442 : vector<1x1x16xf32> to vector<16xf32>
      %mul3A_1444 = vector.broadcast %squeeze3A_329 : f32 to vector<16xf32>
      %mul3A_1445 = arith.mulf %mul3A_1444, %get3A_1443 : vector<16xf32>
      %add3A_1446 = arith.addf %add3A_1436, %mul3A_1445 : vector<16xf32>
      %get3A_1447 = arith.constant 2 : i32
      %get3A_1448 = arith.constant 9 : i32
      %get3A_1449 = arith.index_cast %get3A_1447 : i32 to index
      %get3A_1450 = arith.index_cast %get3A_1448 : i32 to index
      %get3A_1451 = arith.index_cast %and3A_1352 : i32 to index
      %get3A_1452 = tpu.vector_load %arg11[%get3A_1449, %get3A_1450, %get3A_1451] {strides = array<i32>} : memref<4x32x128xf32, #tpu.memory_space<vmem>>, vector<1x1x16xf32>,
      %get3A_1453 = vector.shape_cast %get3A_1452 : vector<1x1x16xf32> to vector<16xf32>
      %mul3A_1454 = vector.broadcast %squeeze3A_343 : f32 to vector<16xf32>
      %mul3A_1455 = arith.mulf %mul3A_1454, %get3A_1453 : vector<16xf32>
      %add3A_1456 = arith.addf %add3A_1446, %mul3A_1455 : vector<16xf32>
      %get3A_1457 = arith.constant 2 : i32
      %get3A_1458 = arith.constant 10 : i32
      %get3A_1459 = arith.index_cast %get3A_1457 : i32 to index
      %get3A_1460 = arith.index_cast %get3A_1458 : i32 to index
      %get3A_1461 = arith.index_cast %and3A_1352 : i32 to index
      %get3A_1462 = tpu.vector_load %arg11[%get3A_1459, %get3A_1460, %get3A_1461] {strides = array<i32>} : memref<4x32x128xf32, #tpu.memory_space<vmem>>, vector<1x1x16xf32>,
      %get3A_1463 = vector.shape_cast %get3A_1462 : vector<1x1x16xf32> to vector<16xf32>
      %mul3A_1464 = vector.broadcast %squeeze3A_357 : f32 to vector<16xf32>
      %mul3A_1465 = arith.mulf %mul3A_1464, %get3A_1463 : vector<16xf32>
      %add3A_1466 = arith.addf %add3A_1456, %mul3A_1465 : vector<16xf32>
      %get3A_1467 = arith.constant 2 : i32
      %get3A_1468 = arith.constant 11 : i32
      %get3A_1469 = arith.index_cast %get3A_1467 : i32 to index
      %get3A_1470 = arith.index_cast %get3A_1468 : i32 to index
      %get3A_1471 = arith.index_cast %and3A_1352 : i32 to index
      %get3A_1472 = tpu.vector_load %arg11[%get3A_1469, %get3A_1470, %get3A_1471] {strides = array<i32>} : memref<4x32x128xf32, #tpu.memory_space<vmem>>, vector<1x1x16xf32>,
      %get3A_1473 = vector.shape_cast %get3A_1472 : vector<1x1x16xf32> to vector<16xf32>
      %mul3A_1474 = vector.broadcast %squeeze3A_371 : f32 to vector<16xf32>
      %mul3A_1475 = arith.mulf %mul3A_1474, %get3A_1473 : vector<16xf32>
      %add3A_1476 = arith.addf %add3A_1466, %mul3A_1475 : vector<16xf32>
      %get3A_1477 = arith.constant 2 : i32
      %get3A_1478 = arith.constant 12 : i32
      %get3A_1479 = arith.index_cast %get3A_1477 : i32 to index
      %get3A_1480 = arith.index_cast %get3A_1478 : i32 to index
      %get3A_1481 = arith.index_cast %and3A_1352 : i32 to index
      %get3A_1482 = tpu.vector_load %arg11[%get3A_1479, %get3A_1480, %get3A_1481] {strides = array<i32>} : memref<4x32x128xf32, #tpu.memory_space<vmem>>, vector<1x1x16xf32>,
      %get3A_1483 = vector.shape_cast %get3A_1482 : vector<1x1x16xf32> to vector<16xf32>
      %mul3A_1484 = vector.broadcast %squeeze3A_385 : f32 to vector<16xf32>
      %mul3A_1485 = arith.mulf %mul3A_1484, %get3A_1483 : vector<16xf32>
      %add3A_1486 = arith.addf %add3A_1476, %mul3A_1485 : vector<16xf32>
      %get3A_1487 = arith.constant 2 : i32
      %get3A_1488 = arith.constant 13 : i32
      %get3A_1489 = arith.index_cast %get3A_1487 : i32 to index
      %get3A_1490 = arith.index_cast %get3A_1488 : i32 to index
      %get3A_1491 = arith.index_cast %and3A_1352 : i32 to index
      %get3A_1492 = tpu.vector_load %arg11[%get3A_1489, %get3A_1490, %get3A_1491] {strides = array<i32>} : memref<4x32x128xf32, #tpu.memory_space<vmem>>, vector<1x1x16xf32>,
      %get3A_1493 = vector.shape_cast %get3A_1492 : vector<1x1x16xf32> to vector<16xf32>
      %mul3A_1494 = vector.broadcast %squeeze3A_399 : f32 to vector<16xf32>
      %mul3A_1495 = arith.mulf %mul3A_1494, %get3A_1493 : vector<16xf32>
      %add3A_1496 = arith.addf %add3A_1486, %mul3A_1495 : vector<16xf32>
      %get3A_1497 = arith.constant 2 : i32
      %get3A_1498 = arith.constant 14 : i32
      %get3A_1499 = arith.index_cast %get3A_1497 : i32 to index
      %get3A_1500 = arith.index_cast %get3A_1498 : i32 to index
      %get3A_1501 = arith.index_cast %and3A_1352 : i32 to index
      %get3A_1502 = tpu.vector_load %arg11[%get3A_1499, %get3A_1500, %get3A_1501] {strides = array<i32>} : memref<4x32x128xf32, #tpu.memory_space<vmem>>, vector<1x1x16xf32>,
      %get3A_1503 = vector.shape_cast %get3A_1502 : vector<1x1x16xf32> to vector<16xf32>
      %mul3A_1504 = vector.broadcast %squeeze3A_413 : f32 to vector<16xf32>
      %mul3A_1505 = arith.mulf %mul3A_1504, %get3A_1503 : vector<16xf32>
      %add3A_1506 = arith.addf %add3A_1496, %mul3A_1505 : vector<16xf32>
      %get3A_1507 = arith.constant 2 : i32
      %get3A_1508 = arith.constant 15 : i32
      %get3A_1509 = arith.index_cast %get3A_1507 : i32 to index
      %get3A_1510 = arith.index_cast %get3A_1508 : i32 to index
      %get3A_1511 = arith.index_cast %and3A_1352 : i32 to index
      %get3A_1512 = tpu.vector_load %arg11[%get3A_1509, %get3A_1510, %get3A_1511] {strides = array<i32>} : memref<4x32x128xf32, #tpu.memory_space<vmem>>, vector<1x1x16xf32>,
      %get3A_1513 = vector.shape_cast %get3A_1512 : vector<1x1x16xf32> to vector<16xf32>
      %mul3A_1514 = vector.broadcast %squeeze3A_427 : f32 to vector<16xf32>
      %mul3A_1515 = arith.mulf %mul3A_1514, %get3A_1513 : vector<16xf32>
      %add3A_1516 = arith.addf %add3A_1506, %mul3A_1515 : vector<16xf32>
      %get3A_1517 = arith.constant 2 : i32
      %get3A_1518 = arith.constant 16 : i32
      %get3A_1519 = arith.index_cast %get3A_1517 : i32 to index
      %get3A_1520 = arith.index_cast %get3A_1518 : i32 to index
      %get3A_1521 = arith.index_cast %and3A_1352 : i32 to index
      %get3A_1522 = tpu.vector_load %arg11[%get3A_1519, %get3A_1520, %get3A_1521] {strides = array<i32>} : memref<4x32x128xf32, #tpu.memory_space<vmem>>, vector<1x1x16xf32>,
      %get3A_1523 = vector.shape_cast %get3A_1522 : vector<1x1x16xf32> to vector<16xf32>
      %mul3A_1524 = vector.broadcast %squeeze3A_441 : f32 to vector<16xf32>
      %mul3A_1525 = arith.mulf %mul3A_1524, %get3A_1523 : vector<16xf32>
      %add3A_1526 = arith.addf %add3A_1516, %mul3A_1525 : vector<16xf32>
      %get3A_1527 = arith.constant 2 : i32
      %get3A_1528 = arith.constant 17 : i32
      %get3A_1529 = arith.index_cast %get3A_1527 : i32 to index
      %get3A_1530 = arith.index_cast %get3A_1528 : i32 to index
      %get3A_1531 = arith.index_cast %and3A_1352 : i32 to index
      %get3A_1532 = tpu.vector_load %arg11[%get3A_1529, %get3A_1530, %get3A_1531] {strides = array<i32>} : memref<4x32x128xf32, #tpu.memory_space<vmem>>, vector<1x1x16xf32>,
      %get3A_1533 = vector.shape_cast %get3A_1532 : vector<1x1x16xf32> to vector<16xf32>
      %mul3A_1534 = vector.broadcast %squeeze3A_455 : f32 to vector<16xf32>
      %mul3A_1535 = arith.mulf %mul3A_1534, %get3A_1533 : vector<16xf32>
      %add3A_1536 = arith.addf %add3A_1526, %mul3A_1535 : vector<16xf32>
      %get3A_1537 = arith.constant 2 : i32
      %get3A_1538 = arith.constant 18 : i32
      %get3A_1539 = arith.index_cast %get3A_1537 : i32 to index
      %get3A_1540 = arith.index_cast %get3A_1538 : i32 to index
      %get3A_1541 = arith.index_cast %and3A_1352 : i32 to index
      %get3A_1542 = tpu.vector_load %arg11[%get3A_1539, %get3A_1540, %get3A_1541] {strides = array<i32>} : memref<4x32x128xf32, #tpu.memory_space<vmem>>, vector<1x1x16xf32>,
      %get3A_1543 = vector.shape_cast %get3A_1542 : vector<1x1x16xf32> to vector<16xf32>
      %mul3A_1544 = vector.broadcast %squeeze3A_469 : f32 to vector<16xf32>
      %mul3A_1545 = arith.mulf %mul3A_1544, %get3A_1543 : vector<16xf32>
      %add3A_1546 = arith.addf %add3A_1536, %mul3A_1545 : vector<16xf32>
      %get3A_1547 = arith.constant 2 : i32
      %get3A_1548 = arith.constant 19 : i32
      %get3A_1549 = arith.index_cast %get3A_1547 : i32 to index
      %get3A_1550 = arith.index_cast %get3A_1548 : i32 to index
      %get3A_1551 = arith.index_cast %and3A_1352 : i32 to index
      %get3A_1552 = tpu.vector_load %arg11[%get3A_1549, %get3A_1550, %get3A_1551] {strides = array<i32>} : memref<4x32x128xf32, #tpu.memory_space<vmem>>, vector<1x1x16xf32>,
      %get3A_1553 = vector.shape_cast %get3A_1552 : vector<1x1x16xf32> to vector<16xf32>
      %mul3A_1554 = vector.broadcast %squeeze3A_483 : f32 to vector<16xf32>
      %mul3A_1555 = arith.mulf %mul3A_1554, %get3A_1553 : vector<16xf32>
      %add3A_1556 = arith.addf %add3A_1546, %mul3A_1555 : vector<16xf32>
      %get3A_1557 = arith.constant 2 : i32
      %get3A_1558 = arith.constant 20 : i32
      %get3A_1559 = arith.index_cast %get3A_1557 : i32 to index
      %get3A_1560 = arith.index_cast %get3A_1558 : i32 to index
      %get3A_1561 = arith.index_cast %and3A_1352 : i32 to index
      %get3A_1562 = tpu.vector_load %arg11[%get3A_1559, %get3A_1560, %get3A_1561] {strides = array<i32>} : memref<4x32x128xf32, #tpu.memory_space<vmem>>, vector<1x1x16xf32>,
      %get3A_1563 = vector.shape_cast %get3A_1562 : vector<1x1x16xf32> to vector<16xf32>
      %mul3A_1564 = vector.broadcast %squeeze3A_497 : f32 to vector<16xf32>
      %mul3A_1565 = arith.mulf %mul3A_1564, %get3A_1563 : vector<16xf32>
      %add3A_1566 = arith.addf %add3A_1556, %mul3A_1565 : vector<16xf32>
      %get3A_1567 = arith.constant 2 : i32
      %get3A_1568 = arith.constant 21 : i32
      %get3A_1569 = arith.index_cast %get3A_1567 : i32 to index
      %get3A_1570 = arith.index_cast %get3A_1568 : i32 to index
      %get3A_1571 = arith.index_cast %and3A_1352 : i32 to index
      %get3A_1572 = tpu.vector_load %arg11[%get3A_1569, %get3A_1570, %get3A_1571] {strides = array<i32>} : memref<4x32x128xf32, #tpu.memory_space<vmem>>, vector<1x1x16xf32>,
      %get3A_1573 = vector.shape_cast %get3A_1572 : vector<1x1x16xf32> to vector<16xf32>
      %mul3A_1574 = vector.broadcast %squeeze3A_511 : f32 to vector<16xf32>
      %mul3A_1575 = arith.mulf %mul3A_1574, %get3A_1573 : vector<16xf32>
      %add3A_1576 = arith.addf %add3A_1566, %mul3A_1575 : vector<16xf32>
      %get3A_1577 = arith.constant 2 : i32
      %get3A_1578 = arith.constant 22 : i32
      %get3A_1579 = arith.index_cast %get3A_1577 : i32 to index
      %get3A_1580 = arith.index_cast %get3A_1578 : i32 to index
      %get3A_1581 = arith.index_cast %and3A_1352 : i32 to index
      %get3A_1582 = tpu.vector_load %arg11[%get3A_1579, %get3A_1580, %get3A_1581] {strides = array<i32>} : memref<4x32x128xf32, #tpu.memory_space<vmem>>, vector<1x1x16xf32>,
      %get3A_1583 = vector.shape_cast %get3A_1582 : vector<1x1x16xf32> to vector<16xf32>
      %mul3A_1584 = vector.broadcast %squeeze3A_525 : f32 to vector<16xf32>
      %mul3A_1585 = arith.mulf %mul3A_1584, %get3A_1583 : vector<16xf32>
      %add3A_1586 = arith.addf %add3A_1576, %mul3A_1585 : vector<16xf32>
      %get3A_1587 = arith.constant 2 : i32
      %get3A_1588 = arith.constant 23 : i32
      %get3A_1589 = arith.index_cast %get3A_1587 : i32 to index
      %get3A_1590 = arith.index_cast %get3A_1588 : i32 to index
      %get3A_1591 = arith.index_cast %and3A_1352 : i32 to index
      %get3A_1592 = tpu.vector_load %arg11[%get3A_1589, %get3A_1590, %get3A_1591] {strides = array<i32>} : memref<4x32x128xf32, #tpu.memory_space<vmem>>, vector<1x1x16xf32>,
      %get3A_1593 = vector.shape_cast %get3A_1592 : vector<1x1x16xf32> to vector<16xf32>
      %mul3A_1594 = vector.broadcast %squeeze3A_539 : f32 to vector<16xf32>
      %mul3A_1595 = arith.mulf %mul3A_1594, %get3A_1593 : vector<16xf32>
      %add3A_1596 = arith.addf %add3A_1586, %mul3A_1595 : vector<16xf32>
      %get3A_1597 = arith.constant 2 : i32
      %get3A_1598 = arith.constant 24 : i32
      %get3A_1599 = arith.index_cast %get3A_1597 : i32 to index
      %get3A_1600 = arith.index_cast %get3A_1598 : i32 to index
      %get3A_1601 = arith.index_cast %and3A_1352 : i32 to index
      %get3A_1602 = tpu.vector_load %arg11[%get3A_1599, %get3A_1600, %get3A_1601] {strides = array<i32>} : memref<4x32x128xf32, #tpu.memory_space<vmem>>, vector<1x1x16xf32>,
      %get3A_1603 = vector.shape_cast %get3A_1602 : vector<1x1x16xf32> to vector<16xf32>
      %mul3A_1604 = vector.broadcast %squeeze3A_553 : f32 to vector<16xf32>
      %mul3A_1605 = arith.mulf %mul3A_1604, %get3A_1603 : vector<16xf32>
      %add3A_1606 = arith.addf %add3A_1596, %mul3A_1605 : vector<16xf32>
      %get3A_1607 = arith.constant 2 : i32
      %get3A_1608 = arith.constant 25 : i32
      %get3A_1609 = arith.index_cast %get3A_1607 : i32 to index
      %get3A_1610 = arith.index_cast %get3A_1608 : i32 to index
      %get3A_1611 = arith.index_cast %and3A_1352 : i32 to index
      %get3A_1612 = tpu.vector_load %arg11[%get3A_1609, %get3A_1610, %get3A_1611] {strides = array<i32>} : memref<4x32x128xf32, #tpu.memory_space<vmem>>, vector<1x1x16xf32>,
      %get3A_1613 = vector.shape_cast %get3A_1612 : vector<1x1x16xf32> to vector<16xf32>
      %mul3A_1614 = vector.broadcast %squeeze3A_567 : f32 to vector<16xf32>
      %mul3A_1615 = arith.mulf %mul3A_1614, %get3A_1613 : vector<16xf32>
      %add3A_1616 = arith.addf %add3A_1606, %mul3A_1615 : vector<16xf32>
      %get3A_1617 = arith.constant 2 : i32
      %get3A_1618 = arith.constant 26 : i32
      %get3A_1619 = arith.index_cast %get3A_1617 : i32 to index
      %get3A_1620 = arith.index_cast %get3A_1618 : i32 to index
      %get3A_1621 = arith.index_cast %and3A_1352 : i32 to index
      %get3A_1622 = tpu.vector_load %arg11[%get3A_1619, %get3A_1620, %get3A_1621] {strides = array<i32>} : memref<4x32x128xf32, #tpu.memory_space<vmem>>, vector<1x1x16xf32>,
      %get3A_1623 = vector.shape_cast %get3A_1622 : vector<1x1x16xf32> to vector<16xf32>
      %mul3A_1624 = vector.broadcast %squeeze3A_581 : f32 to vector<16xf32>
      %mul3A_1625 = arith.mulf %mul3A_1624, %get3A_1623 : vector<16xf32>
      %add3A_1626 = arith.addf %add3A_1616, %mul3A_1625 : vector<16xf32>
      %get3A_1627 = arith.constant 2 : i32
      %get3A_1628 = arith.constant 27 : i32
      %get3A_1629 = arith.index_cast %get3A_1627 : i32 to index
      %get3A_1630 = arith.index_cast %get3A_1628 : i32 to index
      %get3A_1631 = arith.index_cast %and3A_1352 : i32 to index
      %get3A_1632 = tpu.vector_load %arg11[%get3A_1629, %get3A_1630, %get3A_1631] {strides = array<i32>} : memref<4x32x128xf32, #tpu.memory_space<vmem>>, vector<1x1x16xf32>,
      %get3A_1633 = vector.shape_cast %get3A_1632 : vector<1x1x16xf32> to vector<16xf32>
      %mul3A_1634 = vector.broadcast %squeeze3A_595 : f32 to vector<16xf32>
      %mul3A_1635 = arith.mulf %mul3A_1634, %get3A_1633 : vector<16xf32>
      %add3A_1636 = arith.addf %add3A_1626, %mul3A_1635 : vector<16xf32>
      %get3A_1637 = arith.constant 2 : i32
      %get3A_1638 = arith.constant 28 : i32
      %get3A_1639 = arith.index_cast %get3A_1637 : i32 to index
      %get3A_1640 = arith.index_cast %get3A_1638 : i32 to index
      %get3A_1641 = arith.index_cast %and3A_1352 : i32 to index
      %get3A_1642 = tpu.vector_load %arg11[%get3A_1639, %get3A_1640, %get3A_1641] {strides = array<i32>} : memref<4x32x128xf32, #tpu.memory_space<vmem>>, vector<1x1x16xf32>,
      %get3A_1643 = vector.shape_cast %get3A_1642 : vector<1x1x16xf32> to vector<16xf32>
      %mul3A_1644 = vector.broadcast %squeeze3A_609 : f32 to vector<16xf32>
      %mul3A_1645 = arith.mulf %mul3A_1644, %get3A_1643 : vector<16xf32>
      %add3A_1646 = arith.addf %add3A_1636, %mul3A_1645 : vector<16xf32>
      %get3A_1647 = arith.constant 2 : i32
      %get3A_1648 = arith.constant 29 : i32
      %get3A_1649 = arith.index_cast %get3A_1647 : i32 to index
      %get3A_1650 = arith.index_cast %get3A_1648 : i32 to index
      %get3A_1651 = arith.index_cast %and3A_1352 : i32 to index
      %get3A_1652 = tpu.vector_load %arg11[%get3A_1649, %get3A_1650, %get3A_1651] {strides = array<i32>} : memref<4x32x128xf32, #tpu.memory_space<vmem>>, vector<1x1x16xf32>,
      %get3A_1653 = vector.shape_cast %get3A_1652 : vector<1x1x16xf32> to vector<16xf32>
      %mul3A_1654 = vector.broadcast %squeeze3A_623 : f32 to vector<16xf32>
      %mul3A_1655 = arith.mulf %mul3A_1654, %get3A_1653 : vector<16xf32>
      %add3A_1656 = arith.addf %add3A_1646, %mul3A_1655 : vector<16xf32>
      %get3A_1657 = arith.constant 2 : i32
      %get3A_1658 = arith.constant 30 : i32
      %get3A_1659 = arith.index_cast %get3A_1657 : i32 to index
      %get3A_1660 = arith.index_cast %get3A_1658 : i32 to index
      %get3A_1661 = arith.index_cast %and3A_1352 : i32 to index
      %get3A_1662 = tpu.vector_load %arg11[%get3A_1659, %get3A_1660, %get3A_1661] {strides = array<i32>} : memref<4x32x128xf32, #tpu.memory_space<vmem>>, vector<1x1x16xf32>,
      %get3A_1663 = vector.shape_cast %get3A_1662 : vector<1x1x16xf32> to vector<16xf32>
      %mul3A_1664 = vector.broadcast %squeeze3A_637 : f32 to vector<16xf32>
      %mul3A_1665 = arith.mulf %mul3A_1664, %get3A_1663 : vector<16xf32>
      %add3A_1666 = arith.addf %add3A_1656, %mul3A_1665 : vector<16xf32>
      %get3A_1667 = arith.constant 2 : i32
      %get3A_1668 = arith.constant 31 : i32
      %get3A_1669 = arith.index_cast %get3A_1667 : i32 to index
      %get3A_1670 = arith.index_cast %get3A_1668 : i32 to index
      %get3A_1671 = arith.index_cast %and3A_1352 : i32 to index
      %get3A_1672 = tpu.vector_load %arg11[%get3A_1669, %get3A_1670, %get3A_1671] {strides = array<i32>} : memref<4x32x128xf32, #tpu.memory_space<vmem>>, vector<1x1x16xf32>,
      %get3A_1673 = vector.shape_cast %get3A_1672 : vector<1x1x16xf32> to vector<16xf32>
      %mul3A_1674 = vector.broadcast %squeeze3A_651 : f32 to vector<16xf32>
      %mul3A_1675 = arith.mulf %mul3A_1674, %get3A_1673 : vector<16xf32>
      %add3A_1676 = arith.addf %add3A_1666, %mul3A_1675 : vector<16xf32>
      %swap3A_1677 = arith.constant 0 : index
      %swap3A_1678 = tpu.vector_load %arg12[%swap3A_1677] {strides = array<i32>} : memref<32xf32, #tpu.memory_space<vmem>>, vector<16xf32>,
      %swap3A_1679 = vector.shape_cast %swap3A_1678 : vector<16xf32> to vector<16xf32>
      %swap3A_1680 = vector.shape_cast %add3A_1676 : vector<16xf32> to vector<16xf32>
      tpu.vector_store %arg12[%swap3A_1677], %swap3A_1680 {strides = array<i32>} : memref<32xf32, #tpu.memory_space<vmem>>, vector<16xf32>,
      %get3A_1681 = arith.index_cast %and3A_1354 : i32 to index
      %get3A_1682 = tpu.vector_load %arg12[%get3A_1681] {strides = array<i32>} : memref<32xf32, #tpu.memory_space<vmem>>, vector<16xf32>,
      %get3A_1683 = vector.shape_cast %get3A_1682 : vector<16xf32> to vector<16xf32>
      %slice3A_1684 = vector.extract_strided_slice %get3A_1683 {offsets = [0], sizes = [1], strides = [1]} : vector<16xf32> to vector<1xf32>
      %squeeze3A_1685 = vector.extract %slice3A_1684[0] : f32 from vector<1xf32>
      %eq3A_1686 = arith.constant 56 : i32
      %eq3A_1687 = arith.cmpi eq, %add3A_53, %eq3A_1686 : i32
      %neg3A_1688 = arith.constant 0.000000e+00 : f32
      %neg3A_1689 = arith.subf %neg3A_1688, %squeeze3A_1685 : f32
      %lt3A_1690 = arith.constant 50 : i32
      %lt3A_1691 = arith.cmpi slt, %add3A_53, %lt3A_1690 : i32
      %jit3A_1692 = arith.constant -3.000000e+01 : f32
      %select_n3A_1693 = arith.select %lt3A_1691, %squeeze3A_1685, %jit3A_1692 : f32
      %select_n3A_1694 = arith.select %eq3A_1687, %neg3A_1689, %select_n3A_1693 : f32
      %eq3A_1695 = arith.constant 2 : i32
      %eq3A_1696 = vector.broadcast %eq3A_1695 : i32 to vector<16xi32>
      %eq3A_1697 = arith.cmpi eq, %iota3A, %eq3A_1696 : vector<16xi32>
      %broadcast_in_dim3A_1698 = vector.broadcast %select_n3A_1694 : f32 to vector<16xf32>
      %select_n3A_1699 = arith.select %eq3A_1697, %broadcast_in_dim3A_1698, %select_n3A_1350 : vector<16xi1>, vector<16xf32>
      %and3A_1700 = arith.constant 112 : i32
      %and3A_1701 = arith.andi %select_n3A_79, %and3A_1700 : i32
      %and3A_1702 = arith.constant 15 : i32
      %and3A_1703 = arith.andi %select_n3A_79, %and3A_1702 : i32
      %broadcast_in_dim3A_1704 = arith.constant 0.000000e+00 : f32
      %broadcast_in_dim3A_1705 = vector.broadcast %broadcast_in_dim3A_1704 : f32 to vector<16xf32>
      %get3A_1706 = arith.constant 3 : i32
      %get3A_1707 = arith.constant 0 : i32
      %get3A_1708 = arith.index_cast %get3A_1706 : i32 to index
      %get3A_1709 = arith.index_cast %get3A_1707 : i32 to index
      %get3A_1710 = arith.index_cast %and3A_1701 : i32 to index
      %get3A_1711 = tpu.vector_load %arg11[%get3A_1708, %get3A_1709, %get3A_1710] {strides = array<i32>} : memref<4x32x128xf32, #tpu.memory_space<vmem>>, vector<1x1x16xf32>,
      %get3A_1712 = vector.shape_cast %get3A_1711 : vector<1x1x16xf32> to vector<16xf32>
      %mul3A_1713 = vector.broadcast %squeeze3A_217 : f32 to vector<16xf32>
      %mul3A_1714 = arith.mulf %mul3A_1713, %get3A_1712 : vector<16xf32>
      %add3A_1715 = arith.addf %broadcast_in_dim3A_1705, %mul3A_1714 : vector<16xf32>
      %get3A_1716 = arith.constant 3 : i32
      %get3A_1717 = arith.constant 1 : i32
      %get3A_1718 = arith.index_cast %get3A_1716 : i32 to index
      %get3A_1719 = arith.index_cast %get3A_1717 : i32 to index
      %get3A_1720 = arith.index_cast %and3A_1701 : i32 to index
      %get3A_1721 = tpu.vector_load %arg11[%get3A_1718, %get3A_1719, %get3A_1720] {strides = array<i32>} : memref<4x32x128xf32, #tpu.memory_space<vmem>>, vector<1x1x16xf32>,
      %get3A_1722 = vector.shape_cast %get3A_1721 : vector<1x1x16xf32> to vector<16xf32>
      %mul3A_1723 = vector.broadcast %squeeze3A_231 : f32 to vector<16xf32>
      %mul3A_1724 = arith.mulf %mul3A_1723, %get3A_1722 : vector<16xf32>
      %add3A_1725 = arith.addf %add3A_1715, %mul3A_1724 : vector<16xf32>
      %get3A_1726 = arith.constant 3 : i32
      %get3A_1727 = arith.constant 2 : i32
      %get3A_1728 = arith.index_cast %get3A_1726 : i32 to index
      %get3A_1729 = arith.index_cast %get3A_1727 : i32 to index
      %get3A_1730 = arith.index_cast %and3A_1701 : i32 to index
      %get3A_1731 = tpu.vector_load %arg11[%get3A_1728, %get3A_1729, %get3A_1730] {strides = array<i32>} : memref<4x32x128xf32, #tpu.memory_space<vmem>>, vector<1x1x16xf32>,
      %get3A_1732 = vector.shape_cast %get3A_1731 : vector<1x1x16xf32> to vector<16xf32>
      %mul3A_1733 = vector.broadcast %squeeze3A_245 : f32 to vector<16xf32>
      %mul3A_1734 = arith.mulf %mul3A_1733, %get3A_1732 : vector<16xf32>
      %add3A_1735 = arith.addf %add3A_1725, %mul3A_1734 : vector<16xf32>
      %get3A_1736 = arith.constant 3 : i32
      %get3A_1737 = arith.constant 3 : i32
      %get3A_1738 = arith.index_cast %get3A_1736 : i32 to index
      %get3A_1739 = arith.index_cast %get3A_1737 : i32 to index
      %get3A_1740 = arith.index_cast %and3A_1701 : i32 to index
      %get3A_1741 = tpu.vector_load %arg11[%get3A_1738, %get3A_1739, %get3A_1740] {strides = array<i32>} : memref<4x32x128xf32, #tpu.memory_space<vmem>>, vector<1x1x16xf32>,
      %get3A_1742 = vector.shape_cast %get3A_1741 : vector<1x1x16xf32> to vector<16xf32>
      %mul3A_1743 = vector.broadcast %squeeze3A_259 : f32 to vector<16xf32>
      %mul3A_1744 = arith.mulf %mul3A_1743, %get3A_1742 : vector<16xf32>
      %add3A_1745 = arith.addf %add3A_1735, %mul3A_1744 : vector<16xf32>
      %get3A_1746 = arith.constant 3 : i32
      %get3A_1747 = arith.constant 4 : i32
      %get3A_1748 = arith.index_cast %get3A_1746 : i32 to index
      %get3A_1749 = arith.index_cast %get3A_1747 : i32 to index
      %get3A_1750 = arith.index_cast %and3A_1701 : i32 to index
      %get3A_1751 = tpu.vector_load %arg11[%get3A_1748, %get3A_1749, %get3A_1750] {strides = array<i32>} : memref<4x32x128xf32, #tpu.memory_space<vmem>>, vector<1x1x16xf32>,
      %get3A_1752 = vector.shape_cast %get3A_1751 : vector<1x1x16xf32> to vector<16xf32>
      %mul3A_1753 = vector.broadcast %squeeze3A_273 : f32 to vector<16xf32>
      %mul3A_1754 = arith.mulf %mul3A_1753, %get3A_1752 : vector<16xf32>
      %add3A_1755 = arith.addf %add3A_1745, %mul3A_1754 : vector<16xf32>
      %get3A_1756 = arith.constant 3 : i32
      %get3A_1757 = arith.constant 5 : i32
      %get3A_1758 = arith.index_cast %get3A_1756 : i32 to index
      %get3A_1759 = arith.index_cast %get3A_1757 : i32 to index
      %get3A_1760 = arith.index_cast %and3A_1701 : i32 to index
      %get3A_1761 = tpu.vector_load %arg11[%get3A_1758, %get3A_1759, %get3A_1760] {strides = array<i32>} : memref<4x32x128xf32, #tpu.memory_space<vmem>>, vector<1x1x16xf32>,
      %get3A_1762 = vector.shape_cast %get3A_1761 : vector<1x1x16xf32> to vector<16xf32>
      %mul3A_1763 = vector.broadcast %squeeze3A_287 : f32 to vector<16xf32>
      %mul3A_1764 = arith.mulf %mul3A_1763, %get3A_1762 : vector<16xf32>
      %add3A_1765 = arith.addf %add3A_1755, %mul3A_1764 : vector<16xf32>
      %get3A_1766 = arith.constant 3 : i32
      %get3A_1767 = arith.constant 6 : i32
      %get3A_1768 = arith.index_cast %get3A_1766 : i32 to index
      %get3A_1769 = arith.index_cast %get3A_1767 : i32 to index
      %get3A_1770 = arith.index_cast %and3A_1701 : i32 to index
      %get3A_1771 = tpu.vector_load %arg11[%get3A_1768, %get3A_1769, %get3A_1770] {strides = array<i32>} : memref<4x32x128xf32, #tpu.memory_space<vmem>>, vector<1x1x16xf32>,
      %get3A_1772 = vector.shape_cast %get3A_1771 : vector<1x1x16xf32> to vector<16xf32>
      %mul3A_1773 = vector.broadcast %squeeze3A_301 : f32 to vector<16xf32>
      %mul3A_1774 = arith.mulf %mul3A_1773, %get3A_1772 : vector<16xf32>
      %add3A_1775 = arith.addf %add3A_1765, %mul3A_1774 : vector<16xf32>
      %get3A_1776 = arith.constant 3 : i32
      %get3A_1777 = arith.constant 7 : i32
      %get3A_1778 = arith.index_cast %get3A_1776 : i32 to index
      %get3A_1779 = arith.index_cast %get3A_1777 : i32 to index
      %get3A_1780 = arith.index_cast %and3A_1701 : i32 to index
      %get3A_1781 = tpu.vector_load %arg11[%get3A_1778, %get3A_1779, %get3A_1780] {strides = array<i32>} : memref<4x32x128xf32, #tpu.memory_space<vmem>>, vector<1x1x16xf32>,
      %get3A_1782 = vector.shape_cast %get3A_1781 : vector<1x1x16xf32> to vector<16xf32>
      %mul3A_1783 = vector.broadcast %squeeze3A_315 : f32 to vector<16xf32>
      %mul3A_1784 = arith.mulf %mul3A_1783, %get3A_1782 : vector<16xf32>
      %add3A_1785 = arith.addf %add3A_1775, %mul3A_1784 : vector<16xf32>
      %get3A_1786 = arith.constant 3 : i32
      %get3A_1787 = arith.constant 8 : i32
      %get3A_1788 = arith.index_cast %get3A_1786 : i32 to index
      %get3A_1789 = arith.index_cast %get3A_1787 : i32 to index
      %get3A_1790 = arith.index_cast %and3A_1701 : i32 to index
      %get3A_1791 = tpu.vector_load %arg11[%get3A_1788, %get3A_1789, %get3A_1790] {strides = array<i32>} : memref<4x32x128xf32, #tpu.memory_space<vmem>>, vector<1x1x16xf32>,
      %get3A_1792 = vector.shape_cast %get3A_1791 : vector<1x1x16xf32> to vector<16xf32>
      %mul3A_1793 = vector.broadcast %squeeze3A_329 : f32 to vector<16xf32>
      %mul3A_1794 = arith.mulf %mul3A_1793, %get3A_1792 : vector<16xf32>
      %add3A_1795 = arith.addf %add3A_1785, %mul3A_1794 : vector<16xf32>
      %get3A_1796 = arith.constant 3 : i32
      %get3A_1797 = arith.constant 9 : i32
      %get3A_1798 = arith.index_cast %get3A_1796 : i32 to index
      %get3A_1799 = arith.index_cast %get3A_1797 : i32 to index
      %get3A_1800 = arith.index_cast %and3A_1701 : i32 to index
      %get3A_1801 = tpu.vector_load %arg11[%get3A_1798, %get3A_1799, %get3A_1800] {strides = array<i32>} : memref<4x32x128xf32, #tpu.memory_space<vmem>>, vector<1x1x16xf32>,
      %get3A_1802 = vector.shape_cast %get3A_1801 : vector<1x1x16xf32> to vector<16xf32>
      %mul3A_1803 = vector.broadcast %squeeze3A_343 : f32 to vector<16xf32>
      %mul3A_1804 = arith.mulf %mul3A_1803, %get3A_1802 : vector<16xf32>
      %add3A_1805 = arith.addf %add3A_1795, %mul3A_1804 : vector<16xf32>
      %get3A_1806 = arith.constant 3 : i32
      %get3A_1807 = arith.constant 10 : i32
      %get3A_1808 = arith.index_cast %get3A_1806 : i32 to index
      %get3A_1809 = arith.index_cast %get3A_1807 : i32 to index
      %get3A_1810 = arith.index_cast %and3A_1701 : i32 to index
      %get3A_1811 = tpu.vector_load %arg11[%get3A_1808, %get3A_1809, %get3A_1810] {strides = array<i32>} : memref<4x32x128xf32, #tpu.memory_space<vmem>>, vector<1x1x16xf32>,
      %get3A_1812 = vector.shape_cast %get3A_1811 : vector<1x1x16xf32> to vector<16xf32>
      %mul3A_1813 = vector.broadcast %squeeze3A_357 : f32 to vector<16xf32>
      %mul3A_1814 = arith.mulf %mul3A_1813, %get3A_1812 : vector<16xf32>
      %add3A_1815 = arith.addf %add3A_1805, %mul3A_1814 : vector<16xf32>
      %get3A_1816 = arith.constant 3 : i32
      %get3A_1817 = arith.constant 11 : i32
      %get3A_1818 = arith.index_cast %get3A_1816 : i32 to index
      %get3A_1819 = arith.index_cast %get3A_1817 : i32 to index
      %get3A_1820 = arith.index_cast %and3A_1701 : i32 to index
      %get3A_1821 = tpu.vector_load %arg11[%get3A_1818, %get3A_1819, %get3A_1820] {strides = array<i32>} : memref<4x32x128xf32, #tpu.memory_space<vmem>>, vector<1x1x16xf32>,
      %get3A_1822 = vector.shape_cast %get3A_1821 : vector<1x1x16xf32> to vector<16xf32>
      %mul3A_1823 = vector.broadcast %squeeze3A_371 : f32 to vector<16xf32>
      %mul3A_1824 = arith.mulf %mul3A_1823, %get3A_1822 : vector<16xf32>
      %add3A_1825 = arith.addf %add3A_1815, %mul3A_1824 : vector<16xf32>
      %get3A_1826 = arith.constant 3 : i32
      %get3A_1827 = arith.constant 12 : i32
      %get3A_1828 = arith.index_cast %get3A_1826 : i32 to index
      %get3A_1829 = arith.index_cast %get3A_1827 : i32 to index
      %get3A_1830 = arith.index_cast %and3A_1701 : i32 to index
      %get3A_1831 = tpu.vector_load %arg11[%get3A_1828, %get3A_1829, %get3A_1830] {strides = array<i32>} : memref<4x32x128xf32, #tpu.memory_space<vmem>>, vector<1x1x16xf32>,
      %get3A_1832 = vector.shape_cast %get3A_1831 : vector<1x1x16xf32> to vector<16xf32>
      %mul3A_1833 = vector.broadcast %squeeze3A_385 : f32 to vector<16xf32>
      %mul3A_1834 = arith.mulf %mul3A_1833, %get3A_1832 : vector<16xf32>
      %add3A_1835 = arith.addf %add3A_1825, %mul3A_1834 : vector<16xf32>
      %get3A_1836 = arith.constant 3 : i32
      %get3A_1837 = arith.constant 13 : i32
      %get3A_1838 = arith.index_cast %get3A_1836 : i32 to index
      %get3A_1839 = arith.index_cast %get3A_1837 : i32 to index
      %get3A_1840 = arith.index_cast %and3A_1701 : i32 to index
      %get3A_1841 = tpu.vector_load %arg11[%get3A_1838, %get3A_1839, %get3A_1840] {strides = array<i32>} : memref<4x32x128xf32, #tpu.memory_space<vmem>>, vector<1x1x16xf32>,
      %get3A_1842 = vector.shape_cast %get3A_1841 : vector<1x1x16xf32> to vector<16xf32>
      %mul3A_1843 = vector.broadcast %squeeze3A_399 : f32 to vector<16xf32>
      %mul3A_1844 = arith.mulf %mul3A_1843, %get3A_1842 : vector<16xf32>
      %add3A_1845 = arith.addf %add3A_1835, %mul3A_1844 : vector<16xf32>
      %get3A_1846 = arith.constant 3 : i32
      %get3A_1847 = arith.constant 14 : i32
      %get3A_1848 = arith.index_cast %get3A_1846 : i32 to index
      %get3A_1849 = arith.index_cast %get3A_1847 : i32 to index
      %get3A_1850 = arith.index_cast %and3A_1701 : i32 to index
      %get3A_1851 = tpu.vector_load %arg11[%get3A_1848, %get3A_1849, %get3A_1850] {strides = array<i32>} : memref<4x32x128xf32, #tpu.memory_space<vmem>>, vector<1x1x16xf32>,
      %get3A_1852 = vector.shape_cast %get3A_1851 : vector<1x1x16xf32> to vector<16xf32>
      %mul3A_1853 = vector.broadcast %squeeze3A_413 : f32 to vector<16xf32>
      %mul3A_1854 = arith.mulf %mul3A_1853, %get3A_1852 : vector<16xf32>
      %add3A_1855 = arith.addf %add3A_1845, %mul3A_1854 : vector<16xf32>
      %get3A_1856 = arith.constant 3 : i32
      %get3A_1857 = arith.constant 15 : i32
      %get3A_1858 = arith.index_cast %get3A_1856 : i32 to index
      %get3A_1859 = arith.index_cast %get3A_1857 : i32 to index
      %get3A_1860 = arith.index_cast %and3A_1701 : i32 to index
      %get3A_1861 = tpu.vector_load %arg11[%get3A_1858, %get3A_1859, %get3A_1860] {strides = array<i32>} : memref<4x32x128xf32, #tpu.memory_space<vmem>>, vector<1x1x16xf32>,
      %get3A_1862 = vector.shape_cast %get3A_1861 : vector<1x1x16xf32> to vector<16xf32>
      %mul3A_1863 = vector.broadcast %squeeze3A_427 : f32 to vector<16xf32>
      %mul3A_1864 = arith.mulf %mul3A_1863, %get3A_1862 : vector<16xf32>
      %add3A_1865 = arith.addf %add3A_1855, %mul3A_1864 : vector<16xf32>
      %get3A_1866 = arith.constant 3 : i32
      %get3A_1867 = arith.constant 16 : i32
      %get3A_1868 = arith.index_cast %get3A_1866 : i32 to index
      %get3A_1869 = arith.index_cast %get3A_1867 : i32 to index
      %get3A_1870 = arith.index_cast %and3A_1701 : i32 to index
      %get3A_1871 = tpu.vector_load %arg11[%get3A_1868, %get3A_1869, %get3A_1870] {strides = array<i32>} : memref<4x32x128xf32, #tpu.memory_space<vmem>>, vector<1x1x16xf32>,
      %get3A_1872 = vector.shape_cast %get3A_1871 : vector<1x1x16xf32> to vector<16xf32>
      %mul3A_1873 = vector.broadcast %squeeze3A_441 : f32 to vector<16xf32>
      %mul3A_1874 = arith.mulf %mul3A_1873, %get3A_1872 : vector<16xf32>
      %add3A_1875 = arith.addf %add3A_1865, %mul3A_1874 : vector<16xf32>
      %get3A_1876 = arith.constant 3 : i32
      %get3A_1877 = arith.constant 17 : i32
      %get3A_1878 = arith.index_cast %get3A_1876 : i32 to index
      %get3A_1879 = arith.index_cast %get3A_1877 : i32 to index
      %get3A_1880 = arith.index_cast %and3A_1701 : i32 to index
      %get3A_1881 = tpu.vector_load %arg11[%get3A_1878, %get3A_1879, %get3A_1880] {strides = array<i32>} : memref<4x32x128xf32, #tpu.memory_space<vmem>>, vector<1x1x16xf32>,
      %get3A_1882 = vector.shape_cast %get3A_1881 : vector<1x1x16xf32> to vector<16xf32>
      %mul3A_1883 = vector.broadcast %squeeze3A_455 : f32 to vector<16xf32>
      %mul3A_1884 = arith.mulf %mul3A_1883, %get3A_1882 : vector<16xf32>
      %add3A_1885 = arith.addf %add3A_1875, %mul3A_1884 : vector<16xf32>
      %get3A_1886 = arith.constant 3 : i32
      %get3A_1887 = arith.constant 18 : i32
      %get3A_1888 = arith.index_cast %get3A_1886 : i32 to index
      %get3A_1889 = arith.index_cast %get3A_1887 : i32 to index
      %get3A_1890 = arith.index_cast %and3A_1701 : i32 to index
      %get3A_1891 = tpu.vector_load %arg11[%get3A_1888, %get3A_1889, %get3A_1890] {strides = array<i32>} : memref<4x32x128xf32, #tpu.memory_space<vmem>>, vector<1x1x16xf32>,
      %get3A_1892 = vector.shape_cast %get3A_1891 : vector<1x1x16xf32> to vector<16xf32>
      %mul3A_1893 = vector.broadcast %squeeze3A_469 : f32 to vector<16xf32>
      %mul3A_1894 = arith.mulf %mul3A_1893, %get3A_1892 : vector<16xf32>
      %add3A_1895 = arith.addf %add3A_1885, %mul3A_1894 : vector<16xf32>
      %get3A_1896 = arith.constant 3 : i32
      %get3A_1897 = arith.constant 19 : i32
      %get3A_1898 = arith.index_cast %get3A_1896 : i32 to index
      %get3A_1899 = arith.index_cast %get3A_1897 : i32 to index
      %get3A_1900 = arith.index_cast %and3A_1701 : i32 to index
      %get3A_1901 = tpu.vector_load %arg11[%get3A_1898, %get3A_1899, %get3A_1900] {strides = array<i32>} : memref<4x32x128xf32, #tpu.memory_space<vmem>>, vector<1x1x16xf32>,
      %get3A_1902 = vector.shape_cast %get3A_1901 : vector<1x1x16xf32> to vector<16xf32>
      %mul3A_1903 = vector.broadcast %squeeze3A_483 : f32 to vector<16xf32>
      %mul3A_1904 = arith.mulf %mul3A_1903, %get3A_1902 : vector<16xf32>
      %add3A_1905 = arith.addf %add3A_1895, %mul3A_1904 : vector<16xf32>
      %get3A_1906 = arith.constant 3 : i32
      %get3A_1907 = arith.constant 20 : i32
      %get3A_1908 = arith.index_cast %get3A_1906 : i32 to index
      %get3A_1909 = arith.index_cast %get3A_1907 : i32 to index
      %get3A_1910 = arith.index_cast %and3A_1701 : i32 to index
      %get3A_1911 = tpu.vector_load %arg11[%get3A_1908, %get3A_1909, %get3A_1910] {strides = array<i32>} : memref<4x32x128xf32, #tpu.memory_space<vmem>>, vector<1x1x16xf32>,
      %get3A_1912 = vector.shape_cast %get3A_1911 : vector<1x1x16xf32> to vector<16xf32>
      %mul3A_1913 = vector.broadcast %squeeze3A_497 : f32 to vector<16xf32>
      %mul3A_1914 = arith.mulf %mul3A_1913, %get3A_1912 : vector<16xf32>
      %add3A_1915 = arith.addf %add3A_1905, %mul3A_1914 : vector<16xf32>
      %get3A_1916 = arith.constant 3 : i32
      %get3A_1917 = arith.constant 21 : i32
      %get3A_1918 = arith.index_cast %get3A_1916 : i32 to index
      %get3A_1919 = arith.index_cast %get3A_1917 : i32 to index
      %get3A_1920 = arith.index_cast %and3A_1701 : i32 to index
      %get3A_1921 = tpu.vector_load %arg11[%get3A_1918, %get3A_1919, %get3A_1920] {strides = array<i32>} : memref<4x32x128xf32, #tpu.memory_space<vmem>>, vector<1x1x16xf32>,
      %get3A_1922 = vector.shape_cast %get3A_1921 : vector<1x1x16xf32> to vector<16xf32>
      %mul3A_1923 = vector.broadcast %squeeze3A_511 : f32 to vector<16xf32>
      %mul3A_1924 = arith.mulf %mul3A_1923, %get3A_1922 : vector<16xf32>
      %add3A_1925 = arith.addf %add3A_1915, %mul3A_1924 : vector<16xf32>
      %get3A_1926 = arith.constant 3 : i32
      %get3A_1927 = arith.constant 22 : i32
      %get3A_1928 = arith.index_cast %get3A_1926 : i32 to index
      %get3A_1929 = arith.index_cast %get3A_1927 : i32 to index
      %get3A_1930 = arith.index_cast %and3A_1701 : i32 to index
      %get3A_1931 = tpu.vector_load %arg11[%get3A_1928, %get3A_1929, %get3A_1930] {strides = array<i32>} : memref<4x32x128xf32, #tpu.memory_space<vmem>>, vector<1x1x16xf32>,
      %get3A_1932 = vector.shape_cast %get3A_1931 : vector<1x1x16xf32> to vector<16xf32>
      %mul3A_1933 = vector.broadcast %squeeze3A_525 : f32 to vector<16xf32>
      %mul3A_1934 = arith.mulf %mul3A_1933, %get3A_1932 : vector<16xf32>
      %add3A_1935 = arith.addf %add3A_1925, %mul3A_1934 : vector<16xf32>
      %get3A_1936 = arith.constant 3 : i32
      %get3A_1937 = arith.constant 23 : i32
      %get3A_1938 = arith.index_cast %get3A_1936 : i32 to index
      %get3A_1939 = arith.index_cast %get3A_1937 : i32 to index
      %get3A_1940 = arith.index_cast %and3A_1701 : i32 to index
      %get3A_1941 = tpu.vector_load %arg11[%get3A_1938, %get3A_1939, %get3A_1940] {strides = array<i32>} : memref<4x32x128xf32, #tpu.memory_space<vmem>>, vector<1x1x16xf32>,
      %get3A_1942 = vector.shape_cast %get3A_1941 : vector<1x1x16xf32> to vector<16xf32>
      %mul3A_1943 = vector.broadcast %squeeze3A_539 : f32 to vector<16xf32>
      %mul3A_1944 = arith.mulf %mul3A_1943, %get3A_1942 : vector<16xf32>
      %add3A_1945 = arith.addf %add3A_1935, %mul3A_1944 : vector<16xf32>
      %get3A_1946 = arith.constant 3 : i32
      %get3A_1947 = arith.constant 24 : i32
      %get3A_1948 = arith.index_cast %get3A_1946 : i32 to index
      %get3A_1949 = arith.index_cast %get3A_1947 : i32 to index
      %get3A_1950 = arith.index_cast %and3A_1701 : i32 to index
      %get3A_1951 = tpu.vector_load %arg11[%get3A_1948, %get3A_1949, %get3A_1950] {strides = array<i32>} : memref<4x32x128xf32, #tpu.memory_space<vmem>>, vector<1x1x16xf32>,
      %get3A_1952 = vector.shape_cast %get3A_1951 : vector<1x1x16xf32> to vector<16xf32>
      %mul3A_1953 = vector.broadcast %squeeze3A_553 : f32 to vector<16xf32>
      %mul3A_1954 = arith.mulf %mul3A_1953, %get3A_1952 : vector<16xf32>
      %add3A_1955 = arith.addf %add3A_1945, %mul3A_1954 : vector<16xf32>
      %get3A_1956 = arith.constant 3 : i32
      %get3A_1957 = arith.constant 25 : i32
      %get3A_1958 = arith.index_cast %get3A_1956 : i32 to index
      %get3A_1959 = arith.index_cast %get3A_1957 : i32 to index
      %get3A_1960 = arith.index_cast %and3A_1701 : i32 to index
      %get3A_1961 = tpu.vector_load %arg11[%get3A_1958, %get3A_1959, %get3A_1960] {strides = array<i32>} : memref<4x32x128xf32, #tpu.memory_space<vmem>>, vector<1x1x16xf32>,
      %get3A_1962 = vector.shape_cast %get3A_1961 : vector<1x1x16xf32> to vector<16xf32>
      %mul3A_1963 = vector.broadcast %squeeze3A_567 : f32 to vector<16xf32>
      %mul3A_1964 = arith.mulf %mul3A_1963, %get3A_1962 : vector<16xf32>
      %add3A_1965 = arith.addf %add3A_1955, %mul3A_1964 : vector<16xf32>
      %get3A_1966 = arith.constant 3 : i32
      %get3A_1967 = arith.constant 26 : i32
      %get3A_1968 = arith.index_cast %get3A_1966 : i32 to index
      %get3A_1969 = arith.index_cast %get3A_1967 : i32 to index
      %get3A_1970 = arith.index_cast %and3A_1701 : i32 to index
      %get3A_1971 = tpu.vector_load %arg11[%get3A_1968, %get3A_1969, %get3A_1970] {strides = array<i32>} : memref<4x32x128xf32, #tpu.memory_space<vmem>>, vector<1x1x16xf32>,
      %get3A_1972 = vector.shape_cast %get3A_1971 : vector<1x1x16xf32> to vector<16xf32>
      %mul3A_1973 = vector.broadcast %squeeze3A_581 : f32 to vector<16xf32>
      %mul3A_1974 = arith.mulf %mul3A_1973, %get3A_1972 : vector<16xf32>
      %add3A_1975 = arith.addf %add3A_1965, %mul3A_1974 : vector<16xf32>
      %get3A_1976 = arith.constant 3 : i32
      %get3A_1977 = arith.constant 27 : i32
      %get3A_1978 = arith.index_cast %get3A_1976 : i32 to index
      %get3A_1979 = arith.index_cast %get3A_1977 : i32 to index
      %get3A_1980 = arith.index_cast %and3A_1701 : i32 to index
      %get3A_1981 = tpu.vector_load %arg11[%get3A_1978, %get3A_1979, %get3A_1980] {strides = array<i32>} : memref<4x32x128xf32, #tpu.memory_space<vmem>>, vector<1x1x16xf32>,
      %get3A_1982 = vector.shape_cast %get3A_1981 : vector<1x1x16xf32> to vector<16xf32>
      %mul3A_1983 = vector.broadcast %squeeze3A_595 : f32 to vector<16xf32>
      %mul3A_1984 = arith.mulf %mul3A_1983, %get3A_1982 : vector<16xf32>
      %add3A_1985 = arith.addf %add3A_1975, %mul3A_1984 : vector<16xf32>
      %get3A_1986 = arith.constant 3 : i32
      %get3A_1987 = arith.constant 28 : i32
      %get3A_1988 = arith.index_cast %get3A_1986 : i32 to index
      %get3A_1989 = arith.index_cast %get3A_1987 : i32 to index
      %get3A_1990 = arith.index_cast %and3A_1701 : i32 to index
      %get3A_1991 = tpu.vector_load %arg11[%get3A_1988, %get3A_1989, %get3A_1990] {strides = array<i32>} : memref<4x32x128xf32, #tpu.memory_space<vmem>>, vector<1x1x16xf32>,
      %get3A_1992 = vector.shape_cast %get3A_1991 : vector<1x1x16xf32> to vector<16xf32>
      %mul3A_1993 = vector.broadcast %squeeze3A_609 : f32 to vector<16xf32>
      %mul3A_1994 = arith.mulf %mul3A_1993, %get3A_1992 : vector<16xf32>
      %add3A_1995 = arith.addf %add3A_1985, %mul3A_1994 : vector<16xf32>
      %get3A_1996 = arith.constant 3 : i32
      %get3A_1997 = arith.constant 29 : i32
      %get3A_1998 = arith.index_cast %get3A_1996 : i32 to index
      %get3A_1999 = arith.index_cast %get3A_1997 : i32 to index
      %get3A_2000 = arith.index_cast %and3A_1701 : i32 to index
      %get3A_2001 = tpu.vector_load %arg11[%get3A_1998, %get3A_1999, %get3A_2000] {strides = array<i32>} : memref<4x32x128xf32, #tpu.memory_space<vmem>>, vector<1x1x16xf32>,
      %get3A_2002 = vector.shape_cast %get3A_2001 : vector<1x1x16xf32> to vector<16xf32>
      %mul3A_2003 = vector.broadcast %squeeze3A_623 : f32 to vector<16xf32>
      %mul3A_2004 = arith.mulf %mul3A_2003, %get3A_2002 : vector<16xf32>
      %add3A_2005 = arith.addf %add3A_1995, %mul3A_2004 : vector<16xf32>
      %get3A_2006 = arith.constant 3 : i32
      %get3A_2007 = arith.constant 30 : i32
      %get3A_2008 = arith.index_cast %get3A_2006 : i32 to index
      %get3A_2009 = arith.index_cast %get3A_2007 : i32 to index
      %get3A_2010 = arith.index_cast %and3A_1701 : i32 to index
      %get3A_2011 = tpu.vector_load %arg11[%get3A_2008, %get3A_2009, %get3A_2010] {strides = array<i32>} : memref<4x32x128xf32, #tpu.memory_space<vmem>>, vector<1x1x16xf32>,
      %get3A_2012 = vector.shape_cast %get3A_2011 : vector<1x1x16xf32> to vector<16xf32>
      %mul3A_2013 = vector.broadcast %squeeze3A_637 : f32 to vector<16xf32>
      %mul3A_2014 = arith.mulf %mul3A_2013, %get3A_2012 : vector<16xf32>
      %add3A_2015 = arith.addf %add3A_2005, %mul3A_2014 : vector<16xf32>
      %get3A_2016 = arith.constant 3 : i32
      %get3A_2017 = arith.constant 31 : i32
      %get3A_2018 = arith.index_cast %get3A_2016 : i32 to index
      %get3A_2019 = arith.index_cast %get3A_2017 : i32 to index
      %get3A_2020 = arith.index_cast %and3A_1701 : i32 to index
      %get3A_2021 = tpu.vector_load %arg11[%get3A_2018, %get3A_2019, %get3A_2020] {strides = array<i32>} : memref<4x32x128xf32, #tpu.memory_space<vmem>>, vector<1x1x16xf32>,
      %get3A_2022 = vector.shape_cast %get3A_2021 : vector<1x1x16xf32> to vector<16xf32>
      %mul3A_2023 = vector.broadcast %squeeze3A_651 : f32 to vector<16xf32>
      %mul3A_2024 = arith.mulf %mul3A_2023, %get3A_2022 : vector<16xf32>
      %add3A_2025 = arith.addf %add3A_2015, %mul3A_2024 : vector<16xf32>
      %swap3A_2026 = arith.constant 0 : index
      %swap3A_2027 = tpu.vector_load %arg12[%swap3A_2026] {strides = array<i32>} : memref<32xf32, #tpu.memory_space<vmem>>, vector<16xf32>,
      %swap3A_2028 = vector.shape_cast %swap3A_2027 : vector<16xf32> to vector<16xf32>
      %swap3A_2029 = vector.shape_cast %add3A_2025 : vector<16xf32> to vector<16xf32>
      tpu.vector_store %arg12[%swap3A_2026], %swap3A_2029 {strides = array<i32>} : memref<32xf32, #tpu.memory_space<vmem>>, vector<16xf32>,
      %get3A_2030 = arith.index_cast %and3A_1703 : i32 to index
      %get3A_2031 = tpu.vector_load %arg12[%get3A_2030] {strides = array<i32>} : memref<32xf32, #tpu.memory_space<vmem>>, vector<16xf32>,
      %get3A_2032 = vector.shape_cast %get3A_2031 : vector<16xf32> to vector<16xf32>
      %slice3A_2033 = vector.extract_strided_slice %get3A_2032 {offsets = [0], sizes = [1], strides = [1]} : vector<16xf32> to vector<1xf32>
      %squeeze3A_2034 = vector.extract %slice3A_2033[0] : f32 from vector<1xf32>
      %eq3A_2035 = arith.constant 56 : i32
      %eq3A_2036 = arith.cmpi eq, %add3A_55, %eq3A_2035 : i32
      %neg3A_2037 = arith.constant 0.000000e+00 : f32
      %neg3A_2038 = arith.subf %neg3A_2037, %squeeze3A_2034 : f32
      %lt3A_2039 = arith.constant 50 : i32
      %lt3A_2040 = arith.cmpi slt, %add3A_55, %lt3A_2039 : i32
      %jit3A_2041 = arith.constant -3.000000e+01 : f32
      %select_n3A_2042 = arith.select %lt3A_2040, %squeeze3A_2034, %jit3A_2041 : f32
      %select_n3A_2043 = arith.select %eq3A_2036, %neg3A_2038, %select_n3A_2042 : f32
      %eq3A_2044 = arith.constant 3 : i32
      %eq3A_2045 = vector.broadcast %eq3A_2044 : i32 to vector<16xi32>
      %eq3A_2046 = arith.cmpi eq, %iota3A, %eq3A_2045 : vector<16xi32>
      %broadcast_in_dim3A_2047 = vector.broadcast %select_n3A_2043 : f32 to vector<16xf32>
      %select_n3A_2048 = arith.select %eq3A_2046, %broadcast_in_dim3A_2047, %select_n3A_1699 : vector<16xi1>, vector<16xf32>
      %abs3A = math.absf %select_n3A_2048 : vector<16xf32>
      %neg3A_2049 = arith.constant 0.000000e+00 : f32
      %neg3A_2050 = vector.broadcast %neg3A_2049 : f32 to vector<16xf32>
      %neg3A_2051 = arith.subf %neg3A_2050, %abs3A : vector<16xf32>
      %exp3A = math.exp %neg3A_2051 : vector<16xf32>
      %broadcast_in_dim3A_2052 = arith.constant 0.00382491248 : f32
      %broadcast_in_dim3A_2053 = vector.broadcast %broadcast_in_dim3A_2052 : f32 to vector<16xf32>
      %mul3A_2054 = arith.mulf %broadcast_in_dim3A_2053, %exp3A : vector<16xf32>
      %add3A_2055 = arith.constant -0.0233816486 : f32
      %add3A_2056 = vector.broadcast %add3A_2055 : f32 to vector<16xf32>
      %add3A_2057 = arith.addf %mul3A_2054, %add3A_2056 : vector<16xf32>
      %mul3A_2058 = arith.mulf %add3A_2057, %exp3A : vector<16xf32>
      %add3A_2059 = arith.constant 0.0671992153 : f32
      %add3A_2060 = vector.broadcast %add3A_2059 : f32 to vector<16xf32>
      %add3A_2061 = arith.addf %mul3A_2058, %add3A_2060 : vector<16xf32>
      %mul3A_2062 = arith.mulf %add3A_2061, %exp3A : vector<16xf32>
      %add3A_2063 = arith.constant -0.126017734 : f32
      %add3A_2064 = vector.broadcast %add3A_2063 : f32 to vector<16xf32>
      %add3A_2065 = arith.addf %mul3A_2062, %add3A_2064 : vector<16xf32>
      %mul3A_2066 = arith.mulf %add3A_2065, %exp3A : vector<16xf32>
      %add3A_2067 = arith.constant 0.185176715 : f32
      %add3A_2068 = vector.broadcast %add3A_2067 : f32 to vector<16xf32>
      %add3A_2069 = arith.addf %mul3A_2066, %add3A_2068 : vector<16xf32>
      %mul3A_2070 = arith.mulf %add3A_2069, %exp3A : vector<16xf32>
      %add3A_2071 = arith.constant -0.246548414 : f32
      %add3A_2072 = vector.broadcast %add3A_2071 : f32 to vector<16xf32>
      %add3A_2073 = arith.addf %mul3A_2070, %add3A_2072 : vector<16xf32>
      %mul3A_2074 = arith.mulf %add3A_2073, %exp3A : vector<16xf32>
      %add3A_2075 = arith.constant 0.332862675 : f32
      %add3A_2076 = vector.broadcast %add3A_2075 : f32 to vector<16xf32>
      %add3A_2077 = arith.addf %mul3A_2074, %add3A_2076 : vector<16xf32>
      %mul3A_2078 = arith.mulf %add3A_2077, %exp3A : vector<16xf32>
      %add3A_2079 = arith.constant -0.499967784 : f32
      %add3A_2080 = vector.broadcast %add3A_2079 : f32 to vector<16xf32>
      %add3A_2081 = arith.addf %mul3A_2078, %add3A_2080 : vector<16xf32>
      %mul3A_2082 = arith.mulf %add3A_2081, %exp3A : vector<16xf32>
      %add3A_2083 = arith.constant 0.999999225 : f32
      %add3A_2084 = vector.broadcast %add3A_2083 : f32 to vector<16xf32>
      %add3A_2085 = arith.addf %mul3A_2082, %add3A_2084 : vector<16xf32>
      %max3A = arith.constant 0.000000e+00 : f32
      %max3A_2086 = vector.broadcast %max3A : f32 to vector<16xf32>
      %max3A_2087 = arith.maximumf %select_n3A_2048, %max3A_2086 : vector<16xf32>
      %mul3A_2088 = arith.mulf %add3A_2085, %exp3A : vector<16xf32>
      %add3A_2089 = arith.addf %max3A_2087, %mul3A_2088 : vector<16xf32>
      %swap3A_2090 = arith.constant 0 : index
      %swap3A_2091 = tpu.vector_load %arg14[%swap3A_2090] {strides = array<i32>} : memref<16xf32, #tpu.memory_space<vmem>>, vector<16xf32>,
      %swap3A_2092 = vector.shape_cast %swap3A_2091 : vector<16xf32> to vector<16xf32>
      %swap3A_2093 = vector.shape_cast %add3A_2089 : vector<16xf32> to vector<16xf32>
      tpu.vector_store %arg14[%swap3A_2090], %swap3A_2093 {strides = array<i32>} : memref<16xf32, #tpu.memory_space<vmem>>, vector<16xf32>,
      %mul3A_2094 = arith.constant 16 : i32
      %mul3A_2095 = arith.muli %arg1, %mul3A_2094 : i32
      %add3A_2096 = vector.broadcast %mul3A_2095 : i32 to vector<16xi32>
      %add3A_2097 = arith.addi %add3A_2096, %iota3A : vector<16xi32>
      "tpu.region"() ({
        %run_scoped3A = tpu.sem_alloc : memref<!tpu.dma_semaphore, #tpu.memory_space<semaphore_mem>>
        %dma_start3A_2103 = arith.constant 0 : i32
        %dma_start3A_2104 = tpu.memref_slice %arg17[%dma_start3A_2103] : memref<256xf32, #tpu.memory_space<vmem_shared>> -> memref<256xf32, #tpu.memory_space<vmem_shared>>
        tpu.enqueue_indirect_dma source(%arg14 : memref<16xf32, #tpu.memory_space<vmem>>) target(%dma_start3A_2104 : memref<256xf32, #tpu.memory_space<vmem_shared>>) offsets(%add3A_2097 : vector<16xi32>) semaphore(%run_scoped3A : memref<!tpu.dma_semaphore, #tpu.memory_space<semaphore_mem>>)
        %dma_wait3A_2105 = arith.constant 0 : i32
        %dma_wait3A_2106 = tpu.memref_slice %arg17[%dma_wait3A_2105] : memref<256xf32, #tpu.memory_space<vmem_shared>> -> memref<256xf32, #tpu.memory_space<vmem_shared>>
        tpu.wait_indirect_dma semaphore(%run_scoped3A : memref<!tpu.dma_semaphore, #tpu.memory_space<semaphore_mem>>) src(%arg14 : memref<16xf32, #tpu.memory_space<vmem>>) dst(%dma_wait3A_2106 : memref<256xf32, #tpu.memory_space<vmem_shared>>)
        tpu.yield
      }) : () -> ()
      %barrier3A = arith.constant 0 : index
      tpu.barrier barrier_id(%barrier3A)
      %eq3A_2098 = arith.constant 0 : i32
      %eq3A_2099 = arith.cmpi eq, %arg1, %eq3A_2098 : i32
      %convert_element_type3A_2100 = arith.extui %eq3A_2099 : i1 to i32
      %cond3A_2101 = arith.constant 0 : i32
      %cond3A_2102 = arith.cmpi ne, %convert_element_type3A_2100, %cond3A_2101 : i32
      scf.if %cond3A_2102 {
        "tpu.region"() ({
          %run_scoped3A = tpu.sem_alloc : memref<!tpu.dma_semaphore, #tpu.memory_space<semaphore_mem>>
          tpu.enqueue_dma source(%arg17 : memref<256xf32, #tpu.memory_space<vmem_shared>>) target(%arg15 : memref<256xf32, #tpu.memory_space<vmem>>) target_semaphore(%run_scoped3A : memref<!tpu.dma_semaphore, #tpu.memory_space<semaphore_mem>>)
          tpu.wait_dma2 semaphore(%run_scoped3A : memref<!tpu.dma_semaphore, #tpu.memory_space<semaphore_mem>>) src(%arg17 : memref<256xf32, #tpu.memory_space<vmem_shared>>) dst(%arg15 : memref<256xf32, #tpu.memory_space<vmem>>)
          tpu.yield
        }) : () -> ()
        %get3A_2103 = arith.constant 0 : index
        %get3A_2104 = tpu.vector_load %arg15[%get3A_2103] {strides = array<i32>} : memref<256xf32, #tpu.memory_space<vmem>>, vector<16xf32>,
        %get3A_2105 = vector.shape_cast %get3A_2104 : vector<16xf32> to vector<16xf32>
        %get3A_2106 = arith.constant 16 : index
        %get3A_2107 = tpu.vector_load %arg15[%get3A_2106] {strides = array<i32>} : memref<256xf32, #tpu.memory_space<vmem>>, vector<16xf32>,
        %get3A_2108 = vector.shape_cast %get3A_2107 : vector<16xf32> to vector<16xf32>
        %add3A_2109 = arith.addf %get3A_2105, %get3A_2108 : vector<16xf32>
        %get3A_2110 = arith.constant 32 : index
        %get3A_2111 = tpu.vector_load %arg15[%get3A_2110] {strides = array<i32>} : memref<256xf32, #tpu.memory_space<vmem>>, vector<16xf32>,
        %get3A_2112 = vector.shape_cast %get3A_2111 : vector<16xf32> to vector<16xf32>
        %add3A_2113 = arith.addf %add3A_2109, %get3A_2112 : vector<16xf32>
        %get3A_2114 = arith.constant 48 : index
        %get3A_2115 = tpu.vector_load %arg15[%get3A_2114] {strides = array<i32>} : memref<256xf32, #tpu.memory_space<vmem>>, vector<16xf32>,
        %get3A_2116 = vector.shape_cast %get3A_2115 : vector<16xf32> to vector<16xf32>
        %add3A_2117 = arith.addf %add3A_2113, %get3A_2116 : vector<16xf32>
        %get3A_2118 = arith.constant 64 : index
        %get3A_2119 = tpu.vector_load %arg15[%get3A_2118] {strides = array<i32>} : memref<256xf32, #tpu.memory_space<vmem>>, vector<16xf32>,
        %get3A_2120 = vector.shape_cast %get3A_2119 : vector<16xf32> to vector<16xf32>
        %add3A_2121 = arith.addf %add3A_2117, %get3A_2120 : vector<16xf32>
        %get3A_2122 = arith.constant 80 : index
        %get3A_2123 = tpu.vector_load %arg15[%get3A_2122] {strides = array<i32>} : memref<256xf32, #tpu.memory_space<vmem>>, vector<16xf32>,
        %get3A_2124 = vector.shape_cast %get3A_2123 : vector<16xf32> to vector<16xf32>
        %add3A_2125 = arith.addf %add3A_2121, %get3A_2124 : vector<16xf32>
        %get3A_2126 = arith.constant 96 : index
        %get3A_2127 = tpu.vector_load %arg15[%get3A_2126] {strides = array<i32>} : memref<256xf32, #tpu.memory_space<vmem>>, vector<16xf32>,
        %get3A_2128 = vector.shape_cast %get3A_2127 : vector<16xf32> to vector<16xf32>
        %add3A_2129 = arith.addf %add3A_2125, %get3A_2128 : vector<16xf32>
        %get3A_2130 = arith.constant 112 : index
        %get3A_2131 = tpu.vector_load %arg15[%get3A_2130] {strides = array<i32>} : memref<256xf32, #tpu.memory_space<vmem>>, vector<16xf32>,
        %get3A_2132 = vector.shape_cast %get3A_2131 : vector<16xf32> to vector<16xf32>
        %add3A_2133 = arith.addf %add3A_2129, %get3A_2132 : vector<16xf32>
        %get3A_2134 = arith.constant 128 : index
        %get3A_2135 = tpu.vector_load %arg15[%get3A_2134] {strides = array<i32>} : memref<256xf32, #tpu.memory_space<vmem>>, vector<16xf32>,
        %get3A_2136 = vector.shape_cast %get3A_2135 : vector<16xf32> to vector<16xf32>
        %add3A_2137 = arith.addf %add3A_2133, %get3A_2136 : vector<16xf32>
        %get3A_2138 = arith.constant 144 : index
        %get3A_2139 = tpu.vector_load %arg15[%get3A_2138] {strides = array<i32>} : memref<256xf32, #tpu.memory_space<vmem>>, vector<16xf32>,
        %get3A_2140 = vector.shape_cast %get3A_2139 : vector<16xf32> to vector<16xf32>
        %add3A_2141 = arith.addf %add3A_2137, %get3A_2140 : vector<16xf32>
        %get3A_2142 = arith.constant 160 : index
        %get3A_2143 = tpu.vector_load %arg15[%get3A_2142] {strides = array<i32>} : memref<256xf32, #tpu.memory_space<vmem>>, vector<16xf32>,
        %get3A_2144 = vector.shape_cast %get3A_2143 : vector<16xf32> to vector<16xf32>
        %add3A_2145 = arith.addf %add3A_2141, %get3A_2144 : vector<16xf32>
        %get3A_2146 = arith.constant 176 : index
        %get3A_2147 = tpu.vector_load %arg15[%get3A_2146] {strides = array<i32>} : memref<256xf32, #tpu.memory_space<vmem>>, vector<16xf32>,
        %get3A_2148 = vector.shape_cast %get3A_2147 : vector<16xf32> to vector<16xf32>
        %add3A_2149 = arith.addf %add3A_2145, %get3A_2148 : vector<16xf32>
        %get3A_2150 = arith.constant 192 : index
        %get3A_2151 = tpu.vector_load %arg15[%get3A_2150] {strides = array<i32>} : memref<256xf32, #tpu.memory_space<vmem>>, vector<16xf32>,
        %get3A_2152 = vector.shape_cast %get3A_2151 : vector<16xf32> to vector<16xf32>
        %add3A_2153 = arith.addf %add3A_2149, %get3A_2152 : vector<16xf32>
        %get3A_2154 = arith.constant 208 : index
        %get3A_2155 = tpu.vector_load %arg15[%get3A_2154] {strides = array<i32>} : memref<256xf32, #tpu.memory_space<vmem>>, vector<16xf32>,
        %get3A_2156 = vector.shape_cast %get3A_2155 : vector<16xf32> to vector<16xf32>
        %add3A_2157 = arith.addf %add3A_2153, %get3A_2156 : vector<16xf32>
        %get3A_2158 = arith.constant 224 : index
        %get3A_2159 = tpu.vector_load %arg15[%get3A_2158] {strides = array<i32>} : memref<256xf32, #tpu.memory_space<vmem>>, vector<16xf32>,
        %get3A_2160 = vector.shape_cast %get3A_2159 : vector<16xf32> to vector<16xf32>
        %add3A_2161 = arith.addf %add3A_2157, %get3A_2160 : vector<16xf32>
        %get3A_2162 = arith.constant 240 : index
        %get3A_2163 = tpu.vector_load %arg15[%get3A_2162] {strides = array<i32>} : memref<256xf32, #tpu.memory_space<vmem>>, vector<16xf32>,
        %get3A_2164 = vector.shape_cast %get3A_2163 : vector<16xf32> to vector<16xf32>
        %add3A_2165 = arith.addf %add3A_2161, %get3A_2164 : vector<16xf32>
        %swap3A_2166 = arith.constant 0 : index
        %swap3A_2167 = tpu.vector_load %arg13[%swap3A_2166] {strides = array<i32>} : memref<32xf32, #tpu.memory_space<vmem>>, vector<16xf32>,
        %swap3A_2168 = vector.shape_cast %swap3A_2167 : vector<16xf32> to vector<16xf32>
        %swap3A_2169 = vector.shape_cast %add3A_2165 : vector<16xf32> to vector<16xf32>
        tpu.vector_store %arg13[%swap3A_2166], %swap3A_2169 {strides = array<i32>} : memref<32xf32, #tpu.memory_space<vmem>>, vector<16xf32>,
        %get3A_2170 = arith.constant 8 : index
        %get3A_2171 = tpu.vector_load %arg13[%get3A_2170] {strides = array<i32>} : memref<32xf32, #tpu.memory_space<vmem>>, vector<16xf32>,
        %get3A_2172 = vector.shape_cast %get3A_2171 : vector<16xf32> to vector<16xf32>
        %add3A_2173 = arith.addf %add3A_2165, %get3A_2172 : vector<16xf32>
        %swap3A_2174 = arith.constant 0 : index
        %swap3A_2175 = tpu.vector_load %arg13[%swap3A_2174] {strides = array<i32>} : memref<32xf32, #tpu.memory_space<vmem>>, vector<16xf32>,
        %swap3A_2176 = vector.shape_cast %swap3A_2175 : vector<16xf32> to vector<16xf32>
        %swap3A_2177 = vector.shape_cast %add3A_2173 : vector<16xf32> to vector<16xf32>
        tpu.vector_store %arg13[%swap3A_2174], %swap3A_2177 {strides = array<i32>} : memref<32xf32, #tpu.memory_space<vmem>>, vector<16xf32>,
        %get3A_2178 = arith.constant 4 : index
        %get3A_2179 = tpu.vector_load %arg13[%get3A_2178] {strides = array<i32>} : memref<32xf32, #tpu.memory_space<vmem>>, vector<16xf32>,
        %get3A_2180 = vector.shape_cast %get3A_2179 : vector<16xf32> to vector<16xf32>
        %add3A_2181 = arith.addf %add3A_2173, %get3A_2180 : vector<16xf32>
        %swap3A_2182 = arith.constant 0 : index
        %swap3A_2183 = tpu.vector_load %arg13[%swap3A_2182] {strides = array<i32>} : memref<32xf32, #tpu.memory_space<vmem>>, vector<16xf32>,
        %swap3A_2184 = vector.shape_cast %swap3A_2183 : vector<16xf32> to vector<16xf32>
        %swap3A_2185 = vector.shape_cast %add3A_2181 : vector<16xf32> to vector<16xf32>
        tpu.vector_store %arg13[%swap3A_2182], %swap3A_2185 {strides = array<i32>} : memref<32xf32, #tpu.memory_space<vmem>>, vector<16xf32>,
        %get3A_2186 = arith.constant 2 : index
        %get3A_2187 = tpu.vector_load %arg13[%get3A_2186] {strides = array<i32>} : memref<32xf32, #tpu.memory_space<vmem>>, vector<16xf32>,
        %get3A_2188 = vector.shape_cast %get3A_2187 : vector<16xf32> to vector<16xf32>
        %add3A_2189 = arith.addf %add3A_2181, %get3A_2188 : vector<16xf32>
        %swap3A_2190 = arith.constant 0 : index
        %swap3A_2191 = tpu.vector_load %arg13[%swap3A_2190] {strides = array<i32>} : memref<32xf32, #tpu.memory_space<vmem>>, vector<16xf32>,
        %swap3A_2192 = vector.shape_cast %swap3A_2191 : vector<16xf32> to vector<16xf32>
        %swap3A_2193 = vector.shape_cast %add3A_2189 : vector<16xf32> to vector<16xf32>
        tpu.vector_store %arg13[%swap3A_2190], %swap3A_2193 {strides = array<i32>} : memref<32xf32, #tpu.memory_space<vmem>>, vector<16xf32>,
        %get3A_2194 = arith.constant 1 : index
        %get3A_2195 = tpu.vector_load %arg13[%get3A_2194] {strides = array<i32>} : memref<32xf32, #tpu.memory_space<vmem>>, vector<16xf32>,
        %get3A_2196 = vector.shape_cast %get3A_2195 : vector<16xf32> to vector<16xf32>
        %add3A_2197 = arith.addf %add3A_2189, %get3A_2196 : vector<16xf32>
        %swap3A_2198 = arith.constant 0 : index
        %swap3A_2199 = tpu.vector_load %arg16[%swap3A_2198] {strides = array<i32>} : memref<16xf32, #tpu.memory_space<vmem>>, vector<16xf32>,
        %swap3A_2200 = vector.shape_cast %swap3A_2199 : vector<16xf32> to vector<16xf32>
        %swap3A_2201 = vector.shape_cast %add3A_2197 : vector<16xf32> to vector<16xf32>
        tpu.vector_store %arg16[%swap3A_2198], %swap3A_2201 {strides = array<i32>} : memref<16xf32, #tpu.memory_space<vmem>>, vector<16xf32>,
        "tpu.region"() ({
          %run_scoped3A = tpu.sem_alloc : memref<!tpu.dma_semaphore, #tpu.memory_space<semaphore_mem>>
          tpu.enqueue_dma source(%arg16 : memref<16xf32, #tpu.memory_space<vmem>>) target(%arg7 : memref<16xf32, #tpu.memory_space<hbm>>) target_semaphore(%run_scoped3A : memref<!tpu.dma_semaphore, #tpu.memory_space<semaphore_mem>>)
          tpu.wait_dma2 semaphore(%run_scoped3A : memref<!tpu.dma_semaphore, #tpu.memory_space<semaphore_mem>>) src(%arg16 : memref<16xf32, #tpu.memory_space<vmem>>) dst(%arg7 : memref<16xf32, #tpu.memory_space<hbm>>)
          tpu.yield
        }) : () -> ()
      } else {
      }
    } else {
    }
    return
  }
}

</mosaic_0001>

<sc_bundles>
// kernel: kernel.3.cloned.1.call-start
scs
__scs_entry_jumppad:
0x0: {  	(pc) =	sbr.rel $0x88, $3  }
0x1: {  	(tag) =	ssettag $0x0;
	lr =	simm.s32 $0x1  }
0x2: {  	[smem:$0x3F9C] =	sst lr;
	_ =	strace $0xD0000000  }
0x3: {  	_ = 	snop  }
0x4: {  	_ = 	snop  }
0x5: {  	_ = 	snop  }
0x6: {  	_ = 	snop  }
0x7: {  	_ = 	snop  }
__scs_overlays_trampoline_lowered:
0x8: {  	[smem:$0x3FAB] =	sst s0  }
0x9: {  	[smem:$0x3FAC] =	sst s1  }
0xa: {  	[smem:$0x3FAD] =	sst s2  }
0xb: {  	[smem:$0x3FAE] =	sst s3  }
0xc: {  	[smem:$0x3FAF] =	sst s4  }
0xd: {  	[smem:$0x3FB0] =	sst s5  }
0xe: {  	[smem:$0x3FB1] =	sst s6  }
0xf: {  	[smem:$0x3FB2] =	sst s7  }
0x10: {  	[smem:$0x3FB3] =	sst s8  }
0x11: {  	[smem:$0x3FB4] =	sst s9;
	s0 =	simm.s32 @!p0 $0x0  }
0x12: {  	s1 =	sld [smem:$0x3F9A];
	s0 =	simm.s32 @p0 $0x1  }
0x13: {  	[smem:$0x3FB5] =	sst s0;
	s0 =	simm.s32 @!p1 $0x0  }
0x14: {  	s2 =	sld [smem:$0x3F99];
	s0 =	simm.s32 @p1 $0x1  }
0x15: {  	[smem:$0x3FB6] =	sst s0;
	s0 =	simm.s32 @!p2 $0x0  }
0x16: {  	s3 =	sld [smem:$0x3FDB];
	s0 =	simm.s32 @p2 $0x1  }
0x17: {  	s4 =	simm.s32 $0x1BF5;
	[smem:$0x3FB8] =	sst s0  }
0x18: {  	s0 =	sld [smem:$0x3F9B];
	_ =	swait.ge [sflag:s4], $0x0  }
0x19: {  	s7 =	sld [smem:$0x3F9C]  }
0x1a: {  	s8 =	sadd.s32 $0xFFFFE003, lr  }
0x1b: {  	s9 =	sadd.s32 $0xFFFFFEF7, lr;
	s5 =	simm.s32 $0xFFFFFFFF;
	p2 =	slt.u32 s8, $0xFFFFF086  }
0x1c: {  	p1 =	slt.u32 s9, $0xF7A;
	s5 =	simm.s32 @!p2 $0x0  }
0x1d: {  	s5 =	simm.s32 @p1 $0x1;
	p0 =	seq.s32 s7, s2  }
0x1e: {  	s7 =	smul.u32 @!p0 $0xF7A, s2;
	p2 =	seq.s32 @!p0 s5, $0x0  }
0x1f: {  	s9 =	smul.u32 $0xF7A, s1;
	s8 =	simm.s32 @!p0 $0x1BF5;
	p2 =	por !p2, p0  }
0x20: {  	[sflag:s8] =	ssyncset.s32 @!p0 $0xFFFFF086;
	s6 =	sadd.s32 @!p0 s3, s7;
	s7 =	simm.s32 @!p0 $0x108  }
0x21: {  	s3 =	sadd.s32 s3, s9;
	s6 =	sadd.s32 @!p0 $0x88, s6;
	s7 =	simm.s32 @p2 $0x1082  }
0x22: {  	[simem:s7], [sflag:s8] =	dma.local @!p0 [hbm:s6], $0xF7A  }
0x23: {  	s9 =	sor.u32 $0xD0000000, s2;
	s6 =	simm.s32 $0x108;
	_ =	swait.ge @!p0 [sflag:s8], $0x0  }
0x24: {  	s3 =	sadd.s32 $0x88, s3;
	s6 =	simm.s32 @!p1 $0x1082;
	[sflag:s4] =	ssyncset.s32 $0xFFFFF086  }
0x25: {  	[simem:s6], [sflag:s4] =	dma.local [hbm:s3], $0xF7A  }
0x26: {  	[smem:$0x3F9C] =	sst s1;
	(tag) =	ssettag s2;
	_ =	strace s9  }
0x27: {  	s1 =	sld [smem:$0x3FAC]  }
0x28: {  	s2 =	sld [smem:$0x3FAD]  }
0x29: {  	s4 =	sld [smem:$0x3FAF]  }
0x2a: {  	p0 =	seq.s32 s5, $0x0;
	s5 =	sld [smem:$0x3FB0]  }
0x2b: {  	s6 =	sld [smem:$0x3FB1]  }
0x2c: {  	s7 =	sld [smem:$0x3FB2]  }
0x2d: {  	s3 =	simm.s32 $0x108;
	s8 =	sld [smem:$0x3FB3]  }
0x2e: {  	s3 =	simm.s32 @!p0 $0x1082;
	s9 =	sld [smem:$0x3FB4]  }
0x2f: {  	lr =	sadd.s32 s0, s3;
	s0 =	sld [smem:$0x3FAB]  }
0x30: {  	s3 =	sld [smem:$0x3FAE]  }
0x31: {  	[smem:$0x3FB7] =	sst s10  }
0x32: {  	s10 =	sld [smem:$0x3FB5];
	_ =	sdelay $0x3  }
0x33: {  	p0 =	seq.s32 s10, $0x1;
	s10 =	sld [smem:$0x3FB7];
	_ =	sdelay $0x3  }
0x34: {  	[smem:$0x3FB7] =	sst s10  }
0x35: {  	s10 =	sld [smem:$0x3FB6];
	_ =	sdelay $0x3  }
0x36: {  	p1 =	seq.s32 s10, $0x1;
	s10 =	sld [smem:$0x3FB7];
	_ =	sdelay $0x3  }
0x37: {  	[smem:$0x3FB7] =	sst s10  }
0x38: {  	s10 =	sld [smem:$0x3FB8]  }
0x39: {  	_ = 	snop;
	(pc) =	sbr.ind lr, $3  }
0x3a: {  	_ = 	snop  }
0x3b: {  	_ = 	snop  }
0x3c: {  	p2 =	seq.s32 s10, $0x1;
	s10 =	sld [smem:$0x3FB7]  }
0x3d: {  	_ =	shalt  }
0x3e: {  	_ =	shalt  }
0x3f: {  	_ =	shalt  }
0x40: {  	_ =	shalt  }
0x41: {  	_ =	shalt  }
0x42: {  	_ =	shalt  }
0x43: {  	_ =	shalt  }
0x44: {  	_ =	shalt  }
0x45: {  	_ =	shalt  }
0x46: {  	_ =	shalt  }
0x47: {  	_ =	shalt  }
0x48: {  	_ =	shalt  }
0x49: {  	_ =	shalt  }
0x4a: {  	_ =	shalt  }
0x4b: {  	_ =	shalt  }
0x4c: {  	_ =	shalt  }
0x4d: {  	_ =	shalt  }
0x4e: {  	_ =	shalt  }
0x4f: {  	_ =	shalt  }
0x50: {  	_ =	shalt  }
0x51: {  	_ =	shalt  }
0x52: {  	_ =	shalt  }
0x53: {  	_ =	shalt  }
0x54: {  	_ =	shalt  }
0x55: {  	_ =	shalt  }
0x56: {  	_ =	shalt  }
0x57: {  	_ =	shalt  }
0x58: {  	_ =	shalt  }
0x59: {  	_ =	shalt  }
0x5a: {  	_ =	shalt  }
0x5b: {  	_ =	shalt  }
0x5c: {  	_ =	shalt  }
0x5d: {  	_ =	shalt  }
0x5e: {  	_ =	shalt  }
0x5f: {  	_ =	shalt  }
0x60: {  	_ =	shalt  }
0x61: {  	_ =	shalt  }
0x62: {  	_ =	shalt  }
0x63: {  	_ =	shalt  }
0x64: {  	_ =	shalt  }
0x65: {  	_ =	shalt  }
0x66: {  	_ =	shalt  }
0x67: {  	_ =	shalt  }
0x68: {  	_ =	shalt  }
0x69: {  	_ =	shalt  }
0x6a: {  	_ =	shalt  }
0x6b: {  	_ =	shalt  }
0x6c: {  	_ =	shalt  }
0x6d: {  	_ =	shalt  }
0x6e: {  	_ =	shalt  }
0x6f: {  	_ =	shalt  }
0x70: {  	_ =	shalt  }
0x71: {  	_ =	shalt  }
0x72: {  	_ =	shalt  }
0x73: {  	_ =	shalt  }
0x74: {  	_ =	shalt  }
0x75: {  	_ =	shalt  }
0x76: {  	_ =	shalt  }
0x77: {  	_ =	shalt  }
0x78: {  	_ =	shalt  }
0x79: {  	_ =	shalt  }
0x7a: {  	_ =	shalt  }
0x7b: {  	_ =	shalt  }
0x7c: {  	_ =	shalt  }
0x7d: {  	_ =	shalt  }
0x7e: {  	_ =	shalt  }
0x7f: {  	_ =	shalt  }
0x80: {  	_ =	shalt  }
0x81: {  	_ =	shalt  }
0x82: {  	_ =	shalt  }
0x83: {  	_ =	shalt  }
0x84: {  	_ =	shalt  }
0x85: {  	_ =	shalt  }
0x86: {  	_ =	shalt  }
0x87: {  	_ =	shalt  }
.Lfunc_end0:
.L_simem_size_0:
called_computation_lowered:
.L_overlay_start_0:
0x88: {  	s0 =	sld [smem:$0x3FD9]  }
0x89: {  	s1 =	sld [smem:$0x3FFE];
	_ =	sdelay $0x3  }
0x8a: {  	s0 =	sadd.s32 s1, s0  }
0x8b: {  	[smem:$0x3FC3] =	sst s0  }
0x8c: {  	_ = 	snop  }
0x8d: {  	s0 =	sld [smem:$0x3FC9]  }
0x8e: {  	s17 =	sld [smem:$0x3FC8]  }
0x8f: {  	s2 =	sld [smem:$0x3FC7]  }
0x90: {  	s3 =	sld [smem:$0x3FC6]  }
0x91: {  	s4 =	sld [smem:$0x3FC5]  }
0x92: {  	s5 =	sld [smem:$0x3FD0];
	(tm) =	ssettm $0x1  }
0x93: {  	s6 =	sld [smem:$0x3FFB];
	_ =	sdelay $0x3  }
0x94: {  	_ =	strace s6  }
0x95: {  	s6 =	sld [smem:$0x3FFC];
	_ =	sdelay $0x3  }
0x96: {  	_ =	strace s6  }
0x97: {  	s6 =	sld [smem:$0x3FFD];
	_ =	sdelay $0x3  }
0x98: {  	_ =	strace s6  }
0x99: {  	_ =	strace $0x8FFFFFFF  }
0x9a: {  	s18 =	sld [smem:$0x3FDB];
	_ =	sdelay $0x1  }
0x9b: {  	s7 =	simm.s32 $_scs_section_size  }
0x9c: {  	s8 =	simm.s32 $_size__tile_overlayer_lowered;
	s9 =	simm.s32 $_tile_overlayer_lowered  }
0x9d: {  	s21 =	simm.s32 $0x1BFF;
	s20 =	sshll.u32 s9, $0x1;
	s6 =	sadd.s32 s7, s18  }
0x9e: {  	s10 =	simm.s32 $0x0;
	s19 =	sshll.u32 s8, $0x1;
	s8 =	sadd.s32 s20, s6  }
0x9f: {  	[timem:s10], [sflag:s21] =	dma.local [hbm:s8], s19  }
0xa0: {  	_ =	swait.ge [sflag:s21], s19  }
0xa1: {  	s7 =	ssub.s32 $0x0, s19;
	[sflag:s21] =	ssyncset.done $0x0  }
0xa2: {  	[sflag:s21] =	ssyncadd.s32 s7;
	_ =	sdelay $0x1  }
0xa3: {  	s22 =	simm.s32 $0x1B8B  }
0xa4: {  	_ =	swait.ge [sflag:s22], $0x1  }
0xa5: {  	[sflag:s22] =	ssyncset.done $0x0  }
0xa6: {  	s23 =	simm.s32 $0x1B8E;
	[sflag:s22] =	ssyncadd.s32 $0xFFFFFFFF  }
0xa7: {  	s24 =	simm.s32 $execute0_lowered;
	[smem:$0x3FD2] =	sst s23  }
0xa8: {  	s7 =	sshll.u32 s24, $0x1;
	_ =	strace $0x80000046;
	[dreg:$0x1] =	wrdreg $0xFFFFFFFF  }
0xa9: {  	s25 =	simm.s32 $_size_execute0_lowered;
	s6 =	sadd.s32 s6, s7;
	[dreg:$0x0] =	wrdreg $0x0  }
0xaa: {  	s7 =	sshll.u32 s25, $0x1;
	[dreg:$0x2] =	wrdreg s6  }
0xab: {  	[dreg:$0x3] =	wrdreg s7  }
0xac: {  	[dreg:$0x4] =	wrdreg $0xC0  }
0xad: {  	_ =	task [dreg:s10], $0x5FFFF  }
0xae: {  	[dreg:$0x1] =	wrdreg $0xFFFFFFFF  }
0xaf: {  	[dreg:$0x0] =	wrdreg $0x60  }
0xb0: {  	[dreg:$0x2] =	wrdreg s0  }
0xb1: {  	[dreg:$0x3] =	wrdreg s17  }
0xb2: {  	[dreg:$0x4] =	wrdreg s2  }
0xb3: {  	[dreg:$0x5] =	wrdreg s3  }
0xb4: {  	[dreg:$0x6] =	wrdreg s4  }
0xb5: {  	[dreg:$0x7] =	wrdreg s5  }
0xb6: {  	[dreg:$0x8] =	wrdreg $0x54000  }
0xb7: {  	[dreg:$0x9] =	wrdreg $0x9  }
0xb8: {  	_ =	task.clear_ibuf [dreg:s10], $0xAFFFF;
	_ =	strace $0x90000046  }
0xb9: {  	s26 =	simm.s32 $0x9;
	_ =	strace $0x80000048  }
0xba: {  	_ =	swait.ge [sflag:s26], $0x1  }
0xbb: {  	[sflag:s26] =	ssyncadd.s32 $0xFFFFFFFF  }
0xbc: {  	_ =	strace $0x90000048  }
0xbd: {  	_ =	sfence  }
0xbe: {  	s28 =	sld [smem:$0x0];
	_ =	sdelay $0x1  }
0xbf: {  	s29 =	srdreg.scid  }
0xc0: {  	s30 =	sshll.u32 s29, $0xD;
	s31 =	sshrl.u32 s29, $0x2  }
0xc1: {  	s1 =	sand.u32 $0x1, s29;
	s2 =	sand.u32 $0x4000, s30;
	s0 =	sadd.s32 s31, s28  }
0xc2: {  	s1 =	sor.u32 s2, s1;
	s0 =	sshll.u32 s0, $0x11  }
0xc3: {  	s0 =	sor.u32 s0, s1  }
0xc4: {  	s0 =	sadd.s32 $0x8F2B, s0  }
0xc5: {  	[sflag:s0] =	ssyncadd.remote.s32 $0x1  }
0xc6: {  	_ =	sfence.sel $0xFFFF  }
0xc7: {  	[dreg:$0x0] =	wrdreg $0xFFFFFFFF;
	(pc) =	sbr.abs _section_cstart, $3  }
0xc8: {  	[dreg:$0x1] =	wrdreg $0xFFFFFFFF  }
0xc9: {  	_ =	task.clear_ibuf [dreg:s10], $0x2FFFF;
	_ =	strace $0x9FFFFFFF  }
0xca: {  	(tm) =	ssettm $0x7FFFFFFF  }
0xcb: {  	_ =	shalt  }
tec
execute0_lowered:
.L_overlay_start_1:
0x0: {  	(tag) =	ssettag $0x1  }
0x1: {  	s3 =	rddreg [dreg:$0x0]  }
0x2: {  	s9 =	rddreg [dreg:$0x1]  }
0x3: {  	s4 =	rddreg [dreg:$0x2]  }
0x4: {  	s5 =	rddreg [dreg:$0x3]  }
0x5: {  	s6 =	rddreg [dreg:$0x4]  }
0x6: {  	s1 =	rddreg [dreg:$0x5]  }
0x7: {  	s2 =	rddreg [dreg:$0x6];
	s7 =	simm.s32 $0x0  }
0x8: {  	[smem:$0x7FF] =	sst s7  }
0x9: {  	s0 =	rddreg [dreg:$0x7];
	_ =	strace $0x80000047  }
0xa: {  	[tilespmem:s7], [sflag:$0x1] =	stream.linear.gather [hbm4b:s4+s7], $0x1, $0x38;
	[tilespmem:$0x5410] =	vst v63  }
0xb: {  	s26 =	simm.s32 $0x80  }
0xc: {  	[tilespmem:s26], [sflag:$0x1] =	stream.linear.gather [hbm4b:s6+s7], $0x32, $0x38;
	[tilespmem:$0x5410] =	vst v63  }
0xd: {  	s28 =	simm.s32 $0xB8  }
0xe: {  	v0 =	vimm.f32 $0.0e+00;
	[tilespmem:s28], [sflag:$0x1] =	stream.linear.gather [hbm4b:s5+s7], $0x1, $0x38;
	[tilespmem:$0x5410] =	vst v63  }
0xf: {  	s10 =	simm.s32 $0x1;
	[tilespmem:$0x5190] =	vst v0  }
0x10: {  	_ =	swait.ge [sflag:s10], $0x1  }
0x11: {  	[sflag:s10] =	ssyncset.done $0x0  }
0x12: {  	[sflag:s10] =	ssyncadd.s32 $0xFFFFFFFF  }
0x13: {  	v60 =	vld [tilespmem:$0x0];
	_ =	sdelay $0x4  }
0x14: {  	(v2sf) =	vpush v60, $0x0;
	_ =	sdelay $0xe  }
0x15: {  	s11 =	spop (v2sf)  }
0x16: {  	s12 =	simm.s32 $0x400;
	s29 =	sand.u32 $0xFFFFF80, s11  }
0x17: {  	s13 =	simm.s32 $0x7A1400;
	s30 =	simm.s32 $0x100;
	s3 =	sadd.s32 s3, s29  }
0x18: {  	[tilespmem:s30], [sflag:$0x1] =	stream.strided.gather [hbm4b:s3+s12], $0x1000, s13, s12, $0x38;
	[tilespmem:$0x5410] =	vst v63  }
0x19: {  	_ =	swait.ge [sflag:s10], $0x32  }
0x1a: {  	[sflag:s10] =	ssyncset.done $0x0  }
0x1b: {  	[sflag:s10] =	ssyncadd.s32 $0xFFFFFFCE  }
0x1c: {  	s3 =	stileid.u32;
	_ =	swait.ge [sflag:s10], $0x1  }
0x1d: {  	s31 =	sshll.u32 s3, $0x4;
	[sflag:s10] =	ssyncset.done $0x0  }
0x1e: {  	s15 =	sshrl.u32 s31, $0x2;
	[sflag:s10] =	ssyncadd.s32 $0xFFFFFFFF  }
0x1f: {  	v61 =	vld [tilespmem:s15+$0x80];
	_ =	sdelay $0x4  }
0x20: {  	(v2sf) =	vpush v61, $0x0;
	_ =	sdelay $0x3  }
0x21: {  	(v2sf) =	vpush v61, $0x1;
	_ =	sdelay $0x2  }
0x22: {  	(v2sf) =	vpush v61, $0x2;
	_ =	sdelay $0x5  }
0x23: {  	(v2sf) =	vpush v61, $0x3;
	_ =	sdelay $0x1  }
0x24: {  	s5 =	spop (v2sf)  }
0x25: {  	p2 =	seq.s32 s3, $0xE;
	s8 =	smov.u32 s5  }
0x26: {  	p0 =	slt.u32 s3, $0xD;
	s8 =	simm.s32 @!p2 $0x0  }
0x27: {  	s8 =	smov.u32 @p0 s5  }
0x28: {  	s7 =	spop (v2sf);
	s5 =	sand.u32 $0xFFFFF80, s8  }
0x29: {  	s16 =	simm.s32 $0x1100;
	s7 =	simm.s32 @!p0 $0x0;
	s5 =	sadd.s32 s9, s5  }
0x2a: {  	[tilespmem:s16], [sflag:$0x1] =	stream.strided.gather [hbm4b:s5+s12], $0x1000, s13, s12, $0x38;
	[tilespmem:$0x5410] =	vst v63  }
0x2b: {  	p1 =	slt.u32 s3, $0xC;
	s17 =	sand.u32 $0xFFFFF80, s7;
	s5 =	spop (v2sf)  }
0x2c: {  	s14 =	simm.s32 $0x2100;
	s6 =	sadd.s32 s9, s17;
	s5 =	simm.s32 @!p1 $0x0  }
0x2d: {  	[tilespmem:s14], [sflag:$0x1] =	stream.strided.gather [hbm4b:s6+s12], $0x1000, s13, s12, $0x38;
	[tilespmem:$0x5410] =	vst v63  }
0x2e: {  	s18 =	sand.u32 $0xFFFFF80, s5  }
0x2f: {  	s19 =	simm.s32 $0x3100;
	s6 =	sadd.s32 s9, s18  }
0x30: {  	[tilespmem:s19], [sflag:$0x1] =	stream.strided.gather [hbm4b:s6+s12], $0x1000, s13, s12, $0x38;
	[tilespmem:$0x5410] =	vst v63  }
0x31: {  	s6 =	spop (v2sf)  }
0x32: {  	s6 =	simm.s32 @!p1 $0x0  }
0x33: {  	s20 =	sand.u32 $0xFFFFF80, s6  }
0x34: {  	s21 =	simm.s32 $0x4100;
	s9 =	sadd.s32 s9, s20  }
0x35: {  	[tilespmem:s21], [sflag:$0x1] =	stream.strided.gather [hbm4b:s9+s12], $0x1000, s13, s12, $0x38;
	[tilespmem:$0x5410] =	vst v63  }
0x36: {  	_ =	swait.ge [sflag:s10], $0x1000  }
0x37: {  	[sflag:s10] =	ssyncset.done $0x0  }
0x38: {  	[sflag:s10] =	ssyncadd.s32 $0xFFFFF000  }
0x39: {  	_ =	swait.ge [sflag:s10], $0x1000  }
0x3a: {  	[sflag:s10] =	ssyncset.done $0x0  }
0x3b: {  	[sflag:s10] =	ssyncadd.s32 $0xFFFFF000  }
0x3c: {  	_ =	swait.ge [sflag:s10], $0x1000  }
0x3d: {  	[sflag:s10] =	ssyncset.done $0x0  }
0x3e: {  	[sflag:s10] =	ssyncadd.s32 $0xFFFFF000  }
0x3f: {  	_ =	swait.ge [sflag:s10], $0x1000  }
0x40: {  	[sflag:s10] =	ssyncset.done $0x0  }
0x41: {  	[sflag:s10] =	ssyncadd.s32 $0xFFFFF000  }
0x42: {  	_ =	swait.ge [sflag:s10], $0x1000  }
0x43: {  	[sflag:s10] =	ssyncset.done $0x0  }
0x44: {  	s22 =	sand.u32 $0x70, s11;
	[sflag:s10] =	ssyncadd.s32 $0xFFFFF000  }
0x45: {  	v62 =	vld [tilespmem:s22+$0x100];
	_ =	sdelay $0x4  }
0x46: {  	[tilespmem:$0x5100] =	vst v62  }
0x47: {  	v1 =	vld [tilespmem:s22+$0x180];
	_ =	sdelay $0x2  }
0x48: {  	s23 =	sand.u32 $0xF, s11  }
0x49: {  	s9 =	sor.u32 $0x5100, s23  }
0x4a: {  	v0 =	vld.msk [tilespmem:s9+$0x0 ss:$0x0], $0xffff;
	[tilespmem:$0x5100] =	vst v1  }
0x4b: {  	v2 =	vld [tilespmem:s22+$0x200];
	_ =	sdelay $0x4  }
0x4c: {  	v1 =	vld.msk [tilespmem:s9+$0x0 ss:$0x0], $0xffff;
	[tilespmem:$0x5100] =	vst v2  }
0x4d: {  	v3 =	vld [tilespmem:s22+$0x280];
	_ =	sdelay $0x4  }
0x4e: {  	v2 =	vld.msk [tilespmem:s9+$0x0 ss:$0x0], $0xffff;
	[tilespmem:$0x5100] =	vst v3  }
0x4f: {  	v4 =	vld [tilespmem:s22+$0x300];
	_ =	sdelay $0x4  }
0x50: {  	v3 =	vld.msk [tilespmem:s9+$0x0 ss:$0x0], $0xffff;
	[tilespmem:$0x5100] =	vst v4  }
0x51: {  	v5 =	vld [tilespmem:s22+$0x380];
	_ =	sdelay $0x4  }
0x52: {  	v4 =	vld.msk [tilespmem:s9+$0x0 ss:$0x0], $0xffff;
	[tilespmem:$0x5100] =	vst v5  }
0x53: {  	v6 =	vld [tilespmem:s22+$0x400];
	_ =	sdelay $0x4  }
0x54: {  	v5 =	vld.msk [tilespmem:s9+$0x0 ss:$0x0], $0xffff;
	[tilespmem:$0x5100] =	vst v6  }
0x55: {  	v7 =	vld [tilespmem:s22+$0x480];
	_ =	sdelay $0x4  }
0x56: {  	v6 =	vld.msk [tilespmem:s9+$0x0 ss:$0x0], $0xffff;
	[tilespmem:$0x5100] =	vst v7  }
0x57: {  	v8 =	vld [tilespmem:s22+$0x500];
	_ =	sdelay $0x4  }
0x58: {  	v7 =	vld.msk [tilespmem:s9+$0x0 ss:$0x0], $0xffff;
	[tilespmem:$0x5100] =	vst v8  }
0x59: {  	v9 =	vld [tilespmem:s22+$0x580];
	_ =	sdelay $0x4  }
0x5a: {  	v8 =	vld.msk [tilespmem:s9+$0x0 ss:$0x0], $0xffff;
	[tilespmem:$0x5100] =	vst v9  }
0x5b: {  	v10 =	vld [tilespmem:s22+$0x600];
	_ =	sdelay $0x4  }
0x5c: {  	v9 =	vld.msk [tilespmem:s9+$0x0 ss:$0x0], $0xffff;
	[tilespmem:$0x5100] =	vst v10  }
0x5d: {  	v11 =	vld [tilespmem:s22+$0x680];
	_ =	sdelay $0x4  }
0x5e: {  	v10 =	vld.msk [tilespmem:s9+$0x0 ss:$0x0], $0xffff;
	[tilespmem:$0x5100] =	vst v11  }
0x5f: {  	v12 =	vld [tilespmem:s22+$0x700];
	_ =	sdelay $0x4  }
0x60: {  	v11 =	vld.msk [tilespmem:s9+$0x0 ss:$0x0], $0xffff;
	[tilespmem:$0x5100] =	vst v12  }
0x61: {  	v13 =	vld [tilespmem:s22+$0x780];
	_ =	sdelay $0x4  }
0x62: {  	v12 =	vld.msk [tilespmem:s9+$0x0 ss:$0x0], $0xffff;
	[tilespmem:$0x5100] =	vst v13  }
0x63: {  	v14 =	vld [tilespmem:s22+$0x800];
	_ =	sdelay $0x4  }
0x64: {  	v13 =	vld.msk [tilespmem:s9+$0x0 ss:$0x0], $0xffff;
	[tilespmem:$0x5100] =	vst v14  }
0x65: {  	v15 =	vld [tilespmem:s22+$0x880];
	_ =	sdelay $0x4  }
0x66: {  	v14 =	vld.msk [tilespmem:s9+$0x0 ss:$0x0], $0xffff;
	[tilespmem:$0x5100] =	vst v15  }
0x67: {  	v16 =	vld [tilespmem:s22+$0x900];
	_ =	sdelay $0x4  }
0x68: {  	v15 =	vld.msk [tilespmem:s9+$0x0 ss:$0x0], $0xffff;
	[tilespmem:$0x5100] =	vst v16  }
0x69: {  	v17 =	vld [tilespmem:s22+$0x980];
	_ =	sdelay $0x4  }
0x6a: {  	v16 =	vld.msk [tilespmem:s9+$0x0 ss:$0x0], $0xffff;
	[tilespmem:$0x5100] =	vst v17  }
0x6b: {  	v18 =	vld [tilespmem:s22+$0xA00];
	_ =	sdelay $0x4  }
0x6c: {  	v17 =	vld.msk [tilespmem:s9+$0x0 ss:$0x0], $0xffff;
	[tilespmem:$0x5100] =	vst v18  }
0x6d: {  	v19 =	vld [tilespmem:s22+$0xA80];
	_ =	sdelay $0x4  }
0x6e: {  	v18 =	vld.msk [tilespmem:s9+$0x0 ss:$0x0], $0xffff;
	[tilespmem:$0x5100] =	vst v19  }
0x6f: {  	v20 =	vld [tilespmem:s22+$0xB00];
	_ =	sdelay $0x4  }
0x70: {  	v19 =	vld.msk [tilespmem:s9+$0x0 ss:$0x0], $0xffff;
	[tilespmem:$0x5100] =	vst v20  }
0x71: {  	v21 =	vld [tilespmem:s22+$0xB80];
	_ =	sdelay $0x4  }
0x72: {  	v20 =	vld.msk [tilespmem:s9+$0x0 ss:$0x0], $0xffff;
	[tilespmem:$0x5100] =	vst v21  }
0x73: {  	v22 =	vld [tilespmem:s22+$0xC00];
	_ =	sdelay $0x4  }
0x74: {  	v21 =	vld.msk [tilespmem:s9+$0x0 ss:$0x0], $0xffff;
	[tilespmem:$0x5100] =	vst v22  }
0x75: {  	v23 =	vld [tilespmem:s22+$0xC80];
	_ =	sdelay $0x4  }
0x76: {  	v22 =	vld.msk [tilespmem:s9+$0x0 ss:$0x0], $0xffff;
	[tilespmem:$0x5100] =	vst v23  }
0x77: {  	v24 =	vld [tilespmem:s22+$0xD00];
	_ =	sdelay $0x4  }
0x78: {  	v23 =	vld.msk [tilespmem:s9+$0x0 ss:$0x0], $0xffff;
	[tilespmem:$0x5100] =	vst v24  }
0x79: {  	v25 =	vld [tilespmem:s22+$0xD80];
	_ =	sdelay $0x4  }
0x7a: {  	v24 =	vld.msk [tilespmem:s9+$0x0 ss:$0x0], $0xffff;
	[tilespmem:$0x5100] =	vst v25  }
0x7b: {  	v26 =	vld [tilespmem:s22+$0xE00];
	_ =	sdelay $0x4  }
0x7c: {  	v25 =	vld.msk [tilespmem:s9+$0x0 ss:$0x0], $0xffff;
	[tilespmem:$0x5100] =	vst v26  }
0x7d: {  	v27 =	vld [tilespmem:s22+$0xE80];
	_ =	sdelay $0x4  }
0x7e: {  	v26 =	vld.msk [tilespmem:s9+$0x0 ss:$0x0], $0xffff;
	[tilespmem:$0x5100] =	vst v27  }
0x7f: {  	v28 =	vld [tilespmem:s22+$0xF00];
	_ =	sdelay $0x4  }
0x80: {  	v27 =	vld.msk [tilespmem:s9+$0x0 ss:$0x0], $0xffff;
	[tilespmem:$0x5100] =	vst v28  }
0x81: {  	v29 =	vld [tilespmem:s22+$0xF80];
	_ =	sdelay $0x4  }
0x82: {  	v28 =	vld.msk [tilespmem:s9+$0x0 ss:$0x0], $0xffff;
	[tilespmem:$0x5100] =	vst v29  }
0x83: {  	v30 =	vld [tilespmem:s22+$0x1000];
	_ =	sdelay $0x4  }
0x84: {  	v29 =	vld.msk [tilespmem:s9+$0x0 ss:$0x0], $0xffff;
	[tilespmem:$0x5100] =	vst v30  }
0x85: {  	v31 =	vld [tilespmem:s22+$0x1080];
	_ =	sdelay $0x4  }
0x86: {  	s24 =	sand.u32 $0x70, s8;
	v30 =	vld.msk [tilespmem:s9+$0x0 ss:$0x0], $0xffff;
	[tilespmem:$0x5100] =	vst v31  }
0x87: {  	v31 =	vld [tilespmem:s24+$0x1100];
	_ =	sdelay $0x1  }
0x88: {  	v32 =	vld [tilespmem:s24+$0x1180];
	_ =	sdelay $0x1  }
0x89: {  	v33 =	vld [tilespmem:s24+$0x1200]  }
0x8a: {  	v31 =	vmul.f32 v31, v0  }
0x8b: {  	v34 =	vld [tilespmem:s24+$0x1280]  }
0x8c: {  	v32 =	vmul.f32 v32, v1;
	v31 =	vadd.f32 $0.0e+00, v31  }
0x8d: {  	v35 =	vld [tilespmem:s24+$0x1300]  }
0x8e: {  	v63 =	vmul.f32 v33, v2;
	v31 =	vadd.f32 v32, v31  }
0x8f: {  	v36 =	vld [tilespmem:s24+$0x1380]  }
0x90: {  	v37 =	vmul.f32 v34, v3;
	v31 =	vadd.f32 v63, v31  }
0x91: {  	v38 =	vld [tilespmem:s24+$0x1400]  }
0x92: {  	v39 =	vmul.f32 v35, v4;
	v31 =	vadd.f32 v37, v31  }
0x93: {  	v40 =	vld [tilespmem:s24+$0x1480]  }
0x94: {  	v41 =	vmul.f32 v36, v5;
	v31 =	vadd.f32 v39, v31  }
0x95: {  	v42 =	vld [tilespmem:s24+$0x1500]  }
0x96: {  	v43 =	vmul.f32 v38, v6;
	v31 =	vadd.f32 v41, v31  }
0x97: {  	v44 =	vld [tilespmem:s24+$0x1580]  }
0x98: {  	v45 =	vmul.f32 v40, v7;
	v31 =	vadd.f32 v43, v31  }
0x99: {  	v46 =	vld [tilespmem:s24+$0x1600]  }
0x9a: {  	v47 =	vmul.f32 v42, v8;
	v31 =	vadd.f32 v45, v31  }
0x9b: {  	v48 =	vld [tilespmem:s24+$0x1680]  }
0x9c: {  	v49 =	vmul.f32 v44, v9;
	v31 =	vadd.f32 v47, v31  }
0x9d: {  	v50 =	vld [tilespmem:s24+$0x1700]  }
0x9e: {  	v51 =	vmul.f32 v46, v10;
	v31 =	vadd.f32 v49, v31  }
0x9f: {  	v52 =	vld [tilespmem:s24+$0x1780]  }
0xa0: {  	v53 =	vmul.f32 v48, v11;
	v31 =	vadd.f32 v51, v31  }
0xa1: {  	v54 =	vld [tilespmem:s24+$0x1800]  }
0xa2: {  	v55 =	vmul.f32 v50, v12;
	v31 =	vadd.f32 v53, v31  }
0xa3: {  	v56 =	vld [tilespmem:s24+$0x1880]  }
0xa4: {  	v57 =	vmul.f32 v52, v13;
	v31 =	vadd.f32 v55, v31  }
0xa5: {  	v58 =	vld [tilespmem:s24+$0x1900]  }
0xa6: {  	v59 =	vmul.f32 v54, v14;
	v31 =	vadd.f32 v57, v31  }
0xa7: {  	v60 =	vld [tilespmem:s24+$0x1980]  }
0xa8: {  	v61 =	vmul.f32 v56, v15;
	v31 =	vadd.f32 v59, v31  }
0xa9: {  	v62 =	vld [tilespmem:s24+$0x1A00]  }
0xaa: {  	v63 =	vmul.f32 v58, v16;
	v31 =	vadd.f32 v61, v31  }
0xab: {  	v36 =	vld [tilespmem:s24+$0x1A80]  }
0xac: {  	v37 =	vmul.f32 v60, v17;
	v31 =	vadd.f32 v63, v31  }
0xad: {  	v38 =	vld [tilespmem:s24+$0x1B00]  }
0xae: {  	v39 =	vmul.f32 v62, v18;
	v31 =	vadd.f32 v37, v31  }
0xaf: {  	v40 =	vld [tilespmem:s24+$0x1B80]  }
0xb0: {  	v41 =	vmul.f32 v36, v19;
	v31 =	vadd.f32 v39, v31  }
0xb1: {  	v42 =	vld [tilespmem:s24+$0x1C00]  }
0xb2: {  	v43 =	vmul.f32 v38, v20;
	v31 =	vadd.f32 v41, v31  }
0xb3: {  	v44 =	vld [tilespmem:s24+$0x1C80]  }
0xb4: {  	v45 =	vmul.f32 v40, v21;
	v31 =	vadd.f32 v43, v31  }
0xb5: {  	v46 =	vld [tilespmem:s24+$0x1D00]  }
0xb6: {  	v47 =	vmul.f32 v42, v22;
	v31 =	vadd.f32 v45, v31  }
0xb7: {  	v48 =	vld [tilespmem:s24+$0x1D80]  }
0xb8: {  	v49 =	vmul.f32 v44, v23;
	v31 =	vadd.f32 v47, v31  }
0xb9: {  	v50 =	vld [tilespmem:s24+$0x1E00]  }
0xba: {  	v51 =	vmul.f32 v46, v24;
	v31 =	vadd.f32 v49, v31  }
0xbb: {  	v52 =	vld [tilespmem:s24+$0x1E80]  }
0xbc: {  	v53 =	vmul.f32 v48, v25;
	v31 =	vadd.f32 v51, v31  }
0xbd: {  	v54 =	vld [tilespmem:s24+$0x1F00]  }
0xbe: {  	v55 =	vmul.f32 v50, v26;
	v31 =	vadd.f32 v53, v31  }
0xbf: {  	v56 =	vld [tilespmem:s24+$0x1F80]  }
0xc0: {  	v57 =	vmul.f32 v52, v27;
	v31 =	vadd.f32 v55, v31  }
0xc1: {  	v58 =	vld [tilespmem:s24+$0x2000]  }
0xc2: {  	v35 =	vmul.f32 v54, v28;
	v36 =	vld [tilespmem:s24+$0x2080];
	v32 =	vadd.f32 v57, v31  }
0xc3: {  	v31 =	vld.msk [tilespmem:s9+$0x0 ss:$0x0], $0xffff  }
0xc4: {  	v33 =	vmul.f32 v56, v29;
	v32 =	vadd.f32 v35, v32;
	_ =	sdelay $0x1  }
0xc5: {  	v59 =	vmul.f32 v58, v30;
	v32 =	vadd.f32 v33, v32;
	_ =	sdelay $0x1  }
0xc6: {  	v60 =	vmul.f32 v36, v31;
	v32 =	vadd.f32 v59, v32;
	_ =	sdelay $0x1  }
0xc7: {  	v32 =	vadd.f32 v60, v32;
	_ =	sdelay $0x1  }
0xc8: {  	s25 =	sand.u32 $0x70, s7;
	[tilespmem:$0x5100] =	vst v32  }
0xc9: {  	v32 =	vld [tilespmem:s25+$0x2100];
	_ =	sdelay $0x1  }
0xca: {  	v61 =	vld [tilespmem:s25+$0x2180];
	_ =	sdelay $0x1  }
0xcb: {  	v62 =	vld [tilespmem:s25+$0x2200]  }
0xcc: {  	v32 =	vmul.f32 v32, v0  }
0xcd: {  	v63 =	vld [tilespmem:s25+$0x2280]  }
0xce: {  	v33 =	vmul.f32 v61, v1;
	v32 =	vadd.f32 $0.0e+00, v32  }
0xcf: {  	v40 =	vld [tilespmem:s25+$0x2300]  }
0xd0: {  	v41 =	vmul.f32 v62, v2;
	v32 =	vadd.f32 v33, v32  }
0xd1: {  	v42 =	vld [tilespmem:s25+$0x2380]  }
0xd2: {  	v43 =	vmul.f32 v63, v3;
	v32 =	vadd.f32 v41, v32  }
0xd3: {  	v44 =	vld [tilespmem:s25+$0x2400]  }
0xd4: {  	v45 =	vmul.f32 v40, v4;
	v32 =	vadd.f32 v43, v32  }
0xd5: {  	v46 =	vld [tilespmem:s25+$0x2480]  }
0xd6: {  	v47 =	vmul.f32 v42, v5;
	v32 =	vadd.f32 v45, v32  }
0xd7: {  	v48 =	vld [tilespmem:s25+$0x2500]  }
0xd8: {  	v49 =	vmul.f32 v44, v6;
	v32 =	vadd.f32 v47, v32  }
0xd9: {  	v50 =	vld [tilespmem:s25+$0x2580]  }
0xda: {  	v51 =	vmul.f32 v46, v7;
	v32 =	vadd.f32 v49, v32  }
0xdb: {  	v52 =	vld [tilespmem:s25+$0x2600]  }
0xdc: {  	v53 =	vmul.f32 v48, v8;
	v32 =	vadd.f32 v51, v32  }
0xdd: {  	v54 =	vld [tilespmem:s25+$0x2680]  }
0xde: {  	v55 =	vmul.f32 v50, v9;
	v32 =	vadd.f32 v53, v32  }
0xdf: {  	v56 =	vld [tilespmem:s25+$0x2700]  }
0xe0: {  	v57 =	vmul.f32 v52, v10;
	v32 =	vadd.f32 v55, v32  }
0xe1: {  	v58 =	vld [tilespmem:s25+$0x2780]  }
0xe2: {  	v59 =	vmul.f32 v54, v11;
	v32 =	vadd.f32 v57, v32  }
0xe3: {  	v60 =	vld [tilespmem:s25+$0x2800]  }
0xe4: {  	v61 =	vmul.f32 v56, v12;
	v32 =	vadd.f32 v59, v32  }
0xe5: {  	v62 =	vld [tilespmem:s25+$0x2880]  }
0xe6: {  	v63 =	vmul.f32 v58, v13;
	v32 =	vadd.f32 v61, v32  }
0xe7: {  	v40 =	vld [tilespmem:s25+$0x2900]  }
0xe8: {  	v41 =	vmul.f32 v60, v14;
	v32 =	vadd.f32 v63, v32  }
0xe9: {  	v42 =	vld [tilespmem:s25+$0x2980]  }
0xea: {  	v43 =	vmul.f32 v62, v15;
	v32 =	vadd.f32 v41, v32  }
0xeb: {  	v44 =	vld [tilespmem:s25+$0x2A00]  }
0xec: {  	v45 =	vmul.f32 v40, v16;
	v32 =	vadd.f32 v43, v32  }
0xed: {  	v46 =	vld [tilespmem:s25+$0x2A80]  }
0xee: {  	v47 =	vmul.f32 v42, v17;
	v32 =	vadd.f32 v45, v32  }
0xef: {  	v48 =	vld [tilespmem:s25+$0x2B00]  }
0xf0: {  	v49 =	vmul.f32 v44, v18;
	v32 =	vadd.f32 v47, v32  }
0xf1: {  	v50 =	vld [tilespmem:s25+$0x2B80]  }
0xf2: {  	v51 =	vmul.f32 v46, v19;
	v32 =	vadd.f32 v49, v32  }
0xf3: {  	v52 =	vld [tilespmem:s25+$0x2C00]  }
0xf4: {  	v53 =	vmul.f32 v48, v20;
	v32 =	vadd.f32 v51, v32  }
0xf5: {  	v54 =	vld [tilespmem:s25+$0x2C80]  }
0xf6: {  	v55 =	vmul.f32 v50, v21;
	v32 =	vadd.f32 v53, v32  }
0xf7: {  	v56 =	vld [tilespmem:s25+$0x2D00]  }
0xf8: {  	v57 =	vmul.f32 v52, v22;
	v32 =	vadd.f32 v55, v32  }
0xf9: {  	v58 =	vld [tilespmem:s25+$0x2D80]  }
0xfa: {  	v59 =	vmul.f32 v54, v23;
	v32 =	vadd.f32 v57, v32  }
0xfb: {  	v60 =	vld [tilespmem:s25+$0x2E00]  }
0xfc: {  	v61 =	vmul.f32 v56, v24;
	v32 =	vadd.f32 v59, v32  }
0xfd: {  	v62 =	vld [tilespmem:s25+$0x2E80]  }
0xfe: {  	v63 =	vmul.f32 v58, v25;
	v32 =	vadd.f32 v61, v32  }
0xff: {  	v40 =	vld [tilespmem:s25+$0x2F00]  }
0x100: {  	v41 =	vmul.f32 v60, v26;
	v32 =	vadd.f32 v63, v32  }
0x101: {  	v42 =	vld [tilespmem:s25+$0x2F80]  }
0x102: {  	v43 =	vmul.f32 v62, v27;
	v32 =	vadd.f32 v41, v32  }
0x103: {  	v44 =	vld [tilespmem:s25+$0x3000]  }
0x104: {  	v45 =	vmul.f32 v40, v28;
	v32 =	vadd.f32 v43, v32  }
0x105: {  	v46 =	vld [tilespmem:s25+$0x3080]  }
0x106: {  	v47 =	vmul.f32 v42, v29;
	v32 =	vadd.f32 v45, v32;
	_ =	sdelay $0x1  }
0x107: {  	v48 =	vmul.f32 v44, v30;
	v32 =	vadd.f32 v47, v32;
	_ =	sdelay $0x1  }
0x108: {  	v49 =	vmul.f32 v46, v31;
	v32 =	vadd.f32 v48, v32;
	_ =	sdelay $0x1  }
0x109: {  	v33 =	vadd.f32 v49, v32  }
0x10a: {  	s8 =	sand.u32 $0xF, s8  }
0x10b: {  	s26 =	sand.u32 $0x70, s5;
	v32 =	vld [tilespmem:s8+$0x5100];
	[tilespmem:$0x5100] =	vst v33  }
0x10c: {  	v33 =	vld [tilespmem:s26+$0x3100];
	_ =	sdelay $0x1  }
0x10d: {  	v50 =	vld [tilespmem:s26+$0x3180];
	_ =	sdelay $0x1  }
0x10e: {  	v51 =	vld [tilespmem:s26+$0x3200]  }
0x10f: {  	v33 =	vmul.f32 v33, v0  }
0x110: {  	v52 =	vld [tilespmem:s26+$0x3280]  }
0x111: {  	v34 =	vmul.f32 v50, v1;
	v33 =	vadd.f32 $0.0e+00, v33  }
0x112: {  	v37 =	vld [tilespmem:s26+$0x3300]  }
0x113: {  	v53 =	vmul.f32 v51, v2;
	v33 =	vadd.f32 v34, v33  }
0x114: {  	v54 =	vld [tilespmem:s26+$0x3380]  }
0x115: {  	v55 =	vmul.f32 v52, v3;
	v33 =	vadd.f32 v53, v33  }
0x116: {  	v56 =	vld [tilespmem:s26+$0x3400]  }
0x117: {  	v57 =	vmul.f32 v37, v4;
	v33 =	vadd.f32 v55, v33  }
0x118: {  	v58 =	vld [tilespmem:s26+$0x3480]  }
0x119: {  	v59 =	vmul.f32 v54, v5;
	v33 =	vadd.f32 v57, v33  }
0x11a: {  	v60 =	vld [tilespmem:s26+$0x3500]  }
0x11b: {  	v61 =	vmul.f32 v56, v6;
	v33 =	vadd.f32 v59, v33  }
0x11c: {  	v62 =	vld [tilespmem:s26+$0x3580]  }
0x11d: {  	v63 =	vmul.f32 v58, v7;
	v33 =	vadd.f32 v61, v33  }
0x11e: {  	v40 =	vld [tilespmem:s26+$0x3600]  }
0x11f: {  	v41 =	vmul.f32 v60, v8;
	v33 =	vadd.f32 v63, v33  }
0x120: {  	v42 =	vld [tilespmem:s26+$0x3680]  }
0x121: {  	v43 =	vmul.f32 v62, v9;
	v33 =	vadd.f32 v41, v33  }
0x122: {  	v44 =	vld [tilespmem:s26+$0x3700]  }
0x123: {  	v45 =	vmul.f32 v40, v10;
	v33 =	vadd.f32 v43, v33  }
0x124: {  	v46 =	vld [tilespmem:s26+$0x3780]  }
0x125: {  	v47 =	vmul.f32 v42, v11;
	v33 =	vadd.f32 v45, v33  }
0x126: {  	v48 =	vld [tilespmem:s26+$0x3800]  }
0x127: {  	v49 =	vmul.f32 v44, v12;
	v33 =	vadd.f32 v47, v33  }
0x128: {  	v50 =	vld [tilespmem:s26+$0x3880]  }
0x129: {  	v51 =	vmul.f32 v46, v13;
	v33 =	vadd.f32 v49, v33  }
0x12a: {  	v52 =	vld [tilespmem:s26+$0x3900]  }
0x12b: {  	v53 =	vmul.f32 v48, v14;
	v33 =	vadd.f32 v51, v33  }
0x12c: {  	v54 =	vld [tilespmem:s26+$0x3980]  }
0x12d: {  	v55 =	vmul.f32 v50, v15;
	v33 =	vadd.f32 v53, v33  }
0x12e: {  	v56 =	vld [tilespmem:s26+$0x3A00]  }
0x12f: {  	v57 =	vmul.f32 v52, v16;
	v33 =	vadd.f32 v55, v33  }
0x130: {  	v58 =	vld [tilespmem:s26+$0x3A80]  }
0x131: {  	v59 =	vmul.f32 v54, v17;
	v33 =	vadd.f32 v57, v33  }
0x132: {  	v60 =	vld [tilespmem:s26+$0x3B00]  }
0x133: {  	v61 =	vmul.f32 v56, v18;
	v33 =	vadd.f32 v59, v33  }
0x134: {  	v62 =	vld [tilespmem:s26+$0x3B80]  }
0x135: {  	v63 =	vmul.f32 v58, v19;
	v33 =	vadd.f32 v61, v33  }
0x136: {  	v40 =	vld [tilespmem:s26+$0x3C00]  }
0x137: {  	v41 =	vmul.f32 v60, v20;
	v33 =	vadd.f32 v63, v33  }
0x138: {  	v42 =	vld [tilespmem:s26+$0x3C80]  }
0x139: {  	v43 =	vmul.f32 v62, v21;
	v33 =	vadd.f32 v41, v33  }
0x13a: {  	v44 =	vld [tilespmem:s26+$0x3D00]  }
0x13b: {  	v45 =	vmul.f32 v40, v22;
	v33 =	vadd.f32 v43, v33  }
0x13c: {  	v46 =	vld [tilespmem:s26+$0x3D80]  }
0x13d: {  	v47 =	vmul.f32 v42, v23;
	v33 =	vadd.f32 v45, v33  }
0x13e: {  	v48 =	vld [tilespmem:s26+$0x3E00]  }
0x13f: {  	v49 =	vmul.f32 v44, v24;
	v33 =	vadd.f32 v47, v33  }
0x140: {  	v50 =	vld [tilespmem:s26+$0x3E80]  }
0x141: {  	v51 =	vmul.f32 v46, v25;
	v33 =	vadd.f32 v49, v33  }
0x142: {  	v52 =	vld [tilespmem:s26+$0x3F00]  }
0x143: {  	v53 =	vmul.f32 v48, v26;
	v33 =	vadd.f32 v51, v33  }
0x144: {  	v54 =	vld [tilespmem:s26+$0x3F80]  }
0x145: {  	v55 =	vmul.f32 v50, v27;
	v33 =	vadd.f32 v53, v33  }
0x146: {  	v56 =	vld [tilespmem:s26+$0x4000]  }
0x147: {  	v57 =	vmul.f32 v52, v28;
	v33 =	vadd.f32 v55, v33  }
0x148: {  	v58 =	vld [tilespmem:s26+$0x4080]  }
0x149: {  	v59 =	vmul.f32 v54, v29;
	v33 =	vadd.f32 v57, v33;
	_ =	sdelay $0x1  }
0x14a: {  	v60 =	vmul.f32 v56, v30;
	v33 =	vadd.f32 v59, v33;
	_ =	sdelay $0x1  }
0x14b: {  	v61 =	vmul.f32 v58, v31;
	v33 =	vadd.f32 v60, v33;
	_ =	sdelay $0x1  }
0x14c: {  	v33 =	vadd.f32 v61, v33  }
0x14d: {  	s7 =	sand.u32 $0xF, s7  }
0x14e: {  	s28 =	sand.u32 $0x70, s6;
	v34 =	vld [tilespmem:s7+$0x5100];
	[tilespmem:$0x5100] =	vst v33  }
0x14f: {  	v33 =	vld [tilespmem:s28+$0x4100];
	_ =	sdelay $0x1  }
0x150: {  	v62 =	vld [tilespmem:s28+$0x4180];
	_ =	sdelay $0x1  }
0x151: {  	v63 =	vld [tilespmem:s28+$0x4200]  }
0x152: {  	v0 =	vmul.f32 v33, v0  }
0x153: {  	v40 =	vld [tilespmem:s28+$0x4280]  }
0x154: {  	v1 =	vmul.f32 v62, v1;
	v0 =	vadd.f32 $0.0e+00, v0  }
0x155: {  	v41 =	vld [tilespmem:s28+$0x4300]  }
0x156: {  	v42 =	vmul.f32 v63, v2;
	v0 =	vadd.f32 v1, v0  }
0x157: {  	v43 =	vld [tilespmem:s28+$0x4380]  }
0x158: {  	v44 =	vmul.f32 v40, v3;
	v0 =	vadd.f32 v42, v0  }
0x159: {  	v45 =	vld [tilespmem:s28+$0x4400]  }
0x15a: {  	v46 =	vmul.f32 v41, v4;
	v0 =	vadd.f32 v44, v0  }
0x15b: {  	v47 =	vld [tilespmem:s28+$0x4480]  }
0x15c: {  	v48 =	vmul.f32 v43, v5;
	v0 =	vadd.f32 v46, v0  }
0x15d: {  	v49 =	vld [tilespmem:s28+$0x4500]  }
0x15e: {  	v50 =	vmul.f32 v45, v6;
	v0 =	vadd.f32 v48, v0  }
0x15f: {  	v51 =	vld [tilespmem:s28+$0x4580]  }
0x160: {  	v52 =	vmul.f32 v47, v7;
	v0 =	vadd.f32 v50, v0  }
0x161: {  	v53 =	vld [tilespmem:s28+$0x4600]  }
0x162: {  	v54 =	vmul.f32 v49, v8;
	v0 =	vadd.f32 v52, v0  }
0x163: {  	v55 =	vld [tilespmem:s28+$0x4680]  }
0x164: {  	v56 =	vmul.f32 v51, v9;
	v0 =	vadd.f32 v54, v0  }
0x165: {  	v57 =	vld [tilespmem:s28+$0x4700]  }
0x166: {  	v58 =	vmul.f32 v53, v10;
	v0 =	vadd.f32 v56, v0  }
0x167: {  	v59 =	vld [tilespmem:s28+$0x4780]  }
0x168: {  	v60 =	vmul.f32 v55, v11;
	v0 =	vadd.f32 v58, v0  }
0x169: {  	v61 =	vld [tilespmem:s28+$0x4800]  }
0x16a: {  	v62 =	vmul.f32 v57, v12;
	v0 =	vadd.f32 v60, v0  }
0x16b: {  	v63 =	vld [tilespmem:s28+$0x4880]  }
0x16c: {  	v8 =	vmul.f32 v59, v13;
	v0 =	vadd.f32 v62, v0  }
0x16d: {  	v9 =	vld [tilespmem:s28+$0x4900]  }
0x16e: {  	v10 =	vmul.f32 v61, v14;
	v0 =	vadd.f32 v8, v0  }
0x16f: {  	v11 =	vld [tilespmem:s28+$0x4980]  }
0x170: {  	v12 =	vmul.f32 v63, v15;
	v0 =	vadd.f32 v10, v0  }
0x171: {  	v13 =	vld [tilespmem:s28+$0x4A00]  }
0x172: {  	v14 =	vmul.f32 v9, v16;
	v0 =	vadd.f32 v12, v0  }
0x173: {  	v15 =	vld [tilespmem:s28+$0x4A80]  }
0x174: {  	v16 =	vmul.f32 v11, v17;
	v0 =	vadd.f32 v14, v0  }
0x175: {  	v17 =	vld [tilespmem:s28+$0x4B00]  }
0x176: {  	v33 =	vmul.f32 v13, v18;
	v0 =	vadd.f32 v16, v0  }
0x177: {  	v35 =	vld [tilespmem:s28+$0x4B80]  }
0x178: {  	v36 =	vmul.f32 v15, v19;
	v0 =	vadd.f32 v33, v0  }
0x179: {  	v37 =	vld [tilespmem:s28+$0x4C00]  }
0x17a: {  	v38 =	vmul.f32 v17, v20;
	v0 =	vadd.f32 v36, v0  }
0x17b: {  	v39 =	vld [tilespmem:s28+$0x4C80]  }
0x17c: {  	v40 =	vmul.f32 v35, v21;
	v0 =	vadd.f32 v38, v0  }
0x17d: {  	v41 =	vld [tilespmem:s28+$0x4D00]  }
0x17e: {  	v42 =	vmul.f32 v37, v22;
	v0 =	vadd.f32 v40, v0  }
0x17f: {  	v43 =	vld [tilespmem:s28+$0x4D80]  }
0x180: {  	v44 =	vmul.f32 v39, v23;
	v0 =	vadd.f32 v42, v0  }
0x181: {  	v45 =	vld [tilespmem:s28+$0x4E00]  }
0x182: {  	v46 =	vmul.f32 v41, v24;
	v0 =	vadd.f32 v44, v0  }
0x183: {  	v47 =	vld [tilespmem:s28+$0x4E80]  }
0x184: {  	v48 =	vmul.f32 v43, v25;
	v0 =	vadd.f32 v46, v0  }
0x185: {  	v49 =	vld [tilespmem:s28+$0x4F00]  }
0x186: {  	v50 =	vmul.f32 v45, v26;
	v0 =	vadd.f32 v48, v0  }
0x187: {  	v51 =	vld [tilespmem:s28+$0x4F80]  }
0x188: {  	v52 =	vmul.f32 v47, v27;
	v0 =	vadd.f32 v50, v0  }
0x189: {  	v53 =	vld [tilespmem:s28+$0x5000]  }
0x18a: {  	v54 =	vmul.f32 v49, v28;
	v0 =	vadd.f32 v52, v0  }
0x18b: {  	v55 =	vld [tilespmem:s28+$0x5080]  }
0x18c: {  	v56 =	vmul.f32 v51, v29;
	v0 =	vadd.f32 v54, v0;
	_ =	sdelay $0x1  }
0x18d: {  	v57 =	vmul.f32 v53, v30;
	v0 =	vadd.f32 v56, v0;
	_ =	sdelay $0x1  }
0x18e: {  	v58 =	vmul.f32 v55, v31;
	v0 =	vadd.f32 v57, v0;
	_ =	sdelay $0x1  }
0x18f: {  	v0 =	vadd.f32 v58, v0  }
0x190: {  	s5 =	sand.u32 $0xF, s5  }
0x191: {  	s29 =	sand.u32 $0xF, s6;
	(v2sf) =	vpush v32, $0x0;
	v59 =	vld [tilespmem:s5+$0x5100];
	[tilespmem:$0x5100] =	vst v0  }
0x192: {  	v0 =	vld [tilespmem:s29+$0x5100];
	_ =	sdelay $0x2  }
0x193: {  	(v2sf) =	vpush v34, $0x0  }
0x194: {  	(v2sf) =	vpush v59, $0x0  }
0x195: {  	(v2sf) =	vpush v0, $0x0;
	_ =	sdelay $0x8  }
0x196: {  	s5 =	spop (v2sf)  }
0x197: {  	s6 =	ssub.f32 $0.0e+00, s5  }
0x198: {  	s5 =	simm.s32 @!p0 $0xC1F00000  }
0x199: {  	s5 =	smov.u32 @p2 s6  }
0x19a: {  	vm0 =	vcmask $0x300;
	s6 =	spop (v2sf);
	v60 =	vmov s5  }
0x19b: {  	vm12 =	vcmask $0x704;
	s6 =	simm.s32 @!p0 $0xC1F00000;
	s5 =	spop (v2sf);
	v0 =	vnsel vm0, $0xC1F00000, v60  }
0x19c: {  	vm13 =	vcmask $0xB08;
	s5 =	simm.s32 @!p1 $0xC1F00000;
	v0 =	vsel vm12, s6, v0;
	s7 =	spop (v2sf)  }
0x19d: {  	vm14 =	vcmask $0xF0C;
	v0 =	vsel vm13, s5, v0;
	s7 =	simm.s32 @!p1 $0xC1F00000  }
0x19e: {  	v0 =	vsel vm14, s7, v0  }
0x19f: {  	v61 =	vand.u32 $0x7FFFFFFF, v0  }
0x1a0: {  	v1 =	vsub.f32 $0.0e+00, v61;
	_ =	sdelay $0x1  }
0x1a1: {  	v1 =	vmul.f32 $1.442695020e+00, v1;
	_ =	sdelay $0x1  }
0x1a2: {  	(erf) = vpow2.f32 v1;
	_ =	sdelay $0x8  }
0x1a3: {  	v1 =	vpop (erf)  }
0x1a4: {  	v62 =	vmul.f32 $3.824912480e-03, v1;
	_ =	sdelay $0x1  }
0x1a5: {  	v2 =	vadd.f32 $-2.338164860e-02, v62;
	_ =	sdelay $0x1  }
0x1a6: {  	v2 =	vmul.f32 v2, v1;
	_ =	sdelay $0x1  }
0x1a7: {  	v2 =	vadd.f32 $6.719921530e-02, v2;
	_ =	sdelay $0x1  }
0x1a8: {  	v2 =	vmul.f32 v2, v1;
	_ =	sdelay $0x1  }
0x1a9: {  	v2 =	vadd.f32 $-1.260177340e-01, v2;
	_ =	sdelay $0x1  }
0x1aa: {  	v2 =	vmul.f32 v2, v1;
	_ =	sdelay $0x1  }
0x1ab: {  	v2 =	vadd.f32 $1.851767150e-01, v2;
	_ =	sdelay $0x1  }
0x1ac: {  	v2 =	vmul.f32 v2, v1;
	_ =	sdelay $0x1  }
0x1ad: {  	v2 =	vadd.f32 $-2.465484140e-01, v2;
	_ =	sdelay $0x1  }
0x1ae: {  	v2 =	vmul.f32 v2, v1;
	_ =	sdelay $0x1  }
0x1af: {  	v2 =	vadd.f32 $3.328626750e-01, v2;
	_ =	sdelay $0x1  }
0x1b0: {  	v2 =	vmul.f32 v2, v1;
	_ =	sdelay $0x1  }
0x1b1: {  	v2 =	vadd.f32 $-4.999677840e-01, v2;
	_ =	sdelay $0x1  }
0x1b2: {  	v2 =	vmul.f32 v2, v1;
	_ =	sdelay $0x1  }
0x1b3: {  	v2 =	vadd.f32 $9.999992250e-01, v2  }
0x1b4: {  	v63 =	vlaneseq.u32  }
0x1b5: {  	v3 =	vor.u32 s31, v63;
	v1 =	vmul.f32 v2, v1  }
0x1b6: {  	v0 =	vmax.f32 v0, $0.0e+00  }
0x1b7: {  	v0 =	vadd.f32 v1, v0;
	_ =	sdelay $0x1  }
0x1b8: {  	vm15 =	vmmov $0xffff;
	s30 =	simm.s32 $0x5200;
	s31 =	simm.s32 $0x2;
	[tilespmem:$0x5200] =	vst v0  }
0x1b9: {  	[spmem:s2] =	stream.indirect_vreg.scatter [tilespmem:s30], [sflag:$0x2], $0x1, v3, vm15, $0xb8;
	[tilespmem:$0x5410] =	vst v63  }
0x1ba: {  	_ =	swait.ge [sflag:s31], $0x10  }
0x1bb: {  	[sflag:s31] =	ssyncset.done $0x0  }
0x1bc: {  	[sflag:s31] =	ssyncadd.s32 $0xFFFFFFF0  }
0x1bd: {  	p0 =	sne.s32 s3, $0x0;
	[bflag:$0x0] =	sbarrier.arrive $0xFFFF  }
0x1be: {  	_ =	sfence.sel @p0 $0x180000  }
0x1bf: {  	[bflag:$0x0] =	sbarrier.arrive @p0 $0xFFFF  }
0x1c0: {  	_ =	strace @p0 $0x90000047  }
0x1c1: {  	s3 =	simm.s32 @!p0 $0x5280;
	[bflag:$0x2] =	sbarrier.arrive @p0 $0xFFFF  }
0x1c2: {  	[tilespmem:s3], [sflag:$0x2] =	stream.linear.gather @!p0 [spmem:s2], $0x100, $0x38;
	[tilespmem:$0x5410] =	vst v63  }
0x1c3: {  	s2 =	simm.s32 @!p0 $0x2  }
0x1c4: {  	_ =	swait.ge @!p0 [sflag:s2], $0x100  }
0x1c5: {  	[sflag:s2] =	ssyncset.done @!p0 $0x0  }
0x1c6: {  	[sflag:s2] =	ssyncadd.s32 @!p0 $0xFFFFFF00  }
0x1c7: {  	v0 =	vld @!p0 [tilespmem:$0x5280]  }
0x1c8: {  	v1 =	vld @!p0 [tilespmem:$0x5290];
	_ =	sdelay $0x1  }
0x1c9: {  	v2 =	vld @!p0 [tilespmem:$0x52A0];
	_ =	sdelay $0x1  }
0x1ca: {  	v3 =	vld @!p0 [tilespmem:$0x52B0]  }
0x1cb: {  	v0 =	vadd.f32 @!p0 v1, v0  }
0x1cc: {  	v1 =	vld @!p0 [tilespmem:$0x52C0]  }
0x1cd: {  	v0 =	vadd.f32 @!p0 v2, v0  }
0x1ce: {  	v2 =	vld @!p0 [tilespmem:$0x52D0]  }
0x1cf: {  	v0 =	vadd.f32 @!p0 v3, v0  }
0x1d0: {  	v3 =	vld @!p0 [tilespmem:$0x52E0]  }
0x1d1: {  	v0 =	vadd.f32 @!p0 v1, v0  }
0x1d2: {  	v1 =	vld @!p0 [tilespmem:$0x52F0]  }
0x1d3: {  	v0 =	vadd.f32 @!p0 v2, v0  }
0x1d4: {  	v2 =	vld @!p0 [tilespmem:$0x5300]  }
0x1d5: {  	v0 =	vadd.f32 @!p0 v3, v0  }
0x1d6: {  	v3 =	vld @!p0 [tilespmem:$0x5310]  }
0x1d7: {  	v0 =	vadd.f32 @!p0 v1, v0  }
0x1d8: {  	v1 =	vld @!p0 [tilespmem:$0x5320]  }
0x1d9: {  	v0 =	vadd.f32 @!p0 v2, v0  }
0x1da: {  	v2 =	vld @!p0 [tilespmem:$0x5330]  }
0x1db: {  	v0 =	vadd.f32 @!p0 v3, v0  }
0x1dc: {  	v3 =	vld @!p0 [tilespmem:$0x5340]  }
0x1dd: {  	v0 =	vadd.f32 @!p0 v1, v0  }
0x1de: {  	v1 =	vld @!p0 [tilespmem:$0x5350]  }
0x1df: {  	v0 =	vadd.f32 @!p0 v2, v0  }
0x1e0: {  	v2 =	vld @!p0 [tilespmem:$0x5360]  }
0x1e1: {  	v0 =	vadd.f32 @!p0 v3, v0  }
0x1e2: {  	v3 =	vld @!p0 [tilespmem:$0x5370]  }
0x1e3: {  	v0 =	vadd.f32 @!p0 v1, v0;
	_ =	sdelay $0x1  }
0x1e4: {  	v0 =	vadd.f32 @!p0 v2, v0;
	_ =	sdelay $0x1  }
0x1e5: {  	v0 =	vadd.f32 @!p0 v3, v0;
	_ =	sdelay $0x1  }
0x1e6: {  	[tilespmem:$0x5180] =	vst @!p0 v0  }
0x1e7: {  	v1 =	vld @!p0 [tilespmem:$0x5188];
	_ =	sdelay $0x4  }
0x1e8: {  	v0 =	vadd.f32 @!p0 v1, v0;
	_ =	sdelay $0x1  }
0x1e9: {  	[tilespmem:$0x5180] =	vst @!p0 v0  }
0x1ea: {  	v1 =	vld @!p0 [tilespmem:$0x5184];
	_ =	sdelay $0x4  }
0x1eb: {  	v0 =	vadd.f32 @!p0 v1, v0;
	_ =	sdelay $0x1  }
0x1ec: {  	[tilespmem:$0x5180] =	vst @!p0 v0  }
0x1ed: {  	v1 =	vld @!p0 [tilespmem:$0x5182];
	_ =	sdelay $0x4  }
0x1ee: {  	v0 =	vadd.f32 @!p0 v1, v0;
	_ =	sdelay $0x1  }
0x1ef: {  	[tilespmem:$0x5180] =	vst @!p0 v0  }
0x1f0: {  	v1 =	vld @!p0 [tilespmem:$0x5181];
	_ =	sdelay $0x4  }
0x1f1: {  	v0 =	vadd.f32 @!p0 v1, v0;
	_ =	sdelay $0x1  }
0x1f2: {  	s4 =	simm.s32 @!p0 $0x5380;
	s3 =	simm.s32 @!p0 $0x0;
	[tilespmem:$0x5380] =	vst @!p0 v0  }
0x1f3: {  	[hbm4b:s1+s3] =	stream.linear.scatter @!p0 [tilespmem:s4], [sflag:$0x2], $0x80, $0x38;
	[tilespmem:$0x5410] =	vst v63  }
0x1f4: {  	_ =	swait.ge @!p0 [sflag:s2], $0x80  }
0x1f5: {  	[sflag:s2] =	ssyncset.done @!p0 $0x0  }
0x1f6: {  	[sflag:s2] =	ssyncadd.s32 @!p0 $0xFFFFFF80  }
0x1f7: {  	_ =	sfence.sel @!p0 $0x180000  }
0x1f8: {  	[bflag:$0x0] =	sbarrier.arrive @!p0 $0xFFFF  }
0x1f9: {  	_ =	strace @!p0 $0x90000047  }
0x1fa: {  	s0 =	sadd.s32 @!p0 $0x100000, s0;
	[bflag:$0x2] =	sbarrier.arrive @!p0 $0xFFFF  }
0x1fb: {  	[sflag:s0] =	ssyncadd.tile.s32 @!p0 $0x1;
	_ =	shalt  }
.Lfunc_end2:
_tile_overlayer_lowered:
.L_overlay_start_2:
0x1fc: {  	(tag) =	ssettag $0x2  }
0x1fd: {  	s0 =	rddreg [dreg:$0x0];
	s2 =	stileid.u32  }
0x1fe: {  	s1 =	rddreg [dreg:$0x1];
	p0 =	sne.s32 s2, $0x0  }
0x1ff: {  	s3 =	rddreg [dreg:$0x2];
	[bflag:$0x3] =	sbarrier.arrive $0xFFFF;
	s2 =	simm.s32 @!p0 $0x1C02  }
0x200: {  	[timem:s3], [sflag:s2] =	dma.local @!p0 [hbm:s0], s1  }
0x201: {  	s0 =	simm.s32 @!p0 $0x2  }
0x202: {  	_ =	swait.ge @!p0 [sflag:s0], s1  }
0x203: {  	s1 =	ssub.s32 @!p0 $0x0, s1;
	[sflag:s0] =	ssyncset.done @!p0 $0x0  }
0x204: {  	[sflag:s0] =	ssyncadd.s32 @!p0 s1  }
0x205: {  	[bflag:$0x3] =	sbarrier.arrive $0xFFFF  }
0x206: {  	_ =	shalt  }

</sc_bundles>
